<compile_context>
chip_gen: v7x
topology: tpu7x:2x2x1
jax: 0.10.2.dev20260603
libtpu: 0.0.44.dev20260713+nightly
codegen_flags: <defaults>
</compile_context>

<pallas_src>
import functools

import numpy as np
import jax
import jax.numpy as jnp
from jax import lax
from jax.experimental import pallas as pl
from jax.experimental.pallas import tpu as pltpu
from jax.experimental.pallas import tpu_sc as plsc

B, H, W = 8, 160, 160
HW = H * W
P = 91
PPAD = 128
K = 1000
KPAD = 1024
NOBJ = 200
KPTS = 68
IOU_THR = 0.5
NEG = -3.0e38

_INTERPRET = False


def _peak_kernel(hm_ref, out_ref):
    m = hm_ref[0]
    ninf = jnp.full((1, W), -jnp.inf, jnp.float32)
    up = jnp.concatenate([m[1:], ninf], axis=0)
    dn = jnp.concatenate([ninf, m[:-1]], axis=0)
    rmax = jnp.maximum(m, jnp.maximum(up, dn))
    ninfc = jnp.full((H, 1), -jnp.inf, jnp.float32)
    lf = jnp.concatenate([rmax[:, 1:], ninfc], axis=1)
    rt = jnp.concatenate([ninfc, rmax[:, :-1]], axis=1)
    hmax = jnp.maximum(rmax, jnp.maximum(lf, rt))
    out_ref[0] = jnp.where(hmax == m, m, 0.0)


def _peak_call(hm):
    return pl.pallas_call(
        _peak_kernel,
        grid=(B,),
        in_specs=[pl.BlockSpec((1, H, W), lambda b: (b, 0, 0))],
        out_specs=pl.BlockSpec((1, H, W), lambda b: (b, 0, 0)),
        out_shape=jax.ShapeDtypeStruct((B, H, W), jnp.float32),
        interpret=_INTERPRET,
    )(hm)


def _search_kernel(keep_ref, tq_ref):
    keys = lax.bitcast_convert_type(keep_ref[...], jnp.int32)

    def body(_, carry):
        lo, hi = carry
        mid = lo + ((hi - lo + 1) >> 1)
        cnt = jnp.sum((keys >= mid).astype(jnp.int32), axis=1, keepdims=True)
        ge = cnt >= K
        return jnp.where(ge, mid, lo), jnp.where(ge, hi, mid - 1)

    lo0 = jnp.zeros((B, 1), jnp.int32)
    hi0 = jnp.full((B, 1), 0x7F800000, jnp.int32)
    t, _ = lax.fori_loop(0, 31, body, (lo0, hi0))
    cnt_gt = jnp.sum((keys > t).astype(jnp.int32), axis=1, keepdims=True)
    quota = K - cnt_gt
    lane = lax.broadcasted_iota(jnp.int32, (B, 128), 1)
    tq_ref[...] = jnp.where(lane < 16, t, jnp.where(lane < 32, quota, 0))


def _search_call(keep_flat):
    return pl.pallas_call(
        _search_kernel,
        in_specs=[pl.BlockSpec((B, HW), lambda: (0, 0))],
        out_specs=pl.BlockSpec((B, 128), lambda: (0, 0)),
        out_shape=jax.ShapeDtypeStruct((B, 128), jnp.int32),
        interpret=_INTERPRET,
    )(keep_flat)


def _compact_kernel(keep_hbm, tq_hbm, pms_hbm, idx_out, score_out, params_out,
                    keys_v, tqt_v, tqq_v, idxbuf, scorebuf, paramsv, sem):
    cid = lax.axis_index("c")
    sid = lax.axis_index("s")
    wid = sid * 2 + cid

    @pl.when(wid < B)
    def _():
        b = wid
        pltpu.sync_copy(keep_hbm.at[b], keys_v)
        pltpu.sync_copy(tq_hbm.at[b, pl.ds(0, 16)], tqt_v)
        pltpu.sync_copy(tq_hbm.at[b, pl.ds(16, 16)], tqq_v)
        t_vec = tqt_v[...]
        q_vec = tqq_v[...]
        cntgt_vec = K - q_vec
        cntgt = jnp.sum(cntgt_vec) // 16
        lane = lax.iota(jnp.int32, 16)

        def body(i, carry):
            ngt, neq = carry
            v = keys_v[pl.ds(i * 16, 16)]
            kk = plsc.bitcast(v, jnp.int32)
            mgt = kk > t_vec
            meq = kk == t_vec
            flat = lane + i * 16
            sgt = jnp.sum(plsc.all_reduce_population_count(mgt)) // 16

            @pl.when(sgt > 0)
            def _():
                plsc.store_compressed(idxbuf.at[pl.ds(ngt, 16)], flat, mask=mgt)
                plsc.store_compressed(scorebuf.at[pl.ds(ngt, 16)], v, mask=mgt)

            pre = plsc.cumsum(meq.astype(jnp.int32))
            take = meq & ((neq + pre) <= q_vec)
            seq = jnp.sum(plsc.all_reduce_population_count(take)) // 16

            @pl.when(seq > 0)
            def _():
                off = cntgt + neq
                plsc.store_compressed(idxbuf.at[pl.ds(off, 16)], flat, mask=take)
                plsc.store_compressed(scorebuf.at[pl.ds(off, 16)], v, mask=take)

            return ngt + sgt, neq + seq

        lax.fori_loop(0, HW // 16, body, (jnp.int32(0), jnp.int32(0)))

        zl = jnp.zeros((16,), jnp.int32)
        zf = jnp.zeros((16,), jnp.float32)
        for off in (K, K + 8):
            idxbuf[pl.ds(off, 16)] = zl
            scorebuf[pl.ds(off, 16)] = zf
        pms_b = pms_hbm.at[b]
        for half in range(2):
            copies = [
                pltpu.async_copy(
                    pms_b.at[idxbuf.at[pl.ds(half * 512 + j * 128, 128)]],
                    paramsv.at[pl.ds(j * 128, 128)], sem)
                for j in range(4)
            ]
            for cp in copies:
                cp.wait()
            pltpu.sync_copy(paramsv, params_out.at[b, pl.ds(half * 512, 512)])
        pltpu.sync_copy(idxbuf.at[pl.ds(0, KPAD)], idx_out.at[b])
        pltpu.sync_copy(scorebuf.at[pl.ds(0, KPAD)], score_out.at[b])


def _compact_call(keep_flat, tq, pms_flat):
    mesh = plsc.VectorSubcoreMesh(core_axis_name="c", subcore_axis_name="s",
                                  num_cores=2, num_subcores=16)
    f = functools.partial(
        pl.kernel,
        out_type=[
            jax.ShapeDtypeStruct((B, KPAD), jnp.int32),
            jax.ShapeDtypeStruct((B, KPAD), jnp.float32),
            jax.ShapeDtypeStruct((B, KPAD, PPAD), jnp.float32),
        ],
        mesh=mesh,
        scratch_types=[
            pltpu.VMEM((HW,), jnp.float32),
            pltpu.VMEM((16,), jnp.int32),
            pltpu.VMEM((16,), jnp.int32),
            pltpu.VMEM((KPAD + 16,), jnp.int32),
            pltpu.VMEM((KPAD + 16,), jnp.float32),
            pltpu.VMEM((512, PPAD), jnp.float32),
            pltpu.SemaphoreType.DMA,
        ],
        compiler_params=pltpu.CompilerParams(needs_layout_passes=False,
                                             use_tc_tiling_on_sc=False),
        interpret=_INTERPRET,
    )
    return f(_compact_kernel)(keep_flat, tq, pms_flat)


def _decode_kernel(params_ref, idx_ref, score_ref, ratio_ref,
                   mbig_ref, f_refs, l0_ref, l1_ref):
    p = params_ref[0][:, :P]
    pa = jnp.concatenate([p, jnp.ones((KPAD, 1), jnp.float32)], axis=1)
    m = lax.dot_general(mbig_ref[...], pa, (((1,), (1,)), ((), ())),
                        precision=lax.Precision.HIGHEST,
                        preferred_element_type=jnp.float32)
    s_row = m[0:1]
    r00, r01, r02 = m[1:2], m[2:3], m[3:4]
    r10, r11, r12 = m[4:5], m[5:6], m[6:7]
    r20, r21, r22 = m[7:8], m[8:9], m[9:10]
    v0 = m[10:10 + KPTS]
    v1 = m[10 + KPTS:10 + 2 * KPTS]
    v2 = m[10 + 2 * KPTS:10 + 3 * KPTS]
    xc = s_row * (v0 * r00 + v1 * r01 + v2 * r02)
    yc = s_row * (v0 * r10 + v1 * r11 + v2 * r12)
    idxv = idx_ref[0]
    bb = pl.program_id(0)
    ys = (idxv // W).astype(jnp.float32) * ratio_ref[bb, 0]
    xs = (idxv % W).astype(jnp.float32) * ratio_ref[bb, 1]
    ln0 = yc + ys
    ln1 = xc + xs
    tl0 = jnp.min(ln0, axis=0, keepdims=True)
    tl1 = jnp.min(ln1, axis=0, keepdims=True)
    br0 = jnp.max(ln0, axis=0, keepdims=True)
    br1 = jnp.max(ln1, axis=0, keepdims=True)
    area = (br0 - tl0) * (br1 - tl1)
    score = score_ref[0]
    fields = [tl0, tl1, br0, br1, area, score, r20, r21, r22, r10, r00]
    for ref, val in zip(f_refs, fields):
        ref[0] = val
    l0_ref[0] = ln0
    l1_ref[0] = ln1


def _decode_call(params, idx3, score3, ratio, mbig):
    nf = 11
    out_shape = ([jax.ShapeDtypeStruct((B, 1, KPAD), jnp.float32)] * nf
                 + [jax.ShapeDtypeStruct((B, KPTS, KPAD), jnp.float32)] * 2)
    row_spec = pl.BlockSpec((1, 1, KPAD), lambda b: (b, 0, 0))
    outs = pl.pallas_call(
        lambda pr, ir, sr, rr, mr, *os: _decode_kernel(
            pr, ir, sr, rr, mr, os[:nf], os[nf], os[nf + 1]),
        grid=(B,),
        in_specs=[
            pl.BlockSpec((1, KPAD, PPAD), lambda b: (b, 0, 0)),
            pl.BlockSpec((1, 1, KPAD), lambda b: (b, 0, 0)),
            pl.BlockSpec((1, 1, KPAD), lambda b: (b, 0, 0)),
            pl.BlockSpec(memory_space=pltpu.SMEM, block_shape=(B, 2),
                         index_map=lambda b: (0, 0)),
            pl.BlockSpec((214, P + 1), lambda b: (0, 0)),
        ],
        out_specs=[row_spec] * nf + [
            pl.BlockSpec((1, KPTS, KPAD), lambda b: (b, 0, 0))] * 2,
        out_shape=out_shape,
        interpret=_INTERPRET,
    )(params, idx3, score3, ratio, mbig)
    return outs[:nf], outs[nf], outs[nf + 1]


def _nms_kernel(tl0_ref, tl1_ref, br0_ref, br1_ref, area_ref, score_ref,
                r20_ref, r21_ref, r22_ref, r10_ref, r00_ref,
                l0_ref, l1_ref,
                self_ref, sl0_ref, sl1_ref, pose_ref, oh_ref):
    lane = lax.broadcasted_iota(jnp.int32, (B, KPAD), 1)
    score = score_ref[...]
    tl0 = tl0_ref[...]
    tl1 = tl1_ref[...]
    br0 = br0_ref[...]
    br1 = br1_ref[...]
    area = area_ref[...]
    work0 = jnp.where(lane < K, score, NEG)
    m0 = jnp.max(work0, axis=1, keepdims=True)
    best0 = jnp.min(jnp.where(work0 == m0, lane, KPAD), axis=1, keepdims=True)

    def step(r, work):
        m = jnp.max(work, axis=1, keepdims=True)
        alive = m > (0.5 * NEG)
        bm = jnp.where(work == m, lane, KPAD)
        best = jnp.min(bm, axis=1, keepdims=True)
        best = jnp.where(alive, best, best0)
        oh = lane == best
        ohf = oh.astype(jnp.float32)
        oh_ref[r] = ohf

        def ext(f):
            return jnp.sum(jnp.where(oh, f, 0.0), axis=1, keepdims=True)

        btl0, btl1, bbr0, bbr1, barea = (
            ext(tl0), ext(tl1), ext(br0), ext(br1), ext(area))
        yy1 = jnp.maximum(btl0, tl0)
        xx1 = jnp.maximum(btl1, tl1)
        yy2 = jnp.minimum(bbr0, br0)
        xx2 = jnp.minimum(bbr1, br1)
        inter = jnp.maximum(yy2 - yy1, 0.0) * jnp.maximum(xx2 - xx1, 0.0)
        iou = inter / (barea + area - inter + 1e-8)
        sup = (iou > IOU_THR) | oh
        return jnp.where(sup, NEG, work)

    lax.fori_loop(0, NOBJ, step, work0)

    deg = jnp.float32(180.0 / np.pi)
    for b in range(B):
        ohb = oh_ref[:, b]
        dn = (((1,), (1,)), ((), ()))
        sl0 = lax.dot_general(ohb, l0_ref[b], dn,
                              precision=lax.Precision.HIGHEST,
                              preferred_element_type=jnp.float32)
        sl1 = lax.dot_general(ohb, l1_ref[b], dn,
                              precision=lax.Precision.HIGHEST,
                              preferred_element_type=jnp.float32)
        sl0_ref[b] = sl0
        sl1_ref[b] = sl1
        fstack = jnp.concatenate(
            [tl0_ref[b:b + 1], tl1_ref[b:b + 1], br0_ref[b:b + 1],
             br1_ref[b:b + 1], score_ref[b:b + 1],
             r20_ref[b:b + 1], r21_ref[b:b + 1], r22_ref[b:b + 1],
             r10_ref[b:b + 1], r00_ref[b:b + 1],
             jnp.zeros((6, KPAD), jnp.float32)], axis=0)
        fs = lax.dot_general(ohb, fstack, dn,
                             precision=lax.Precision.HIGHEST,
                             preferred_element_type=jnp.float32)
        self_ref[b] = fs
        sy = jnp.clip(-fs[:, 5:6], -0.999, 0.999)
        yaw = jnp.arctan2(sy, jnp.sqrt(1.0 - sy * sy)) * deg
        cy = jnp.cos(yaw)
        cy = jnp.where(jnp.abs(cy) < 1e-6, 1e-6, cy)
        pitch = jnp.arctan2(fs[:, 6:7] / cy, fs[:, 7:8] / cy) * deg
        roll = jnp.arctan2(fs[:, 8:9] / cy, fs[:, 9:10] / cy) * deg
        pose_ref[b] = jnp.concatenate(
            [pitch, yaw, roll, jnp.zeros((NOBJ, 13), jnp.float32)], axis=1)


def _nms_call(frows, l0, l1):
    full2 = pl.BlockSpec((B, KPAD), lambda: (0, 0))
    full3 = pl.BlockSpec((B, KPTS, KPAD), lambda: (0, 0, 0))
    out_shape = [
        jax.ShapeDtypeStruct((B, NOBJ, 16), jnp.float32),
        jax.ShapeDtypeStruct((B, NOBJ, KPTS), jnp.float32),
        jax.ShapeDtypeStruct((B, NOBJ, KPTS), jnp.float32),
        jax.ShapeDtypeStruct((B, NOBJ, 16), jnp.float32),
    ]
    return pl.pallas_call(
        _nms_kernel,
        in_specs=[full2] * 11 + [full3] * 2,
        out_specs=[
            pl.BlockSpec((B, NOBJ, 16), lambda: (0, 0, 0)),
            pl.BlockSpec((B, NOBJ, KPTS), lambda: (0, 0, 0)),
            pl.BlockSpec((B, NOBJ, KPTS), lambda: (0, 0, 0)),
            pl.BlockSpec((B, NOBJ, 16), lambda: (0, 0, 0)),
        ],
        out_shape=out_shape,
        scratch_shapes=[pltpu.VMEM((NOBJ, B, KPAD), jnp.float32)],
        interpret=_INTERPRET,
    )(*frows, l0, l1)


def _build_mbig(pms_stats, u_base, shp_base, exp_base):
    mean, std = pms_stats[0], pms_stats[1]
    basis = jnp.concatenate([shp_base, exp_base], axis=1)
    rows = []
    sel_cols = [0, 1, 2, 3, 5, 6, 7, 9, 10, 11]
    eye = jnp.eye(P, dtype=jnp.float32)
    for c in sel_cols:
        row = jnp.concatenate([eye[c] * std[c],
                               jnp.array([mean[c]], jnp.float32)])
        rows.append(row)
    sel_part = jnp.stack(rows)
    vrows = []
    for j in range(3):
        bj = basis[j::3]
        wj = bj * std[12:]
        bias = bj @ mean[12:] + u_base[j::3, 0]
        left = jnp.zeros((KPTS, 12), jnp.float32)
        vrows.append(jnp.concatenate([left, wj, bias[:, None]], axis=1))
    return jnp.concatenate([sel_part] + vrows, axis=0)


def kernel(hms, pms_map, origin_shapes, pms_stats, u_base, shp_base, exp_base):
    hm = hms[..., 0]
    keep = _peak_call(hm)
    keep_flat = keep.reshape(B, HW)
    tq = _search_call(keep_flat)
    pms_pad = jnp.pad(pms_map.reshape(B, HW, P), ((0, 0), (0, 0), (0, PPAD - P)))
    idx, score, params = _compact_call(keep_flat, tq, pms_pad)
    ratio = origin_shapes / jnp.array([float(H), float(W)], jnp.float32)
    mbig = _build_mbig(pms_stats, u_base, shp_base, exp_base)
    idx3 = idx[:, None, :]
    score3 = score[:, None, :]
    frows, l0, l1 = _decode_call(params, idx3, score3, ratio, mbig)
    frows2 = [f.reshape(B, KPAD) for f in frows]
    self_, sl0, sl1, pose16 = _nms_call(frows2, l0, l1)
    out_bboxes = jnp.concatenate(
        [self_[:, :, 0:5], jnp.zeros((B, NOBJ, 1), jnp.float32)], axis=-1)
    out_lnmks = jnp.stack([sl0, sl1], axis=-1)
    pose = pose16[:, :, 0:3]
    return out_bboxes, out_lnmks, pose

# --- scband reference (transcript-rebuilt; emitter-appended) ---
"""Pipeline reference for scband-tdmmpost-model-33990371180742 (READ-ONLY COPY).

The authoritative reference and input builder live on the scoring server;
editing this copy changes nothing except your own understanding.
"""

import jax, jax.numpy as jnp
import numpy as np

B, H, W, C = 8, 160, 160, 1
N_S, N_RT, N_SHP, N_EXP = 1, 11, 50, 29
P = N_S + N_RT + N_SHP + N_EXP
TOP_K = 1000
N_OBJS = 200
IOU_THR = 0.5
KPTS = 68
RESIZE = np.array([160.0, 160.0], dtype=np.float32)


def setup_inputs(seed: int = 0):
    key = jax.random.key(seed)
    ks = jax.random.split(key, 7)
    hms = jax.random.uniform(ks[0], (B, H, W, C), dtype=jnp.float32)
    pms_map = jax.random.normal(ks[1], (B, H, W, P), dtype=jnp.float32) * 0.1
    origin_shapes = jnp.tile(jnp.array([[720.0, 1280.0]], dtype=jnp.float32), (B, 1))
    mean = jax.random.normal(ks[2], (1, P), dtype=jnp.float32) * 0.01
    std = jax.random.uniform(ks[3], (1, P), dtype=jnp.float32, minval=0.5, maxval=1.5)
    pms_stats = jnp.concatenate([mean, std], axis=0)
    u_base = jax.random.normal(ks[4], (KPTS * 3, 1), dtype=jnp.float32) * 50.0
    shp_base = jax.random.normal(ks[5], (KPTS * 3, N_SHP), dtype=jnp.float32) * 5.0
    exp_base = jax.random.normal(ks[6], (KPTS * 3, N_EXP), dtype=jnp.float32) * 2.0
    return {"hms": hms, "pms_map": pms_map, "origin_shapes": origin_shapes,
            "pms_stats": pms_stats, "u_base": u_base, "shp_base": shp_base, "exp_base": exp_base}


def _nms_single(boxes, scores):
    n = boxes.shape[0]
    area = (boxes[:, 2] - boxes[:, 0]) * (boxes[:, 3] - boxes[:, 1])
    idxs = jnp.arange(n)

    def step(work, _):
        best = jnp.argmax(work)
        bb = boxes[best]
        yy1 = jnp.maximum(bb[0], boxes[:, 0])
        xx1 = jnp.maximum(bb[1], boxes[:, 1])
        yy2 = jnp.minimum(bb[2], boxes[:, 2])
        xx2 = jnp.minimum(bb[3], boxes[:, 3])
        inter = jnp.maximum(yy2 - yy1, 0.0) * jnp.maximum(xx2 - xx1, 0.0)
        iou = inter / (area[best] + area - inter + 1e-8)
        sup = (iou > IOU_THR) | (idxs == best)
        work = jnp.where(sup, -jnp.inf, work)
        return work, best.astype(jnp.int32)

    _, sel = jax.lax.scan(step, scores, None, length=N_OBJS)
    return sel


def reference(hms, pms_map, origin_shapes, pms_stats, u_base, shp_base, exp_base):
    resize_ratio = origin_shapes / jnp.asarray(RESIZE)
    # peak-keeping max pool (Base.apply_max_pool)
    hmax = jax.lax.reduce_window(hms, -jnp.inf, jax.lax.max, (1, 3, 3, 1), (1, 1, 1, 1), "SAME")
    keep = jnp.where(hmax == hms, hms, 0.0)
    # per-class top-k locations (Base.top_k_loc)
    flat = jnp.transpose(keep, (0, 3, 1, 2)).reshape(B, C, H * W)
    topv, topi = jax.lax.top_k(flat, TOP_K)
    ys = topi // W
    xs = topi % W
    bidx = jnp.broadcast_to(jnp.arange(B)[:, None, None], (B, C, TOP_K))
    N = C * TOP_K
    b_params = pms_map[bidx, ys, xs].reshape(B, N, P)   # gather_nd
    b_scores = topv.reshape(B, N, 1)                     # gather_nd on hms
    b_coors = jnp.stack([ys, xs], axis=-1).reshape(B, N, 2)
    # denormalize params
    b_params = b_params * pms_stats[1] + pms_stats[0]
    b_s = b_params[..., :N_S]
    b_Rt = b_params[..., N_S:N_S + N_RT]
    b_shp = b_params[..., N_S + N_RT:N_S + N_RT + N_SHP]
    b_exp = b_params[..., N_S + N_RT + N_SHP:]
    vertices = u_base[:, 0] + jnp.einsum("vd,bnd->bnv", shp_base, b_shp) + jnp.einsum("vd,bnd->bnv", exp_base, b_exp)
    vertices = vertices.reshape(B, N, KPTS, 3)
    b_Rt = jnp.concatenate([b_Rt, jnp.ones((B, N, 1), dtype=b_Rt.dtype)], axis=-1).reshape(B, N, 3, 4)
    b_R = b_Rt[..., :3]
    b_lnmks = b_s[..., None] * jnp.matmul(vertices, jnp.swapaxes(b_R, -1, -2))
    coors_f = b_coors.astype(jnp.float32) * resize_ratio[:, None, :]
    coors_f = coors_f[..., ::-1]
    b_lnmks2 = (b_lnmks[..., :2] + coors_f[:, :, None, :])[..., ::-1]
    b_tls = jnp.min(b_lnmks2, axis=2)
    b_brs = jnp.max(b_lnmks2, axis=2)
    b_bboxes = jnp.concatenate([b_tls, b_brs, b_scores], axis=-1)  # [B, N, 5]
    # greedy NMS (single class), select N_OBJS boxes per image
    sel = jax.vmap(_nms_single)(b_bboxes[..., :4], b_bboxes[..., 4])
    bidx2 = jnp.arange(B)[:, None]
    sel_boxes = b_bboxes[bidx2, sel]
    classes = jnp.zeros((B, N_OBJS, 1), dtype=jnp.float32)
    out_bboxes = jnp.concatenate([sel_boxes, classes], axis=-1)   # [B, N_OBJS, 6]
    out_lnmks = b_lnmks2[bidx2, sel]                               # [B, N_OBJS, 68, 2]
    # pose from rotation of selected detections (faithful to degrees-in-cos quirk)
    R_sel = b_R[bidx2, sel]
    sy = jnp.clip(-R_sel[..., 2, 0], -0.999, 0.999)
    yaw = jnp.arcsin(sy) * (180.0 / np.pi)
    cy = jnp.cos(yaw)
    cy = jnp.where(jnp.abs(cy) < 1e-6, 1e-6, cy)
    pitch = jnp.arctan2(R_sel[..., 2, 1] / cy, R_sel[..., 2, 2] / cy) * (180.0 / np.pi)
    roll = jnp.arctan2(R_sel[..., 1, 0] / cy, R_sel[..., 0, 0] / cy) * (180.0 / np.pi)
    pose = jnp.stack([pitch, yaw, roll], axis=-1)                  # [B, N_OBJS, 3]
    return out_bboxes, out_lnmks, pose

if __name__ == "__main__":
    import jax
    _d = setup_inputs()
    print(jax.jit(kernel)(*tuple(_d.values())))

</pallas_src>

<mosaic_0001>
#map = affine_map<(d0, d1) -> (0, 0)>
#map1 = affine_map<(d0, d1) -> (0, 0, 0)>
module attributes {stable_mosaic.version = 14 : i64} {
  func.func @_compact_kernel(%arg0: i32, %arg1: i32, %arg2: memref<8x25600xf32, #tpu.memory_space<hbm>>, %arg3: memref<8x128xi32, #tpu.memory_space<hbm>>, %arg4: memref<8x25600x128xf32, #tpu.memory_space<hbm>>, %arg5: memref<8x1024xi32, #tpu.memory_space<hbm>>, %arg6: memref<8x1024xf32, #tpu.memory_space<hbm>>, %arg7: memref<8x1024x128xf32, #tpu.memory_space<hbm>>, %arg8: memref<25600xf32, #tpu.memory_space<vmem>>, %arg9: memref<16xi32, #tpu.memory_space<vmem>>, %arg10: memref<16xi32, #tpu.memory_space<vmem>>, %arg11: memref<1040xi32, #tpu.memory_space<vmem>>, %arg12: memref<1040xf32, #tpu.memory_space<vmem>>, %arg13: memref<512x128xf32, #tpu.memory_space<vmem>>, %arg14: memref<!tpu.dma_semaphore, #tpu.memory_space<semaphore_mem>>) attributes {dimension_semantics = [#tpu.dimension_semantics<core_parallel>, #tpu.dimension_semantics<subcore_parallel>], iteration_bounds = array<i64: 2, 16>, scalar_prefetch = 0 : i64, scratch_operands = 7 : i64, tpu.core_type = #tpu.core_type<sc_vector_subcore>, window_params = [{transform_indices = #map}, {transform_indices = #map}, {transform_indices = #map1}, {transform_indices = #map}, {transform_indices = #map}, {transform_indices = #map1}]} {
    %mul3A = arith.constant 2 : i32
    %mul3A_0 = arith.muli %arg1, %mul3A : i32
    %add3A = arith.addi %mul3A_0, %arg0 : i32
    %lt3A = arith.constant 8 : i32
    %lt3A_1 = arith.cmpi slt, %add3A, %lt3A : i32
    %convert_element_type3A = arith.extui %lt3A_1 : i1 to i32
    %cond3A = arith.constant 0 : i32
    %cond3A_2 = arith.cmpi ne, %convert_element_type3A, %cond3A : i32
    scf.if %cond3A_2 {
      "tpu.region"() ({
        %run_scoped3A = tpu.sem_alloc : memref<!tpu.dma_semaphore, #tpu.memory_space<semaphore_mem>>
        %dma_start3A_235 = arith.constant 0 : i32
        %dma_start3A_236 = tpu.memref_slice %arg2[%add3A, %dma_start3A_235] : memref<8x25600xf32, #tpu.memory_space<hbm>> -> memref<1x25600xf32, #tpu.memory_space<hbm>>
        %dma_start3A_237 = tpu.memref_squeeze %dma_start3A_236 : memref<1x25600xf32, #tpu.memory_space<hbm>> -> memref<25600xf32, #tpu.memory_space<hbm>>
        %dma_start3A_238 = arith.constant 0 : i32
        %dma_start3A_239 = tpu.memref_slice %arg2[%add3A, %dma_start3A_238] : memref<8x25600xf32, #tpu.memory_space<hbm>> -> memref<1x25600xf32, #tpu.memory_space<hbm>>
        %dma_start3A_240 = tpu.memref_squeeze %dma_start3A_239 : memref<1x25600xf32, #tpu.memory_space<hbm>> -> memref<25600xf32, #tpu.memory_space<hbm>>
        tpu.enqueue_dma source(%dma_start3A_240 : memref<25600xf32, #tpu.memory_space<hbm>>) target(%arg8 : memref<25600xf32, #tpu.memory_space<vmem>>) target_semaphore(%run_scoped3A : memref<!tpu.dma_semaphore, #tpu.memory_space<semaphore_mem>>)
        %dma_wait3A_241 = arith.constant 0 : i32
        %dma_wait3A_242 = tpu.memref_slice %arg2[%add3A, %dma_wait3A_241] : memref<8x25600xf32, #tpu.memory_space<hbm>> -> memref<1x25600xf32, #tpu.memory_space<hbm>>
        %dma_wait3A_243 = tpu.memref_squeeze %dma_wait3A_242 : memref<1x25600xf32, #tpu.memory_space<hbm>> -> memref<25600xf32, #tpu.memory_space<hbm>>
        %dma_wait3A_244 = arith.constant 0 : i32
        %dma_wait3A_245 = tpu.memref_slice %arg2[%add3A, %dma_wait3A_244] : memref<8x25600xf32, #tpu.memory_space<hbm>> -> memref<1x25600xf32, #tpu.memory_space<hbm>>
        %dma_wait3A_246 = tpu.memref_squeeze %dma_wait3A_245 : memref<1x25600xf32, #tpu.memory_space<hbm>> -> memref<25600xf32, #tpu.memory_space<hbm>>
        tpu.wait_dma2 semaphore(%run_scoped3A : memref<!tpu.dma_semaphore, #tpu.memory_space<semaphore_mem>>) src(%dma_wait3A_246 : memref<25600xf32, #tpu.memory_space<hbm>>) dst(%arg8 : memref<25600xf32, #tpu.memory_space<vmem>>)
        tpu.yield
      }) : () -> ()
      "tpu.region"() ({
        %run_scoped3A = tpu.sem_alloc : memref<!tpu.dma_semaphore, #tpu.memory_space<semaphore_mem>>
        %dma_start3A_235 = arith.constant 0 : i32
        %dma_start3A_236 = tpu.memref_slice %arg3[%add3A, %dma_start3A_235] : memref<8x128xi32, #tpu.memory_space<hbm>> -> memref<1x16xi32, #tpu.memory_space<hbm>>
        %dma_start3A_237 = tpu.memref_squeeze %dma_start3A_236 : memref<1x16xi32, #tpu.memory_space<hbm>> -> memref<16xi32, #tpu.memory_space<hbm>>
        %dma_start3A_238 = arith.constant 0 : i32
        %dma_start3A_239 = tpu.memref_slice %arg3[%add3A, %dma_start3A_238] : memref<8x128xi32, #tpu.memory_space<hbm>> -> memref<1x16xi32, #tpu.memory_space<hbm>>
        %dma_start3A_240 = tpu.memref_squeeze %dma_start3A_239 : memref<1x16xi32, #tpu.memory_space<hbm>> -> memref<16xi32, #tpu.memory_space<hbm>>
        tpu.enqueue_dma source(%dma_start3A_240 : memref<16xi32, #tpu.memory_space<hbm>>) target(%arg9 : memref<16xi32, #tpu.memory_space<vmem>>) target_semaphore(%run_scoped3A : memref<!tpu.dma_semaphore, #tpu.memory_space<semaphore_mem>>)
        %dma_wait3A_241 = arith.constant 0 : i32
        %dma_wait3A_242 = tpu.memref_slice %arg3[%add3A, %dma_wait3A_241] : memref<8x128xi32, #tpu.memory_space<hbm>> -> memref<1x16xi32, #tpu.memory_space<hbm>>
        %dma_wait3A_243 = tpu.memref_squeeze %dma_wait3A_242 : memref<1x16xi32, #tpu.memory_space<hbm>> -> memref<16xi32, #tpu.memory_space<hbm>>
        %dma_wait3A_244 = arith.constant 0 : i32
        %dma_wait3A_245 = tpu.memref_slice %arg3[%add3A, %dma_wait3A_244] : memref<8x128xi32, #tpu.memory_space<hbm>> -> memref<1x16xi32, #tpu.memory_space<hbm>>
        %dma_wait3A_246 = tpu.memref_squeeze %dma_wait3A_245 : memref<1x16xi32, #tpu.memory_space<hbm>> -> memref<16xi32, #tpu.memory_space<hbm>>
        tpu.wait_dma2 semaphore(%run_scoped3A : memref<!tpu.dma_semaphore, #tpu.memory_space<semaphore_mem>>) src(%dma_wait3A_246 : memref<16xi32, #tpu.memory_space<hbm>>) dst(%arg9 : memref<16xi32, #tpu.memory_space<vmem>>)
        tpu.yield
      }) : () -> ()
      "tpu.region"() ({
        %run_scoped3A = tpu.sem_alloc : memref<!tpu.dma_semaphore, #tpu.memory_space<semaphore_mem>>
        %dma_start3A_235 = arith.constant 16 : i32
        %dma_start3A_236 = tpu.memref_slice %arg3[%add3A, %dma_start3A_235] : memref<8x128xi32, #tpu.memory_space<hbm>> -> memref<1x16xi32, #tpu.memory_space<hbm>>
        %dma_start3A_237 = tpu.memref_squeeze %dma_start3A_236 : memref<1x16xi32, #tpu.memory_space<hbm>> -> memref<16xi32, #tpu.memory_space<hbm>>
        %dma_start3A_238 = arith.constant 16 : i32
        %dma_start3A_239 = tpu.memref_slice %arg3[%add3A, %dma_start3A_238] : memref<8x128xi32, #tpu.memory_space<hbm>> -> memref<1x16xi32, #tpu.memory_space<hbm>>
        %dma_start3A_240 = tpu.memref_squeeze %dma_start3A_239 : memref<1x16xi32, #tpu.memory_space<hbm>> -> memref<16xi32, #tpu.memory_space<hbm>>
        tpu.enqueue_dma source(%dma_start3A_240 : memref<16xi32, #tpu.memory_space<hbm>>) target(%arg10 : memref<16xi32, #tpu.memory_space<vmem>>) target_semaphore(%run_scoped3A : memref<!tpu.dma_semaphore, #tpu.memory_space<semaphore_mem>>)
        %dma_wait3A_241 = arith.constant 16 : i32
        %dma_wait3A_242 = tpu.memref_slice %arg3[%add3A, %dma_wait3A_241] : memref<8x128xi32, #tpu.memory_space<hbm>> -> memref<1x16xi32, #tpu.memory_space<hbm>>
        %dma_wait3A_243 = tpu.memref_squeeze %dma_wait3A_242 : memref<1x16xi32, #tpu.memory_space<hbm>> -> memref<16xi32, #tpu.memory_space<hbm>>
        %dma_wait3A_244 = arith.constant 16 : i32
        %dma_wait3A_245 = tpu.memref_slice %arg3[%add3A, %dma_wait3A_244] : memref<8x128xi32, #tpu.memory_space<hbm>> -> memref<1x16xi32, #tpu.memory_space<hbm>>
        %dma_wait3A_246 = tpu.memref_squeeze %dma_wait3A_245 : memref<1x16xi32, #tpu.memory_space<hbm>> -> memref<16xi32, #tpu.memory_space<hbm>>
        tpu.wait_dma2 semaphore(%run_scoped3A : memref<!tpu.dma_semaphore, #tpu.memory_space<semaphore_mem>>) src(%dma_wait3A_246 : memref<16xi32, #tpu.memory_space<hbm>>) dst(%arg10 : memref<16xi32, #tpu.memory_space<vmem>>)
        tpu.yield
      }) : () -> ()
      %get3A = arith.constant 0 : index
      %get3A_3 = tpu.vector_load %arg9[%get3A] {strides = array<i32>} : memref<16xi32, #tpu.memory_space<vmem>>, vector<16xi32>,
      %get3A_4 = arith.constant 0 : index
      %get3A_5 = tpu.vector_load %arg10[%get3A_4] {strides = array<i32>} : memref<16xi32, #tpu.memory_space<vmem>>, vector<16xi32>,
      %sub3A = arith.constant 1000 : i32
      %sub3A_6 = vector.broadcast %sub3A : i32 to vector<16xi32>
      %sub3A_7 = arith.subi %sub3A_6, %get3A_5 : vector<16xi32>
      %reduce_sum3A = arith.constant true
      %reduce_sum3A_8 = vector.broadcast %reduce_sum3A : i1 to vector<16xi1>
      %reduce_sum3A_9 = tpu.scan <sum>, %sub3A_7 masked %reduce_sum3A_8 : vector<16xi32>, vector<16xi1> -> vector<16xi32>
      %reduce_sum3A_10 = vector.extract %reduce_sum3A_9[15] : i32 from vector<16xi32>
      %jit3A = arith.constant 16 : i32
      %div3A = arith.divsi %reduce_sum3A_10, %jit3A : i32
      %sign3A = arith.constant 0 : i32
      %sign3A_11 = arith.cmpi sgt, %reduce_sum3A_10, %sign3A : i32
      %sign3A_12 = arith.extui %sign3A_11 : i1 to i32
      %sign3A_13 = arith.constant 0 : i32
      %sign3A_14 = arith.cmpi slt, %reduce_sum3A_10, %sign3A_13 : i32
      %sign3A_15 = arith.extui %sign3A_14 : i1 to i32
      %sign3A_16 = arith.subi %sign3A_12, %sign3A_15 : i32
      %sign3A_17 = arith.constant 0 : i32
      %sign3A_18 = arith.cmpi sgt, %jit3A, %sign3A_17 : i32
      %sign3A_19 = arith.extui %sign3A_18 : i1 to i32
      %sign3A_20 = arith.constant 0 : i32
      %sign3A_21 = arith.cmpi slt, %jit3A, %sign3A_20 : i32
      %sign3A_22 = arith.extui %sign3A_21 : i1 to i32
      %sign3A_23 = arith.subi %sign3A_19, %sign3A_22 : i32
      %ne3A = arith.cmpi ne, %sign3A_16, %sign3A_23 : i32
      %rem3A = arith.remsi %reduce_sum3A_10, %jit3A : i32
      %ne3A_24 = arith.constant 0 : i32
      %ne3A_25 = arith.cmpi ne, %rem3A, %ne3A_24 : i32
      %and3A = arith.andi %ne3A, %ne3A_25 : i1
      %sub3A_26 = arith.constant 1 : i32
      %sub3A_27 = arith.subi %div3A, %sub3A_26 : i32
      %select_n3A = arith.select %and3A, %sub3A_27, %div3A : i32
      %iota3A = tpu.iota {dimensions = array<i32: 0>} : vector<16xi32>
      %scan3A = arith.constant 0 : i32
      %scan3A_28 = arith.constant 0 : i32
      %scan3A_29 = arith.constant 0 : i32
      %scan3A_30 = arith.constant 1600 : i32
      %scan3A_31 = arith.addi %scan3A_29, %scan3A_30 : i32
      %scan3A_32 = arith.constant 1 : i32
      %scan3A_33:2 = scf.for %scan3A_235 = %scan3A_29 to %scan3A_31 step %scan3A_32 iter_args(%scan3A_236 = %scan3A, %scan3A_237 = %scan3A_28) -> (i32, i32)  : i32 {
        %mul3A_238 = arith.constant 16 : i32
        %mul3A_239 = arith.muli %scan3A_235, %mul3A_238 : i32
        %get3A_240 = arith.index_cast %mul3A_239 : i32 to index
        %get3A_241 = tpu.vector_load %arg8[%get3A_240] {strides = array<i32>} : memref<25600xf32, #tpu.memory_space<vmem>>, vector<16xf32>,
        %bitcast3A = vector.bitcast %get3A_241 : vector<16xf32> to vector<16xi32>
        %gt3A = arith.cmpi sgt, %bitcast3A, %get3A_3 : vector<16xi32>
        %eq3A = arith.cmpi eq, %bitcast3A, %get3A_3 : vector<16xi32>
        %mul3A_242 = arith.constant 16 : i32
        %mul3A_243 = arith.muli %scan3A_235, %mul3A_242 : i32
        %add3A_244 = vector.broadcast %mul3A_243 : i32 to vector<16xi32>
        %add3A_245 = arith.addi %iota3A, %add3A_244 : vector<16xi32>
        %all_reduce_population_count3A = tpu.all_reduce %gt3A {dim = 0 : i64, kind = #tpu.reduction_kind<sum>} : vector<16xi1> -> vector<16xi32>
        %reduce_sum3A_246 = arith.constant true
        %reduce_sum3A_247 = vector.broadcast %reduce_sum3A_246 : i1 to vector<16xi1>
        %reduce_sum3A_248 = tpu.scan <sum>, %all_reduce_population_count3A masked %reduce_sum3A_247 : vector<16xi32>, vector<16xi1> -> vector<16xi32>
        %reduce_sum3A_249 = vector.extract %reduce_sum3A_248[15] : i32 from vector<16xi32>
        %jit3A_250 = arith.constant 16 : i32
        %div3A_251 = arith.divsi %reduce_sum3A_249, %jit3A_250 : i32
        %sign3A_252 = arith.constant 0 : i32
        %sign3A_253 = arith.cmpi sgt, %reduce_sum3A_249, %sign3A_252 : i32
        %sign3A_254 = arith.extui %sign3A_253 : i1 to i32
        %sign3A_255 = arith.constant 0 : i32
        %sign3A_256 = arith.cmpi slt, %reduce_sum3A_249, %sign3A_255 : i32
        %sign3A_257 = arith.extui %sign3A_256 : i1 to i32
        %sign3A_258 = arith.subi %sign3A_254, %sign3A_257 : i32
        %sign3A_259 = arith.constant 0 : i32
        %sign3A_260 = arith.cmpi sgt, %jit3A_250, %sign3A_259 : i32
        %sign3A_261 = arith.extui %sign3A_260 : i1 to i32
        %sign3A_262 = arith.constant 0 : i32
        %sign3A_263 = arith.cmpi slt, %jit3A_250, %sign3A_262 : i32
        %sign3A_264 = arith.extui %sign3A_263 : i1 to i32
        %sign3A_265 = arith.subi %sign3A_261, %sign3A_264 : i32
        %ne3A_266 = arith.cmpi ne, %sign3A_258, %sign3A_265 : i32
        %rem3A_267 = arith.remsi %reduce_sum3A_249, %jit3A_250 : i32
        %ne3A_268 = arith.constant 0 : i32
        %ne3A_269 = arith.cmpi ne, %rem3A_267, %ne3A_268 : i32
        %and3A_270 = arith.andi %ne3A_266, %ne3A_269 : i1
        %sub3A_271 = arith.constant 1 : i32
        %sub3A_272 = arith.subi %div3A_251, %sub3A_271 : i32
        %select_n3A_273 = arith.select %and3A_270, %sub3A_272, %div3A_251 : i32
        %gt3A_274 = arith.constant 0 : i32
        %gt3A_275 = arith.cmpi sgt, %select_n3A_273, %gt3A_274 : i32
        %convert_element_type3A_276 = arith.extui %gt3A_275 : i1 to i32
        %cond3A_277 = arith.constant 0 : i32
        %cond3A_278 = arith.cmpi ne, %convert_element_type3A_276, %cond3A_277 : i32
        scf.if %cond3A_278 {
          %swap3A_321 = arith.index_cast %scan3A_236 : i32 to index
          %swap3A_322 = tpu.vector_load %arg11[%swap3A_321] masked %gt3A {strides = array<i32>} : memref<1040xi32, #tpu.memory_space<vmem>>, vector<16xi32>, vector<16xi1>
          tpu.vector_store %arg11[%swap3A_321], %add3A_245 masked %gt3A {strides = array<i32>} : memref<1040xi32, #tpu.memory_space<vmem>>, vector<16xi32>, vector<16xi1>
          %swap3A_323 = arith.index_cast %scan3A_236 : i32 to index
          %swap3A_324 = tpu.vector_load %arg12[%swap3A_323] masked %gt3A {strides = array<i32>} : memref<1040xf32, #tpu.memory_space<vmem>>, vector<16xf32>, vector<16xi1>
          tpu.vector_store %arg12[%swap3A_323], %get3A_241 masked %gt3A {strides = array<i32>} : memref<1040xf32, #tpu.memory_space<vmem>>, vector<16xf32>, vector<16xi1>
        } else {
        }
        %convert_element_type3A_279 = arith.extui %eq3A : vector<16xi1> to vector<16xi32>
        %broadcast_in_dim3A_280 = arith.constant true
        %broadcast_in_dim3A_281 = vector.broadcast %broadcast_in_dim3A_280 : i1 to vector<16xi1>
        %masked_cumsum3A = tpu.scan <sum>, %convert_element_type3A_279 masked %broadcast_in_dim3A_281 : vector<16xi32>, vector<16xi1> -> vector<16xi32>
        %add3A_282 = vector.broadcast %scan3A_237 : i32 to vector<16xi32>
        %add3A_283 = arith.addi %add3A_282, %masked_cumsum3A : vector<16xi32>
        %le3A = arith.cmpi sle, %add3A_283, %get3A_5 : vector<16xi32>
        %and3A_284 = arith.andi %eq3A, %le3A : vector<16xi1>
        %all_reduce_population_count3A_285 = tpu.all_reduce %and3A_284 {dim = 0 : i64, kind = #tpu.reduction_kind<sum>} : vector<16xi1> -> vector<16xi32>
        %reduce_sum3A_286 = arith.constant true
        %reduce_sum3A_287 = vector.broadcast %reduce_sum3A_286 : i1 to vector<16xi1>
        %reduce_sum3A_288 = tpu.scan <sum>, %all_reduce_population_count3A_285 masked %reduce_sum3A_287 : vector<16xi32>, vector<16xi1> -> vector<16xi32>
        %reduce_sum3A_289 = vector.extract %reduce_sum3A_288[15] : i32 from vector<16xi32>
        %jit3A_290 = arith.constant 16 : i32
        %div3A_291 = arith.divsi %reduce_sum3A_289, %jit3A_290 : i32
        %sign3A_292 = arith.constant 0 : i32
        %sign3A_293 = arith.cmpi sgt, %reduce_sum3A_289, %sign3A_292 : i32
        %sign3A_294 = arith.extui %sign3A_293 : i1 to i32
        %sign3A_295 = arith.constant 0 : i32
        %sign3A_296 = arith.cmpi slt, %reduce_sum3A_289, %sign3A_295 : i32
        %sign3A_297 = arith.extui %sign3A_296 : i1 to i32
        %sign3A_298 = arith.subi %sign3A_294, %sign3A_297 : i32
        %sign3A_299 = arith.constant 0 : i32
        %sign3A_300 = arith.cmpi sgt, %jit3A_290, %sign3A_299 : i32
        %sign3A_301 = arith.extui %sign3A_300 : i1 to i32
        %sign3A_302 = arith.constant 0 : i32
        %sign3A_303 = arith.cmpi slt, %jit3A_290, %sign3A_302 : i32
        %sign3A_304 = arith.extui %sign3A_303 : i1 to i32
        %sign3A_305 = arith.subi %sign3A_301, %sign3A_304 : i32
        %ne3A_306 = arith.cmpi ne, %sign3A_298, %sign3A_305 : i32
        %rem3A_307 = arith.remsi %reduce_sum3A_289, %jit3A_290 : i32
        %ne3A_308 = arith.constant 0 : i32
        %ne3A_309 = arith.cmpi ne, %rem3A_307, %ne3A_308 : i32
        %and3A_310 = arith.andi %ne3A_306, %ne3A_309 : i1
        %sub3A_311 = arith.constant 1 : i32
        %sub3A_312 = arith.subi %div3A_291, %sub3A_311 : i32
        %select_n3A_313 = arith.select %and3A_310, %sub3A_312, %div3A_291 : i32
        %gt3A_314 = arith.constant 0 : i32
        %gt3A_315 = arith.cmpi sgt, %select_n3A_313, %gt3A_314 : i32
        %convert_element_type3A_316 = arith.extui %gt3A_315 : i1 to i32
        %cond3A_317 = arith.constant 0 : i32
        %cond3A_318 = arith.cmpi ne, %convert_element_type3A_316, %cond3A_317 : i32
        scf.if %cond3A_318 {
          %add3A_321 = arith.addi %select_n3A, %scan3A_237 : i32
          %swap3A_322 = arith.index_cast %add3A_321 : i32 to index
          %swap3A_323 = tpu.vector_load %arg11[%swap3A_322] masked %and3A_284 {strides = array<i32>} : memref<1040xi32, #tpu.memory_space<vmem>>, vector<16xi32>, vector<16xi1>
          tpu.vector_store %arg11[%swap3A_322], %add3A_245 masked %and3A_284 {strides = array<i32>} : memref<1040xi32, #tpu.memory_space<vmem>>, vector<16xi32>, vector<16xi1>
          %swap3A_324 = arith.index_cast %add3A_321 : i32 to index
          %swap3A_325 = tpu.vector_load %arg12[%swap3A_324] masked %and3A_284 {strides = array<i32>} : memref<1040xf32, #tpu.memory_space<vmem>>, vector<16xf32>, vector<16xi1>
          tpu.vector_store %arg12[%swap3A_324], %get3A_241 masked %and3A_284 {strides = array<i32>} : memref<1040xf32, #tpu.memory_space<vmem>>, vector<16xf32>, vector<16xi1>
        } else {
        }
        %add3A_319 = arith.addi %scan3A_236, %select_n3A_273 : i32
        %add3A_320 = arith.addi %scan3A_237, %select_n3A_313 : i32
        scf.yield %add3A_319, %add3A_320 : i32, i32
      }
      %scan3A_34 = arith.constant 1600 : i32
      %broadcast_in_dim3A = arith.constant 0 : i32
      %broadcast_in_dim3A_35 = vector.broadcast %broadcast_in_dim3A : i32 to vector<16xi32>
      %broadcast_in_dim3A_36 = arith.constant 0.000000e+00 : f32
      %broadcast_in_dim3A_37 = vector.broadcast %broadcast_in_dim3A_36 : f32 to vector<16xf32>
      %swap3A = arith.constant 1000 : index
      %swap3A_38 = tpu.vector_load %arg11[%swap3A] {strides = array<i32>} : memref<1040xi32, #tpu.memory_space<vmem>>, vector<16xi32>,
      tpu.vector_store %arg11[%swap3A], %broadcast_in_dim3A_35 {strides = array<i32>} : memref<1040xi32, #tpu.memory_space<vmem>>, vector<16xi32>,
      %swap3A_39 = arith.constant 1000 : index
      %swap3A_40 = tpu.vector_load %arg12[%swap3A_39] {strides = array<i32>} : memref<1040xf32, #tpu.memory_space<vmem>>, vector<16xf32>,
      tpu.vector_store %arg12[%swap3A_39], %broadcast_in_dim3A_37 {strides = array<i32>} : memref<1040xf32, #tpu.memory_space<vmem>>, vector<16xf32>,
      %swap3A_41 = arith.constant 1008 : index
      %swap3A_42 = tpu.vector_load %arg11[%swap3A_41] {strides = array<i32>} : memref<1040xi32, #tpu.memory_space<vmem>>, vector<16xi32>,
      tpu.vector_store %arg11[%swap3A_41], %broadcast_in_dim3A_35 {strides = array<i32>} : memref<1040xi32, #tpu.memory_space<vmem>>, vector<16xi32>,
      %swap3A_43 = arith.constant 1008 : index
      %swap3A_44 = tpu.vector_load %arg12[%swap3A_43] {strides = array<i32>} : memref<1040xf32, #tpu.memory_space<vmem>>, vector<16xf32>,
      tpu.vector_store %arg12[%swap3A_43], %broadcast_in_dim3A_37 {strides = array<i32>} : memref<1040xf32, #tpu.memory_space<vmem>>, vector<16xf32>,
      %dma_start3A = arith.constant 0 : i32
      %dma_start3A_45 = arith.constant 0 : i32
      %dma_start3A_46 = tpu.memref_slice %arg13[%dma_start3A, %dma_start3A_45] : memref<512x128xf32, #tpu.memory_space<vmem>> -> memref<128x128xf32, #tpu.memory_space<vmem>>
      %dma_start3A_47 = arith.constant 0 : i32
      %dma_start3A_48 = tpu.memref_slice %arg11[%dma_start3A_47] : memref<1040xi32, #tpu.memory_space<vmem>> -> memref<128xi32, #tpu.memory_space<vmem>>
      %dma_start3A_49 = arith.constant 0 : i32
      %dma_start3A_50 = arith.constant 0 : i32
      %dma_start3A_51 = tpu.memref_slice %arg4[%add3A, %dma_start3A_49, %dma_start3A_50] : memref<8x25600x128xf32, #tpu.memory_space<hbm>> -> memref<1x25600x128xf32, #tpu.memory_space<hbm>>
      %dma_start3A_52 = tpu.memref_squeeze %dma_start3A_51 : memref<1x25600x128xf32, #tpu.memory_space<hbm>> -> memref<25600x128xf32, #tpu.memory_space<hbm>>
      %dma_start3A_53 = arith.constant 0 : i32
      %dma_start3A_54 = arith.constant 0 : i32
      %dma_start3A_55 = tpu.memref_slice %dma_start3A_52[%dma_start3A_53, %dma_start3A_54] : memref<25600x128xf32, #tpu.memory_space<hbm>> -> memref<25600x128xf32, #tpu.memory_space<hbm>>
      tpu.enqueue_indirect_dma source(%dma_start3A_55 : memref<25600x128xf32, #tpu.memory_space<hbm>>) target(%dma_start3A_46 : memref<128x128xf32, #tpu.memory_space<vmem>>) offsets(%dma_start3A_48 : memref<128xi32, #tpu.memory_space<vmem>>) semaphore(%arg14 : memref<!tpu.dma_semaphore, #tpu.memory_space<semaphore_mem>>)
      %dma_start3A_56 = arith.constant 128 : i32
      %dma_start3A_57 = arith.constant 0 : i32
      %dma_start3A_58 = tpu.memref_slice %arg13[%dma_start3A_56, %dma_start3A_57] : memref<512x128xf32, #tpu.memory_space<vmem>> -> memref<128x128xf32, #tpu.memory_space<vmem>>
      %dma_start3A_59 = arith.constant 128 : i32
      %dma_start3A_60 = tpu.memref_slice %arg11[%dma_start3A_59] : memref<1040xi32, #tpu.memory_space<vmem>> -> memref<128xi32, #tpu.memory_space<vmem>>
      %dma_start3A_61 = arith.constant 0 : i32
      %dma_start3A_62 = arith.constant 0 : i32
      %dma_start3A_63 = tpu.memref_slice %arg4[%add3A, %dma_start3A_61, %dma_start3A_62] : memref<8x25600x128xf32, #tpu.memory_space<hbm>> -> memref<1x25600x128xf32, #tpu.memory_space<hbm>>
      %dma_start3A_64 = tpu.memref_squeeze %dma_start3A_63 : memref<1x25600x128xf32, #tpu.memory_space<hbm>> -> memref<25600x128xf32, #tpu.memory_space<hbm>>
      %dma_start3A_65 = arith.constant 0 : i32
      %dma_start3A_66 = arith.constant 0 : i32
      %dma_start3A_67 = tpu.memref_slice %dma_start3A_64[%dma_start3A_65, %dma_start3A_66] : memref<25600x128xf32, #tpu.memory_space<hbm>> -> memref<25600x128xf32, #tpu.memory_space<hbm>>
      tpu.enqueue_indirect_dma source(%dma_start3A_67 : memref<25600x128xf32, #tpu.memory_space<hbm>>) target(%dma_start3A_58 : memref<128x128xf32, #tpu.memory_space<vmem>>) offsets(%dma_start3A_60 : memref<128xi32, #tpu.memory_space<vmem>>) semaphore(%arg14 : memref<!tpu.dma_semaphore, #tpu.memory_space<semaphore_mem>>)
      %dma_start3A_68 = arith.constant 256 : i32
      %dma_start3A_69 = arith.constant 0 : i32
      %dma_start3A_70 = tpu.memref_slice %arg13[%dma_start3A_68, %dma_start3A_69] : memref<512x128xf32, #tpu.memory_space<vmem>> -> memref<128x128xf32, #tpu.memory_space<vmem>>
      %dma_start3A_71 = arith.constant 256 : i32
      %dma_start3A_72 = tpu.memref_slice %arg11[%dma_start3A_71] : memref<1040xi32, #tpu.memory_space<vmem>> -> memref<128xi32, #tpu.memory_space<vmem>>
      %dma_start3A_73 = arith.constant 0 : i32
      %dma_start3A_74 = arith.constant 0 : i32
      %dma_start3A_75 = tpu.memref_slice %arg4[%add3A, %dma_start3A_73, %dma_start3A_74] : memref<8x25600x128xf32, #tpu.memory_space<hbm>> -> memref<1x25600x128xf32, #tpu.memory_space<hbm>>
      %dma_start3A_76 = tpu.memref_squeeze %dma_start3A_75 : memref<1x25600x128xf32, #tpu.memory_space<hbm>> -> memref<25600x128xf32, #tpu.memory_space<hbm>>
      %dma_start3A_77 = arith.constant 0 : i32
      %dma_start3A_78 = arith.constant 0 : i32
      %dma_start3A_79 = tpu.memref_slice %dma_start3A_76[%dma_start3A_77, %dma_start3A_78] : memref<25600x128xf32, #tpu.memory_space<hbm>> -> memref<25600x128xf32, #tpu.memory_space<hbm>>
      tpu.enqueue_indirect_dma source(%dma_start3A_79 : memref<25600x128xf32, #tpu.memory_space<hbm>>) target(%dma_start3A_70 : memref<128x128xf32, #tpu.memory_space<vmem>>) offsets(%dma_start3A_72 : memref<128xi32, #tpu.memory_space<vmem>>) semaphore(%arg14 : memref<!tpu.dma_semaphore, #tpu.memory_space<semaphore_mem>>)
      %dma_start3A_80 = arith.constant 384 : i32
      %dma_start3A_81 = arith.constant 0 : i32
      %dma_start3A_82 = tpu.memref_slice %arg13[%dma_start3A_80, %dma_start3A_81] : memref<512x128xf32, #tpu.memory_space<vmem>> -> memref<128x128xf32, #tpu.memory_space<vmem>>
      %dma_start3A_83 = arith.constant 384 : i32
      %dma_start3A_84 = tpu.memref_slice %arg11[%dma_start3A_83] : memref<1040xi32, #tpu.memory_space<vmem>> -> memref<128xi32, #tpu.memory_space<vmem>>
      %dma_start3A_85 = arith.constant 0 : i32
      %dma_start3A_86 = arith.constant 0 : i32
      %dma_start3A_87 = tpu.memref_slice %arg4[%add3A, %dma_start3A_85, %dma_start3A_86] : memref<8x25600x128xf32, #tpu.memory_space<hbm>> -> memref<1x25600x128xf32, #tpu.memory_space<hbm>>
      %dma_start3A_88 = tpu.memref_squeeze %dma_start3A_87 : memref<1x25600x128xf32, #tpu.memory_space<hbm>> -> memref<25600x128xf32, #tpu.memory_space<hbm>>
      %dma_start3A_89 = arith.constant 0 : i32
      %dma_start3A_90 = arith.constant 0 : i32
      %dma_start3A_91 = tpu.memref_slice %dma_start3A_88[%dma_start3A_89, %dma_start3A_90] : memref<25600x128xf32, #tpu.memory_space<hbm>> -> memref<25600x128xf32, #tpu.memory_space<hbm>>
      tpu.enqueue_indirect_dma source(%dma_start3A_91 : memref<25600x128xf32, #tpu.memory_space<hbm>>) target(%dma_start3A_82 : memref<128x128xf32, #tpu.memory_space<vmem>>) offsets(%dma_start3A_84 : memref<128xi32, #tpu.memory_space<vmem>>) semaphore(%arg14 : memref<!tpu.dma_semaphore, #tpu.memory_space<semaphore_mem>>)
      %dma_wait3A = arith.constant 0 : i32
      %dma_wait3A_92 = arith.constant 0 : i32
      %dma_wait3A_93 = tpu.memref_slice %arg13[%dma_wait3A, %dma_wait3A_92] : memref<512x128xf32, #tpu.memory_space<vmem>> -> memref<128x128xf32, #tpu.memory_space<vmem>>
      %dma_wait3A_94 = arith.constant 0 : i32
      %dma_wait3A_95 = tpu.memref_slice %arg11[%dma_wait3A_94] : memref<1040xi32, #tpu.memory_space<vmem>> -> memref<128xi32, #tpu.memory_space<vmem>>
      %dma_wait3A_96 = arith.constant 0 : i32
      %dma_wait3A_97 = arith.constant 0 : i32
      %dma_wait3A_98 = tpu.memref_slice %arg4[%add3A, %dma_wait3A_96, %dma_wait3A_97] : memref<8x25600x128xf32, #tpu.memory_space<hbm>> -> memref<1x25600x128xf32, #tpu.memory_space<hbm>>
      %dma_wait3A_99 = tpu.memref_squeeze %dma_wait3A_98 : memref<1x25600x128xf32, #tpu.memory_space<hbm>> -> memref<25600x128xf32, #tpu.memory_space<hbm>>
      %dma_wait3A_100 = arith.constant 0 : i32
      %dma_wait3A_101 = arith.constant 0 : i32
      %dma_wait3A_102 = tpu.memref_slice %dma_wait3A_99[%dma_wait3A_100, %dma_wait3A_101] : memref<25600x128xf32, #tpu.memory_space<hbm>> -> memref<25600x128xf32, #tpu.memory_space<hbm>>
      tpu.wait_indirect_dma semaphore(%arg14 : memref<!tpu.dma_semaphore, #tpu.memory_space<semaphore_mem>>) src(%dma_wait3A_102 : memref<25600x128xf32, #tpu.memory_space<hbm>>) dst(%dma_wait3A_93 : memref<128x128xf32, #tpu.memory_space<vmem>>)
      %dma_wait3A_103 = arith.constant 128 : i32
      %dma_wait3A_104 = arith.constant 0 : i32
      %dma_wait3A_105 = tpu.memref_slice %arg13[%dma_wait3A_103, %dma_wait3A_104] : memref<512x128xf32, #tpu.memory_space<vmem>> -> memref<128x128xf32, #tpu.memory_space<vmem>>
      %dma_wait3A_106 = arith.constant 128 : i32
      %dma_wait3A_107 = tpu.memref_slice %arg11[%dma_wait3A_106] : memref<1040xi32, #tpu.memory_space<vmem>> -> memref<128xi32, #tpu.memory_space<vmem>>
      %dma_wait3A_108 = arith.constant 0 : i32
      %dma_wait3A_109 = arith.constant 0 : i32
      %dma_wait3A_110 = tpu.memref_slice %arg4[%add3A, %dma_wait3A_108, %dma_wait3A_109] : memref<8x25600x128xf32, #tpu.memory_space<hbm>> -> memref<1x25600x128xf32, #tpu.memory_space<hbm>>
      %dma_wait3A_111 = tpu.memref_squeeze %dma_wait3A_110 : memref<1x25600x128xf32, #tpu.memory_space<hbm>> -> memref<25600x128xf32, #tpu.memory_space<hbm>>
      %dma_wait3A_112 = arith.constant 0 : i32
      %dma_wait3A_113 = arith.constant 0 : i32
      %dma_wait3A_114 = tpu.memref_slice %dma_wait3A_111[%dma_wait3A_112, %dma_wait3A_113] : memref<25600x128xf32, #tpu.memory_space<hbm>> -> memref<25600x128xf32, #tpu.memory_space<hbm>>
      tpu.wait_indirect_dma semaphore(%arg14 : memref<!tpu.dma_semaphore, #tpu.memory_space<semaphore_mem>>) src(%dma_wait3A_114 : memref<25600x128xf32, #tpu.memory_space<hbm>>) dst(%dma_wait3A_105 : memref<128x128xf32, #tpu.memory_space<vmem>>)
      %dma_wait3A_115 = arith.constant 256 : i32
      %dma_wait3A_116 = arith.constant 0 : i32
      %dma_wait3A_117 = tpu.memref_slice %arg13[%dma_wait3A_115, %dma_wait3A_116] : memref<512x128xf32, #tpu.memory_space<vmem>> -> memref<128x128xf32, #tpu.memory_space<vmem>>
      %dma_wait3A_118 = arith.constant 256 : i32
      %dma_wait3A_119 = tpu.memref_slice %arg11[%dma_wait3A_118] : memref<1040xi32, #tpu.memory_space<vmem>> -> memref<128xi32, #tpu.memory_space<vmem>>
      %dma_wait3A_120 = arith.constant 0 : i32
      %dma_wait3A_121 = arith.constant 0 : i32
      %dma_wait3A_122 = tpu.memref_slice %arg4[%add3A, %dma_wait3A_120, %dma_wait3A_121] : memref<8x25600x128xf32, #tpu.memory_space<hbm>> -> memref<1x25600x128xf32, #tpu.memory_space<hbm>>
      %dma_wait3A_123 = tpu.memref_squeeze %dma_wait3A_122 : memref<1x25600x128xf32, #tpu.memory_space<hbm>> -> memref<25600x128xf32, #tpu.memory_space<hbm>>
      %dma_wait3A_124 = arith.constant 0 : i32
      %dma_wait3A_125 = arith.constant 0 : i32
      %dma_wait3A_126 = tpu.memref_slice %dma_wait3A_123[%dma_wait3A_124, %dma_wait3A_125] : memref<25600x128xf32, #tpu.memory_space<hbm>> -> memref<25600x128xf32, #tpu.memory_space<hbm>>
      tpu.wait_indirect_dma semaphore(%arg14 : memref<!tpu.dma_semaphore, #tpu.memory_space<semaphore_mem>>) src(%dma_wait3A_126 : memref<25600x128xf32, #tpu.memory_space<hbm>>) dst(%dma_wait3A_117 : memref<128x128xf32, #tpu.memory_space<vmem>>)
      %dma_wait3A_127 = arith.constant 384 : i32
      %dma_wait3A_128 = arith.constant 0 : i32
      %dma_wait3A_129 = tpu.memref_slice %arg13[%dma_wait3A_127, %dma_wait3A_128] : memref<512x128xf32, #tpu.memory_space<vmem>> -> memref<128x128xf32, #tpu.memory_space<vmem>>
      %dma_wait3A_130 = arith.constant 384 : i32
      %dma_wait3A_131 = tpu.memref_slice %arg11[%dma_wait3A_130] : memref<1040xi32, #tpu.memory_space<vmem>> -> memref<128xi32, #tpu.memory_space<vmem>>
      %dma_wait3A_132 = arith.constant 0 : i32
      %dma_wait3A_133 = arith.constant 0 : i32
      %dma_wait3A_134 = tpu.memref_slice %arg4[%add3A, %dma_wait3A_132, %dma_wait3A_133] : memref<8x25600x128xf32, #tpu.memory_space<hbm>> -> memref<1x25600x128xf32, #tpu.memory_space<hbm>>
      %dma_wait3A_135 = tpu.memref_squeeze %dma_wait3A_134 : memref<1x25600x128xf32, #tpu.memory_space<hbm>> -> memref<25600x128xf32, #tpu.memory_space<hbm>>
      %dma_wait3A_136 = arith.constant 0 : i32
      %dma_wait3A_137 = arith.constant 0 : i32
      %dma_wait3A_138 = tpu.memref_slice %dma_wait3A_135[%dma_wait3A_136, %dma_wait3A_137] : memref<25600x128xf32, #tpu.memory_space<hbm>> -> memref<25600x128xf32, #tpu.memory_space<hbm>>
      tpu.wait_indirect_dma semaphore(%arg14 : memref<!tpu.dma_semaphore, #tpu.memory_space<semaphore_mem>>) src(%dma_wait3A_138 : memref<25600x128xf32, #tpu.memory_space<hbm>>) dst(%dma_wait3A_129 : memref<128x128xf32, #tpu.memory_space<vmem>>)
      "tpu.region"() ({
        %run_scoped3A = tpu.sem_alloc : memref<!tpu.dma_semaphore, #tpu.memory_space<semaphore_mem>>
        %dma_start3A_235 = arith.constant 0 : i32
        %dma_start3A_236 = arith.constant 0 : i32
        %dma_start3A_237 = tpu.memref_slice %arg7[%add3A, %dma_start3A_235, %dma_start3A_236] : memref<8x1024x128xf32, #tpu.memory_space<hbm>> -> memref<1x512x128xf32, #tpu.memory_space<hbm>>
        %dma_start3A_238 = tpu.memref_squeeze %dma_start3A_237 : memref<1x512x128xf32, #tpu.memory_space<hbm>> -> memref<512x128xf32, #tpu.memory_space<hbm>>
        %dma_start3A_239 = arith.constant 0 : i32
        %dma_start3A_240 = arith.constant 0 : i32
        %dma_start3A_241 = tpu.memref_slice %arg7[%add3A, %dma_start3A_239, %dma_start3A_240] : memref<8x1024x128xf32, #tpu.memory_space<hbm>> -> memref<1x512x128xf32, #tpu.memory_space<hbm>>
        %dma_start3A_242 = tpu.memref_squeeze %dma_start3A_241 : memref<1x512x128xf32, #tpu.memory_space<hbm>> -> memref<512x128xf32, #tpu.memory_space<hbm>>
        tpu.enqueue_dma source(%arg13 : memref<512x128xf32, #tpu.memory_space<vmem>>) target(%dma_start3A_242 : memref<512x128xf32, #tpu.memory_space<hbm>>) target_semaphore(%run_scoped3A : memref<!tpu.dma_semaphore, #tpu.memory_space<semaphore_mem>>)
        %dma_wait3A_243 = arith.constant 0 : i32
        %dma_wait3A_244 = arith.constant 0 : i32
        %dma_wait3A_245 = tpu.memref_slice %arg7[%add3A, %dma_wait3A_243, %dma_wait3A_244] : memref<8x1024x128xf32, #tpu.memory_space<hbm>> -> memref<1x512x128xf32, #tpu.memory_space<hbm>>
        %dma_wait3A_246 = tpu.memref_squeeze %dma_wait3A_245 : memref<1x512x128xf32, #tpu.memory_space<hbm>> -> memref<512x128xf32, #tpu.memory_space<hbm>>
        %dma_wait3A_247 = arith.constant 0 : i32
        %dma_wait3A_248 = arith.constant 0 : i32
        %dma_wait3A_249 = tpu.memref_slice %arg7[%add3A, %dma_wait3A_247, %dma_wait3A_248] : memref<8x1024x128xf32, #tpu.memory_space<hbm>> -> memref<1x512x128xf32, #tpu.memory_space<hbm>>
        %dma_wait3A_250 = tpu.memref_squeeze %dma_wait3A_249 : memref<1x512x128xf32, #tpu.memory_space<hbm>> -> memref<512x128xf32, #tpu.memory_space<hbm>>
        tpu.wait_dma2 semaphore(%run_scoped3A : memref<!tpu.dma_semaphore, #tpu.memory_space<semaphore_mem>>) src(%arg13 : memref<512x128xf32, #tpu.memory_space<vmem>>) dst(%dma_wait3A_250 : memref<512x128xf32, #tpu.memory_space<hbm>>)
        tpu.yield
      }) : () -> ()
      %dma_start3A_139 = arith.constant 0 : i32
      %dma_start3A_140 = arith.constant 0 : i32
      %dma_start3A_141 = tpu.memref_slice %arg13[%dma_start3A_139, %dma_start3A_140] : memref<512x128xf32, #tpu.memory_space<vmem>> -> memref<128x128xf32, #tpu.memory_space<vmem>>
      %dma_start3A_142 = arith.constant 512 : i32
      %dma_start3A_143 = tpu.memref_slice %arg11[%dma_start3A_142] : memref<1040xi32, #tpu.memory_space<vmem>> -> memref<128xi32, #tpu.memory_space<vmem>>
      %dma_start3A_144 = arith.constant 0 : i32
      %dma_start3A_145 = arith.constant 0 : i32
      %dma_start3A_146 = tpu.memref_slice %arg4[%add3A, %dma_start3A_144, %dma_start3A_145] : memref<8x25600x128xf32, #tpu.memory_space<hbm>> -> memref<1x25600x128xf32, #tpu.memory_space<hbm>>
      %dma_start3A_147 = tpu.memref_squeeze %dma_start3A_146 : memref<1x25600x128xf32, #tpu.memory_space<hbm>> -> memref<25600x128xf32, #tpu.memory_space<hbm>>
      %dma_start3A_148 = arith.constant 0 : i32
      %dma_start3A_149 = arith.constant 0 : i32
      %dma_start3A_150 = tpu.memref_slice %dma_start3A_147[%dma_start3A_148, %dma_start3A_149] : memref<25600x128xf32, #tpu.memory_space<hbm>> -> memref<25600x128xf32, #tpu.memory_space<hbm>>
      tpu.enqueue_indirect_dma source(%dma_start3A_150 : memref<25600x128xf32, #tpu.memory_space<hbm>>) target(%dma_start3A_141 : memref<128x128xf32, #tpu.memory_space<vmem>>) offsets(%dma_start3A_143 : memref<128xi32, #tpu.memory_space<vmem>>) semaphore(%arg14 : memref<!tpu.dma_semaphore, #tpu.memory_space<semaphore_mem>>)
      %dma_start3A_151 = arith.constant 128 : i32
      %dma_start3A_152 = arith.constant 0 : i32
      %dma_start3A_153 = tpu.memref_slice %arg13[%dma_start3A_151, %dma_start3A_152] : memref<512x128xf32, #tpu.memory_space<vmem>> -> memref<128x128xf32, #tpu.memory_space<vmem>>
      %dma_start3A_154 = arith.constant 640 : i32
      %dma_start3A_155 = tpu.memref_slice %arg11[%dma_start3A_154] : memref<1040xi32, #tpu.memory_space<vmem>> -> memref<128xi32, #tpu.memory_space<vmem>>
      %dma_start3A_156 = arith.constant 0 : i32
      %dma_start3A_157 = arith.constant 0 : i32
      %dma_start3A_158 = tpu.memref_slice %arg4[%add3A, %dma_start3A_156, %dma_start3A_157] : memref<8x25600x128xf32, #tpu.memory_space<hbm>> -> memref<1x25600x128xf32, #tpu.memory_space<hbm>>
      %dma_start3A_159 = tpu.memref_squeeze %dma_start3A_158 : memref<1x25600x128xf32, #tpu.memory_space<hbm>> -> memref<25600x128xf32, #tpu.memory_space<hbm>>
      %dma_start3A_160 = arith.constant 0 : i32
      %dma_start3A_161 = arith.constant 0 : i32
      %dma_start3A_162 = tpu.memref_slice %dma_start3A_159[%dma_start3A_160, %dma_start3A_161] : memref<25600x128xf32, #tpu.memory_space<hbm>> -> memref<25600x128xf32, #tpu.memory_space<hbm>>
      tpu.enqueue_indirect_dma source(%dma_start3A_162 : memref<25600x128xf32, #tpu.memory_space<hbm>>) target(%dma_start3A_153 : memref<128x128xf32, #tpu.memory_space<vmem>>) offsets(%dma_start3A_155 : memref<128xi32, #tpu.memory_space<vmem>>) semaphore(%arg14 : memref<!tpu.dma_semaphore, #tpu.memory_space<semaphore_mem>>)
      %dma_start3A_163 = arith.constant 256 : i32
      %dma_start3A_164 = arith.constant 0 : i32
      %dma_start3A_165 = tpu.memref_slice %arg13[%dma_start3A_163, %dma_start3A_164] : memref<512x128xf32, #tpu.memory_space<vmem>> -> memref<128x128xf32, #tpu.memory_space<vmem>>
      %dma_start3A_166 = arith.constant 768 : i32
      %dma_start3A_167 = tpu.memref_slice %arg11[%dma_start3A_166] : memref<1040xi32, #tpu.memory_space<vmem>> -> memref<128xi32, #tpu.memory_space<vmem>>
      %dma_start3A_168 = arith.constant 0 : i32
      %dma_start3A_169 = arith.constant 0 : i32
      %dma_start3A_170 = tpu.memref_slice %arg4[%add3A, %dma_start3A_168, %dma_start3A_169] : memref<8x25600x128xf32, #tpu.memory_space<hbm>> -> memref<1x25600x128xf32, #tpu.memory_space<hbm>>
      %dma_start3A_171 = tpu.memref_squeeze %dma_start3A_170 : memref<1x25600x128xf32, #tpu.memory_space<hbm>> -> memref<25600x128xf32, #tpu.memory_space<hbm>>
      %dma_start3A_172 = arith.constant 0 : i32
      %dma_start3A_173 = arith.constant 0 : i32
      %dma_start3A_174 = tpu.memref_slice %dma_start3A_171[%dma_start3A_172, %dma_start3A_173] : memref<25600x128xf32, #tpu.memory_space<hbm>> -> memref<25600x128xf32, #tpu.memory_space<hbm>>
      tpu.enqueue_indirect_dma source(%dma_start3A_174 : memref<25600x128xf32, #tpu.memory_space<hbm>>) target(%dma_start3A_165 : memref<128x128xf32, #tpu.memory_space<vmem>>) offsets(%dma_start3A_167 : memref<128xi32, #tpu.memory_space<vmem>>) semaphore(%arg14 : memref<!tpu.dma_semaphore, #tpu.memory_space<semaphore_mem>>)
      %dma_start3A_175 = arith.constant 384 : i32
      %dma_start3A_176 = arith.constant 0 : i32
      %dma_start3A_177 = tpu.memref_slice %arg13[%dma_start3A_175, %dma_start3A_176] : memref<512x128xf32, #tpu.memory_space<vmem>> -> memref<128x128xf32, #tpu.memory_space<vmem>>
      %dma_start3A_178 = arith.constant 896 : i32
      %dma_start3A_179 = tpu.memref_slice %arg11[%dma_start3A_178] : memref<1040xi32, #tpu.memory_space<vmem>> -> memref<128xi32, #tpu.memory_space<vmem>>
      %dma_start3A_180 = arith.constant 0 : i32
      %dma_start3A_181 = arith.constant 0 : i32
      %dma_start3A_182 = tpu.memref_slice %arg4[%add3A, %dma_start3A_180, %dma_start3A_181] : memref<8x25600x128xf32, #tpu.memory_space<hbm>> -> memref<1x25600x128xf32, #tpu.memory_space<hbm>>
      %dma_start3A_183 = tpu.memref_squeeze %dma_start3A_182 : memref<1x25600x128xf32, #tpu.memory_space<hbm>> -> memref<25600x128xf32, #tpu.memory_space<hbm>>
      %dma_start3A_184 = arith.constant 0 : i32
      %dma_start3A_185 = arith.constant 0 : i32
      %dma_start3A_186 = tpu.memref_slice %dma_start3A_183[%dma_start3A_184, %dma_start3A_185] : memref<25600x128xf32, #tpu.memory_space<hbm>> -> memref<25600x128xf32, #tpu.memory_space<hbm>>
      tpu.enqueue_indirect_dma source(%dma_start3A_186 : memref<25600x128xf32, #tpu.memory_space<hbm>>) target(%dma_start3A_177 : memref<128x128xf32, #tpu.memory_space<vmem>>) offsets(%dma_start3A_179 : memref<128xi32, #tpu.memory_space<vmem>>) semaphore(%arg14 : memref<!tpu.dma_semaphore, #tpu.memory_space<semaphore_mem>>)
      %dma_wait3A_187 = arith.constant 0 : i32
      %dma_wait3A_188 = arith.constant 0 : i32
      %dma_wait3A_189 = tpu.memref_slice %arg13[%dma_wait3A_187, %dma_wait3A_188] : memref<512x128xf32, #tpu.memory_space<vmem>> -> memref<128x128xf32, #tpu.memory_space<vmem>>
      %dma_wait3A_190 = arith.constant 512 : i32
      %dma_wait3A_191 = tpu.memref_slice %arg11[%dma_wait3A_190] : memref<1040xi32, #tpu.memory_space<vmem>> -> memref<128xi32, #tpu.memory_space<vmem>>
      %dma_wait3A_192 = arith.constant 0 : i32
      %dma_wait3A_193 = arith.constant 0 : i32
      %dma_wait3A_194 = tpu.memref_slice %arg4[%add3A, %dma_wait3A_192, %dma_wait3A_193] : memref<8x25600x128xf32, #tpu.memory_space<hbm>> -> memref<1x25600x128xf32, #tpu.memory_space<hbm>>
      %dma_wait3A_195 = tpu.memref_squeeze %dma_wait3A_194 : memref<1x25600x128xf32, #tpu.memory_space<hbm>> -> memref<25600x128xf32, #tpu.memory_space<hbm>>
      %dma_wait3A_196 = arith.constant 0 : i32
      %dma_wait3A_197 = arith.constant 0 : i32
      %dma_wait3A_198 = tpu.memref_slice %dma_wait3A_195[%dma_wait3A_196, %dma_wait3A_197] : memref<25600x128xf32, #tpu.memory_space<hbm>> -> memref<25600x128xf32, #tpu.memory_space<hbm>>
      tpu.wait_indirect_dma semaphore(%arg14 : memref<!tpu.dma_semaphore, #tpu.memory_space<semaphore_mem>>) src(%dma_wait3A_198 : memref<25600x128xf32, #tpu.memory_space<hbm>>) dst(%dma_wait3A_189 : memref<128x128xf32, #tpu.memory_space<vmem>>)
      %dma_wait3A_199 = arith.constant 128 : i32
      %dma_wait3A_200 = arith.constant 0 : i32
      %dma_wait3A_201 = tpu.memref_slice %arg13[%dma_wait3A_199, %dma_wait3A_200] : memref<512x128xf32, #tpu.memory_space<vmem>> -> memref<128x128xf32, #tpu.memory_space<vmem>>
      %dma_wait3A_202 = arith.constant 640 : i32
      %dma_wait3A_203 = tpu.memref_slice %arg11[%dma_wait3A_202] : memref<1040xi32, #tpu.memory_space<vmem>> -> memref<128xi32, #tpu.memory_space<vmem>>
      %dma_wait3A_204 = arith.constant 0 : i32
      %dma_wait3A_205 = arith.constant 0 : i32
      %dma_wait3A_206 = tpu.memref_slice %arg4[%add3A, %dma_wait3A_204, %dma_wait3A_205] : memref<8x25600x128xf32, #tpu.memory_space<hbm>> -> memref<1x25600x128xf32, #tpu.memory_space<hbm>>
      %dma_wait3A_207 = tpu.memref_squeeze %dma_wait3A_206 : memref<1x25600x128xf32, #tpu.memory_space<hbm>> -> memref<25600x128xf32, #tpu.memory_space<hbm>>
      %dma_wait3A_208 = arith.constant 0 : i32
      %dma_wait3A_209 = arith.constant 0 : i32
      %dma_wait3A_210 = tpu.memref_slice %dma_wait3A_207[%dma_wait3A_208, %dma_wait3A_209] : memref<25600x128xf32, #tpu.memory_space<hbm>> -> memref<25600x128xf32, #tpu.memory_space<hbm>>
      tpu.wait_indirect_dma semaphore(%arg14 : memref<!tpu.dma_semaphore, #tpu.memory_space<semaphore_mem>>) src(%dma_wait3A_210 : memref<25600x128xf32, #tpu.memory_space<hbm>>) dst(%dma_wait3A_201 : memref<128x128xf32, #tpu.memory_space<vmem>>)
      %dma_wait3A_211 = arith.constant 256 : i32
      %dma_wait3A_212 = arith.constant 0 : i32
      %dma_wait3A_213 = tpu.memref_slice %arg13[%dma_wait3A_211, %dma_wait3A_212] : memref<512x128xf32, #tpu.memory_space<vmem>> -> memref<128x128xf32, #tpu.memory_space<vmem>>
      %dma_wait3A_214 = arith.constant 768 : i32
      %dma_wait3A_215 = tpu.memref_slice %arg11[%dma_wait3A_214] : memref<1040xi32, #tpu.memory_space<vmem>> -> memref<128xi32, #tpu.memory_space<vmem>>
      %dma_wait3A_216 = arith.constant 0 : i32
      %dma_wait3A_217 = arith.constant 0 : i32
      %dma_wait3A_218 = tpu.memref_slice %arg4[%add3A, %dma_wait3A_216, %dma_wait3A_217] : memref<8x25600x128xf32, #tpu.memory_space<hbm>> -> memref<1x25600x128xf32, #tpu.memory_space<hbm>>
      %dma_wait3A_219 = tpu.memref_squeeze %dma_wait3A_218 : memref<1x25600x128xf32, #tpu.memory_space<hbm>> -> memref<25600x128xf32, #tpu.memory_space<hbm>>
      %dma_wait3A_220 = arith.constant 0 : i32
      %dma_wait3A_221 = arith.constant 0 : i32
      %dma_wait3A_222 = tpu.memref_slice %dma_wait3A_219[%dma_wait3A_220, %dma_wait3A_221] : memref<25600x128xf32, #tpu.memory_space<hbm>> -> memref<25600x128xf32, #tpu.memory_space<hbm>>
      tpu.wait_indirect_dma semaphore(%arg14 : memref<!tpu.dma_semaphore, #tpu.memory_space<semaphore_mem>>) src(%dma_wait3A_222 : memref<25600x128xf32, #tpu.memory_space<hbm>>) dst(%dma_wait3A_213 : memref<128x128xf32, #tpu.memory_space<vmem>>)
      %dma_wait3A_223 = arith.constant 384 : i32
      %dma_wait3A_224 = arith.constant 0 : i32
      %dma_wait3A_225 = tpu.memref_slice %arg13[%dma_wait3A_223, %dma_wait3A_224] : memref<512x128xf32, #tpu.memory_space<vmem>> -> memref<128x128xf32, #tpu.memory_space<vmem>>
      %dma_wait3A_226 = arith.constant 896 : i32
      %dma_wait3A_227 = tpu.memref_slice %arg11[%dma_wait3A_226] : memref<1040xi32, #tpu.memory_space<vmem>> -> memref<128xi32, #tpu.memory_space<vmem>>
      %dma_wait3A_228 = arith.constant 0 : i32
      %dma_wait3A_229 = arith.constant 0 : i32
      %dma_wait3A_230 = tpu.memref_slice %arg4[%add3A, %dma_wait3A_228, %dma_wait3A_229] : memref<8x25600x128xf32, #tpu.memory_space<hbm>> -> memref<1x25600x128xf32, #tpu.memory_space<hbm>>
      %dma_wait3A_231 = tpu.memref_squeeze %dma_wait3A_230 : memref<1x25600x128xf32, #tpu.memory_space<hbm>> -> memref<25600x128xf32, #tpu.memory_space<hbm>>
      %dma_wait3A_232 = arith.constant 0 : i32
      %dma_wait3A_233 = arith.constant 0 : i32
      %dma_wait3A_234 = tpu.memref_slice %dma_wait3A_231[%dma_wait3A_232, %dma_wait3A_233] : memref<25600x128xf32, #tpu.memory_space<hbm>> -> memref<25600x128xf32, #tpu.memory_space<hbm>>
      tpu.wait_indirect_dma semaphore(%arg14 : memref<!tpu.dma_semaphore, #tpu.memory_space<semaphore_mem>>) src(%dma_wait3A_234 : memref<25600x128xf32, #tpu.memory_space<hbm>>) dst(%dma_wait3A_225 : memref<128x128xf32, #tpu.memory_space<vmem>>)
      "tpu.region"() ({
        %run_scoped3A = tpu.sem_alloc : memref<!tpu.dma_semaphore, #tpu.memory_space<semaphore_mem>>
        %dma_start3A_235 = arith.constant 512 : i32
        %dma_start3A_236 = arith.constant 0 : i32
        %dma_start3A_237 = tpu.memref_slice %arg7[%add3A, %dma_start3A_235, %dma_start3A_236] : memref<8x1024x128xf32, #tpu.memory_space<hbm>> -> memref<1x512x128xf32, #tpu.memory_space<hbm>>
        %dma_start3A_238 = tpu.memref_squeeze %dma_start3A_237 : memref<1x512x128xf32, #tpu.memory_space<hbm>> -> memref<512x128xf32, #tpu.memory_space<hbm>>
        %dma_start3A_239 = arith.constant 512 : i32
        %dma_start3A_240 = arith.constant 0 : i32
        %dma_start3A_241 = tpu.memref_slice %arg7[%add3A, %dma_start3A_239, %dma_start3A_240] : memref<8x1024x128xf32, #tpu.memory_space<hbm>> -> memref<1x512x128xf32, #tpu.memory_space<hbm>>
        %dma_start3A_242 = tpu.memref_squeeze %dma_start3A_241 : memref<1x512x128xf32, #tpu.memory_space<hbm>> -> memref<512x128xf32, #tpu.memory_space<hbm>>
        tpu.enqueue_dma source(%arg13 : memref<512x128xf32, #tpu.memory_space<vmem>>) target(%dma_start3A_242 : memref<512x128xf32, #tpu.memory_space<hbm>>) target_semaphore(%run_scoped3A : memref<!tpu.dma_semaphore, #tpu.memory_space<semaphore_mem>>)
        %dma_wait3A_243 = arith.constant 512 : i32
        %dma_wait3A_244 = arith.constant 0 : i32
        %dma_wait3A_245 = tpu.memref_slice %arg7[%add3A, %dma_wait3A_243, %dma_wait3A_244] : memref<8x1024x128xf32, #tpu.memory_space<hbm>> -> memref<1x512x128xf32, #tpu.memory_space<hbm>>
        %dma_wait3A_246 = tpu.memref_squeeze %dma_wait3A_245 : memref<1x512x128xf32, #tpu.memory_space<hbm>> -> memref<512x128xf32, #tpu.memory_space<hbm>>
        %dma_wait3A_247 = arith.constant 512 : i32
        %dma_wait3A_248 = arith.constant 0 : i32
        %dma_wait3A_249 = tpu.memref_slice %arg7[%add3A, %dma_wait3A_247, %dma_wait3A_248] : memref<8x1024x128xf32, #tpu.memory_space<hbm>> -> memref<1x512x128xf32, #tpu.memory_space<hbm>>
        %dma_wait3A_250 = tpu.memref_squeeze %dma_wait3A_249 : memref<1x512x128xf32, #tpu.memory_space<hbm>> -> memref<512x128xf32, #tpu.memory_space<hbm>>
        tpu.wait_dma2 semaphore(%run_scoped3A : memref<!tpu.dma_semaphore, #tpu.memory_space<semaphore_mem>>) src(%arg13 : memref<512x128xf32, #tpu.memory_space<vmem>>) dst(%dma_wait3A_250 : memref<512x128xf32, #tpu.memory_space<hbm>>)
        tpu.yield
      }) : () -> ()
      "tpu.region"() ({
        %run_scoped3A = tpu.sem_alloc : memref<!tpu.dma_semaphore, #tpu.memory_space<semaphore_mem>>
        %dma_start3A_235 = arith.constant 0 : i32
        %dma_start3A_236 = tpu.memref_slice %arg11[%dma_start3A_235] : memref<1040xi32, #tpu.memory_space<vmem>> -> memref<1024xi32, #tpu.memory_space<vmem>>
        %dma_start3A_237 = arith.constant 0 : i32
        %dma_start3A_238 = tpu.memref_slice %arg5[%add3A, %dma_start3A_237] : memref<8x1024xi32, #tpu.memory_space<hbm>> -> memref<1x1024xi32, #tpu.memory_space<hbm>>
        %dma_start3A_239 = tpu.memref_squeeze %dma_start3A_238 : memref<1x1024xi32, #tpu.memory_space<hbm>> -> memref<1024xi32, #tpu.memory_space<hbm>>
        %dma_start3A_240 = arith.constant 0 : i32
        %dma_start3A_241 = tpu.memref_slice %arg5[%add3A, %dma_start3A_240] : memref<8x1024xi32, #tpu.memory_space<hbm>> -> memref<1x1024xi32, #tpu.memory_space<hbm>>
        %dma_start3A_242 = tpu.memref_squeeze %dma_start3A_241 : memref<1x1024xi32, #tpu.memory_space<hbm>> -> memref<1024xi32, #tpu.memory_space<hbm>>
        %dma_start3A_243 = arith.constant 0 : i32
        %dma_start3A_244 = tpu.memref_slice %arg11[%dma_start3A_243] : memref<1040xi32, #tpu.memory_space<vmem>> -> memref<1024xi32, #tpu.memory_space<vmem>>
        tpu.enqueue_dma source(%dma_start3A_244 : memref<1024xi32, #tpu.memory_space<vmem>>) target(%dma_start3A_242 : memref<1024xi32, #tpu.memory_space<hbm>>) target_semaphore(%run_scoped3A : memref<!tpu.dma_semaphore, #tpu.memory_space<semaphore_mem>>)
        %dma_wait3A_245 = arith.constant 0 : i32
        %dma_wait3A_246 = tpu.memref_slice %arg11[%dma_wait3A_245] : memref<1040xi32, #tpu.memory_space<vmem>> -> memref<1024xi32, #tpu.memory_space<vmem>>
        %dma_wait3A_247 = arith.constant 0 : i32
        %dma_wait3A_248 = tpu.memref_slice %arg5[%add3A, %dma_wait3A_247] : memref<8x1024xi32, #tpu.memory_space<hbm>> -> memref<1x1024xi32, #tpu.memory_space<hbm>>
        %dma_wait3A_249 = tpu.memref_squeeze %dma_wait3A_248 : memref<1x1024xi32, #tpu.memory_space<hbm>> -> memref<1024xi32, #tpu.memory_space<hbm>>
        %dma_wait3A_250 = arith.constant 0 : i32
        %dma_wait3A_251 = tpu.memref_slice %arg5[%add3A, %dma_wait3A_250] : memref<8x1024xi32, #tpu.memory_space<hbm>> -> memref<1x1024xi32, #tpu.memory_space<hbm>>
        %dma_wait3A_252 = tpu.memref_squeeze %dma_wait3A_251 : memref<1x1024xi32, #tpu.memory_space<hbm>> -> memref<1024xi32, #tpu.memory_space<hbm>>
        %dma_wait3A_253 = arith.constant 0 : i32
        %dma_wait3A_254 = tpu.memref_slice %arg11[%dma_wait3A_253] : memref<1040xi32, #tpu.memory_space<vmem>> -> memref<1024xi32, #tpu.memory_space<vmem>>
        tpu.wait_dma2 semaphore(%run_scoped3A : memref<!tpu.dma_semaphore, #tpu.memory_space<semaphore_mem>>) src(%dma_wait3A_254 : memref<1024xi32, #tpu.memory_space<vmem>>) dst(%dma_wait3A_252 : memref<1024xi32, #tpu.memory_space<hbm>>)
        tpu.yield
      }) : () -> ()
      "tpu.region"() ({
        %run_scoped3A = tpu.sem_alloc : memref<!tpu.dma_semaphore, #tpu.memory_space<semaphore_mem>>
        %dma_start3A_235 = arith.constant 0 : i32
        %dma_start3A_236 = tpu.memref_slice %arg12[%dma_start3A_235] : memref<1040xf32, #tpu.memory_space<vmem>> -> memref<1024xf32, #tpu.memory_space<vmem>>
        %dma_start3A_237 = arith.constant 0 : i32
        %dma_start3A_238 = tpu.memref_slice %arg6[%add3A, %dma_start3A_237] : memref<8x1024xf32, #tpu.memory_space<hbm>> -> memref<1x1024xf32, #tpu.memory_space<hbm>>
        %dma_start3A_239 = tpu.memref_squeeze %dma_start3A_238 : memref<1x1024xf32, #tpu.memory_space<hbm>> -> memref<1024xf32, #tpu.memory_space<hbm>>
        %dma_start3A_240 = arith.constant 0 : i32
        %dma_start3A_241 = tpu.memref_slice %arg6[%add3A, %dma_start3A_240] : memref<8x1024xf32, #tpu.memory_space<hbm>> -> memref<1x1024xf32, #tpu.memory_space<hbm>>
        %dma_start3A_242 = tpu.memref_squeeze %dma_start3A_241 : memref<1x1024xf32, #tpu.memory_space<hbm>> -> memref<1024xf32, #tpu.memory_space<hbm>>
        %dma_start3A_243 = arith.constant 0 : i32
        %dma_start3A_244 = tpu.memref_slice %arg12[%dma_start3A_243] : memref<1040xf32, #tpu.memory_space<vmem>> -> memref<1024xf32, #tpu.memory_space<vmem>>
        tpu.enqueue_dma source(%dma_start3A_244 : memref<1024xf32, #tpu.memory_space<vmem>>) target(%dma_start3A_242 : memref<1024xf32, #tpu.memory_space<hbm>>) target_semaphore(%run_scoped3A : memref<!tpu.dma_semaphore, #tpu.memory_space<semaphore_mem>>)
        %dma_wait3A_245 = arith.constant 0 : i32
        %dma_wait3A_246 = tpu.memref_slice %arg12[%dma_wait3A_245] : memref<1040xf32, #tpu.memory_space<vmem>> -> memref<1024xf32, #tpu.memory_space<vmem>>
        %dma_wait3A_247 = arith.constant 0 : i32
        %dma_wait3A_248 = tpu.memref_slice %arg6[%add3A, %dma_wait3A_247] : memref<8x1024xf32, #tpu.memory_space<hbm>> -> memref<1x1024xf32, #tpu.memory_space<hbm>>
        %dma_wait3A_249 = tpu.memref_squeeze %dma_wait3A_248 : memref<1x1024xf32, #tpu.memory_space<hbm>> -> memref<1024xf32, #tpu.memory_space<hbm>>
        %dma_wait3A_250 = arith.constant 0 : i32
        %dma_wait3A_251 = tpu.memref_slice %arg6[%add3A, %dma_wait3A_250] : memref<8x1024xf32, #tpu.memory_space<hbm>> -> memref<1x1024xf32, #tpu.memory_space<hbm>>
        %dma_wait3A_252 = tpu.memref_squeeze %dma_wait3A_251 : memref<1x1024xf32, #tpu.memory_space<hbm>> -> memref<1024xf32, #tpu.memory_space<hbm>>
        %dma_wait3A_253 = arith.constant 0 : i32
        %dma_wait3A_254 = tpu.memref_slice %arg12[%dma_wait3A_253] : memref<1040xf32, #tpu.memory_space<vmem>> -> memref<1024xf32, #tpu.memory_space<vmem>>
        tpu.wait_dma2 semaphore(%run_scoped3A : memref<!tpu.dma_semaphore, #tpu.memory_space<semaphore_mem>>) src(%dma_wait3A_254 : memref<1024xf32, #tpu.memory_space<vmem>>) dst(%dma_wait3A_252 : memref<1024xf32, #tpu.memory_space<hbm>>)
        tpu.yield
      }) : () -> ()
    } else {
    }
    return
  }
}

module attributes {stable_mosaic.version = 14 : i64} {
  func.func @_peak_kernel(%arg0: i32, %arg1: memref<1x160x160xf32, #tpu.memory_space<vmem>>, %arg2: memref<1x160x160xf32, #tpu.memory_space<vmem>>) attributes {dimension_semantics = [#tpu.dimension_semantics<arbitrary>], iteration_bounds = array<i64: 8>, scalar_prefetch = 0 : i64, scratch_operands = 0 : i64, tpu.core_type = #tpu.core_type<tc>, window_params = [{transform_indices = @transform_0, window_bounds = array<i64: 1, 160, 160>}, {transform_indices = @transform_1, window_bounds = array<i64: 1, 160, 160>}]} {
    %get3A = arith.constant 0 : index
    %get3A_0 = arith.constant 0 : index
    %get3A_1 = arith.constant 0 : index
    %get3A_2 = vector.load %arg1[%get3A, %get3A_0, %get3A_1] : memref<1x160x160xf32, #tpu.memory_space<vmem>>, vector<1x160x160xf32>
    %get3A_3 = vector.shape_cast %get3A_2 : vector<1x160x160xf32> to vector<160x160xf32>
    %broadcast_in_dim3A = arith.constant 0xFF800000 : f32
    %broadcast_in_dim3A_4 = vector.broadcast %broadcast_in_dim3A : f32 to vector<1x160xf32>
    %slice3A = vector.extract_strided_slice %get3A_3 {offsets = [1, 0], sizes = [159, 160], strides = [1, 1]} : vector<160x160xf32> to vector<159x160xf32>
    %concatenate3A = tpu.concatenate %slice3A, %broadcast_in_dim3A_4 in 0 : vector<159x160xf32>, vector<1x160xf32> -> vector<160x160xf32>
    %slice3A_5 = vector.extract_strided_slice %get3A_3 {offsets = [0, 0], sizes = [159, 160], strides = [1, 1]} : vector<160x160xf32> to vector<159x160xf32>
    %concatenate3A_6 = tpu.concatenate %broadcast_in_dim3A_4, %slice3A_5 in 0 : vector<1x160xf32>, vector<159x160xf32> -> vector<160x160xf32>
    %max3A = arith.maximumf %concatenate3A, %concatenate3A_6 : vector<160x160xf32>
    %max3A_7 = arith.maximumf %get3A_3, %max3A : vector<160x160xf32>
    %broadcast_in_dim3A_8 = arith.constant 0xFF800000 : f32
    %broadcast_in_dim3A_9 = vector.broadcast %broadcast_in_dim3A_8 : f32 to vector<160x1xf32>
    %slice3A_10 = vector.extract_strided_slice %max3A_7 {offsets = [0, 1], sizes = [160, 159], strides = [1, 1]} : vector<160x160xf32> to vector<160x159xf32>
    %concatenate3A_11 = tpu.concatenate %slice3A_10, %broadcast_in_dim3A_9 in 1 : vector<160x159xf32>, vector<160x1xf32> -> vector<160x160xf32>
    %slice3A_12 = vector.extract_strided_slice %max3A_7 {offsets = [0, 0], sizes = [160, 159], strides = [1, 1]} : vector<160x160xf32> to vector<160x159xf32>
    %concatenate3A_13 = tpu.concatenate %broadcast_in_dim3A_9, %slice3A_12 in 1 : vector<160x1xf32>, vector<160x159xf32> -> vector<160x160xf32>
    %max3A_14 = arith.maximumf %concatenate3A_11, %concatenate3A_13 : vector<160x160xf32>
    %max3A_15 = arith.maximumf %max3A_7, %max3A_14 : vector<160x160xf32>
    %eq3A = arith.cmpf oeq, %max3A_15, %get3A_3 : vector<160x160xf32>
    %jit3A = arith.constant 0.000000e+00 : f32
    %broadcast_in_dim3A_16 = vector.broadcast %jit3A : f32 to vector<160x160xf32>
    %select_n3A = arith.select %eq3A, %get3A_3, %broadcast_in_dim3A_16 : vector<160x160xi1>, vector<160x160xf32>
    %swap3A = arith.constant 0 : index
    %swap3A_17 = arith.constant 0 : index
    %swap3A_18 = arith.constant 0 : index
    %swap3A_19 = vector.load %arg2[%swap3A, %swap3A_17, %swap3A_18] : memref<1x160x160xf32, #tpu.memory_space<vmem>>, vector<1x160x160xf32>
    %swap3A_20 = vector.shape_cast %swap3A_19 : vector<1x160x160xf32> to vector<160x160xf32>
    %swap3A_21 = vector.shape_cast %select_n3A : vector<160x160xf32> to vector<1x160x160xf32>
    tpu.vector_store %arg2[%swap3A, %swap3A_17, %swap3A_18], %swap3A_21 {strides = array<i32>} : memref<1x160x160xf32, #tpu.memory_space<vmem>>, vector<1x160x160xf32>,
    return
  }
  func.func @transform_0(%arg0: i32) -> (i32, i32, i32) {
    %c0_i32 = arith.constant 0 : i32
    %c0_i32_0 = arith.constant 0 : i32
    %c0_i32_1 = arith.constant 0 : i32
    return %arg0, %c0_i32, %c0_i32_0 : i32, i32, i32
  }
  func.func @transform_1(%arg0: i32) -> (i32, i32, i32) {
    %c0_i32 = arith.constant 0 : i32
    %c0_i32_0 = arith.constant 0 : i32
    %c0_i32_1 = arith.constant 0 : i32
    return %arg0, %c0_i32, %c0_i32_0 : i32, i32, i32
  }
}

module attributes {stable_mosaic.version = 14 : i64} {
  func.func @_search_kernel(%arg0: memref<8x25600xf32, #tpu.memory_space<vmem>>, %arg1: memref<8x128xi32, #tpu.memory_space<vmem>>) attributes {dimension_semantics = [], scalar_prefetch = 0 : i64, scratch_operands = 0 : i64, tpu.core_type = #tpu.core_type<tc>} {
    %get3A = arith.constant 0 : index
    %get3A_0 = arith.constant 0 : index
    %get3A_1 = vector.load %arg0[%get3A, %get3A_0] : memref<8x25600xf32, #tpu.memory_space<vmem>>, vector<8x25600xf32>
    %bitcast_convert_type3A = tpu.bitcast %get3A_1 : vector<8x25600xf32> -> vector<8x25600xi32>
    %broadcast_in_dim3A = arith.constant 0 : i32
    %broadcast_in_dim3A_2 = vector.broadcast %broadcast_in_dim3A : i32 to vector<8x1xi32>
    %broadcast_in_dim3A_3 = arith.constant 2139095040 : i32
    %broadcast_in_dim3A_4 = vector.broadcast %broadcast_in_dim3A_3 : i32 to vector<8x1xi32>
    %scan3A = arith.constant 0 : i32
    %scan3A_5 = arith.constant 31 : i32
    %scan3A_6 = arith.addi %scan3A, %scan3A_5 : i32
    %scan3A_7 = arith.constant 1 : i32
    %scan3A_8:2 = scf.for %scan3A_27 = %scan3A to %scan3A_6 step %scan3A_7 iter_args(%scan3A_28 = %broadcast_in_dim3A_2, %scan3A_29 = %broadcast_in_dim3A_4) -> (vector<8x1xi32>, vector<8x1xi32>)  : i32 {
      %sub3A_30 = arith.subi %scan3A_29, %scan3A_28 : vector<8x1xi32>
      %add3A = arith.constant 1 : i32
      %add3A_31 = vector.broadcast %add3A : i32 to vector<8x1xi32>
      %add3A_32 = arith.addi %sub3A_30, %add3A_31 : vector<8x1xi32>
      %shift_right_arithmetic3A = arith.constant 1 : i32
      %shift_right_arithmetic3A_33 = vector.broadcast %shift_right_arithmetic3A : i32 to vector<8x1xi32>
      %shift_right_arithmetic3A_34 = arith.shrsi %add3A_32, %shift_right_arithmetic3A_33 : vector<8x1xi32>
      %add3A_35 = arith.addi %scan3A_28, %shift_right_arithmetic3A_34 : vector<8x1xi32>
      %ge3A = vector.broadcast %add3A_35 : vector<8x1xi32> to vector<8x25600xi32>
      %ge3A_36 = arith.cmpi sge, %bitcast_convert_type3A, %ge3A : vector<8x25600xi32>
      %convert_element_type3A_37 = arith.extui %ge3A_36 : vector<8x25600xi1> to vector<8x25600xi32>
      %reduce_sum3A_38 = arith.constant dense<0> : vector<8xi32>
      %reduce_sum3A_39 = vector.multi_reduction <add>, %convert_element_type3A_37, %reduce_sum3A_38 [1] : vector<8x25600xi32> to vector<8xi32>
      %broadcast_in_dim3A_40 = vector.shape_cast %reduce_sum3A_39 : vector<8xi32> to vector<8x1xi32>
      %ge3A_41 = arith.constant 1000 : i32
      %ge3A_42 = vector.broadcast %ge3A_41 : i32 to vector<8x1xi32>
      %ge3A_43 = arith.cmpi sge, %broadcast_in_dim3A_40, %ge3A_42 : vector<8x1xi32>
      %select_n3A_44 = arith.select %ge3A_43, %add3A_35, %scan3A_28 : vector<8x1xi1>, vector<8x1xi32>
      %sub3A_45 = arith.constant 1 : i32
      %sub3A_46 = vector.broadcast %sub3A_45 : i32 to vector<8x1xi32>
      %sub3A_47 = arith.subi %add3A_35, %sub3A_46 : vector<8x1xi32>
      %select_n3A_48 = arith.select %ge3A_43, %scan3A_29, %sub3A_47 : vector<8x1xi1>, vector<8x1xi32>
      scf.yield %select_n3A_44, %select_n3A_48 : vector<8x1xi32>, vector<8x1xi32>
    }
    %gt3A = vector.broadcast %scan3A_8#0 : vector<8x1xi32> to vector<8x25600xi32>
    %gt3A_9 = arith.cmpi sgt, %bitcast_convert_type3A, %gt3A : vector<8x25600xi32>
    %convert_element_type3A = arith.extui %gt3A_9 : vector<8x25600xi1> to vector<8x25600xi32>
    %reduce_sum3A = arith.constant dense<0> : vector<8xi32>
    %reduce_sum3A_10 = vector.multi_reduction <add>, %convert_element_type3A, %reduce_sum3A [1] : vector<8x25600xi32> to vector<8xi32>
    %broadcast_in_dim3A_11 = vector.shape_cast %reduce_sum3A_10 : vector<8xi32> to vector<8x1xi32>
    %sub3A = arith.constant 1000 : i32
    %sub3A_12 = vector.broadcast %sub3A : i32 to vector<8x1xi32>
    %sub3A_13 = arith.subi %sub3A_12, %broadcast_in_dim3A_11 : vector<8x1xi32>
    %iota3A = tpu.iota {dimensions = array<i32: 1>} : vector<8x128xi32>
    %lt3A = arith.constant 16 : i32
    %lt3A_14 = vector.broadcast %lt3A : i32 to vector<8x128xi32>
    %lt3A_15 = arith.cmpi slt, %iota3A, %lt3A_14 : vector<8x128xi32>
    %lt3A_16 = arith.constant 32 : i32
    %lt3A_17 = vector.broadcast %lt3A_16 : i32 to vector<8x128xi32>
    %lt3A_18 = arith.cmpi slt, %iota3A, %lt3A_17 : vector<8x128xi32>
    %jit3A = arith.constant 0 : i32
    %broadcast_in_dim3A_19 = vector.shape_cast %sub3A_13 : vector<8x1xi32> to vector<8x1xi32>
    %broadcast_in_dim3A_20 = vector.broadcast %broadcast_in_dim3A_19 : vector<8x1xi32> to vector<8x128xi32>
    %broadcast_in_dim3A_21 = vector.broadcast %jit3A : i32 to vector<8x128xi32>
    %select_n3A = arith.select %lt3A_18, %broadcast_in_dim3A_20, %broadcast_in_dim3A_21 : vector<8x128xi1>, vector<8x128xi32>
    %broadcast_in_dim3A_22 = vector.shape_cast %scan3A_8#0 : vector<8x1xi32> to vector<8x1xi32>
    %broadcast_in_dim3A_23 = vector.broadcast %broadcast_in_dim3A_22 : vector<8x1xi32> to vector<8x128xi32>
    %select_n3A_24 = arith.select %lt3A_15, %broadcast_in_dim3A_23, %select_n3A : vector<8x128xi1>, vector<8x128xi32>
    %swap3A = arith.constant 0 : index
    %swap3A_25 = arith.constant 0 : index
    %swap3A_26 = vector.load %arg1[%swap3A, %swap3A_25] : memref<8x128xi32, #tpu.memory_space<vmem>>, vector<8x128xi32>
    tpu.vector_store %arg1[%swap3A, %swap3A_25], %select_n3A_24 {strides = array<i32>} : memref<8x128xi32, #tpu.memory_space<vmem>>, vector<8x128xi32>,
    return
  }
}

module attributes {stable_mosaic.version = 14 : i64} {
  func.func @_lambda_(%arg0: i32, %arg1: memref<1x1024x128xf32, #tpu.memory_space<vmem>>, %arg2: memref<1x1x1024xi32, #tpu.memory_space<vmem>>, %arg3: memref<1x1x1024xf32, #tpu.memory_space<vmem>>, %arg4: memref<8x2xf32, #tpu.memory_space<smem>>, %arg5: memref<214x92xf32, #tpu.memory_space<vmem>>, %arg6: memref<1x1x1024xf32, #tpu.memory_space<vmem>>, %arg7: memref<1x1x1024xf32, #tpu.memory_space<vmem>>, %arg8: memref<1x1x1024xf32, #tpu.memory_space<vmem>>, %arg9: memref<1x1x1024xf32, #tpu.memory_space<vmem>>, %arg10: memref<1x1x1024xf32, #tpu.memory_space<vmem>>, %arg11: memref<1x1x1024xf32, #tpu.memory_space<vmem>>, %arg12: memref<1x1x1024xf32, #tpu.memory_space<vmem>>, %arg13: memref<1x1x1024xf32, #tpu.memory_space<vmem>>, %arg14: memref<1x1x1024xf32, #tpu.memory_space<vmem>>, %arg15: memref<1x1x1024xf32, #tpu.memory_space<vmem>>, %arg16: memref<1x1x1024xf32, #tpu.memory_space<vmem>>, %arg17: memref<1x68x1024xf32, #tpu.memory_space<vmem>>, %arg18: memref<1x68x1024xf32, #tpu.memory_space<vmem>>) attributes {dimension_semantics = [#tpu.dimension_semantics<arbitrary>], iteration_bounds = array<i64: 8>, scalar_prefetch = 0 : i64, scratch_operands = 0 : i64, tpu.core_type = #tpu.core_type<tc>, window_params = [{transform_indices = @transform_0, window_bounds = array<i64: 1, 1024, 128>}, {transform_indices = @transform_1, window_bounds = array<i64: 1, 1, 1024>}, {transform_indices = @transform_2, window_bounds = array<i64: 1, 1, 1024>}, {transform_indices = @transform_3, window_bounds = array<i64: 8, 2>}, {pipeline_mode = #tpu.pipeline_mode<synchronous>, transform_indices = @transform_4, window_bounds = array<i64: 214, 92>}, {transform_indices = @transform_5, window_bounds = array<i64: 1, 1, 1024>}, {transform_indices = @transform_6, window_bounds = array<i64: 1, 1, 1024>}, {transform_indices = @transform_7, window_bounds = array<i64: 1, 1, 1024>}, {transform_indices = @transform_8, window_bounds = array<i64: 1, 1, 1024>}, {transform_indices = @transform_9, window_bounds = array<i64: 1, 1, 1024>}, {transform_indices = @transform_10, window_bounds = array<i64: 1, 1, 1024>}, {transform_indices = @transform_11, window_bounds = array<i64: 1, 1, 1024>}, {transform_indices = @transform_12, window_bounds = array<i64: 1, 1, 1024>}, {transform_indices = @transform_13, window_bounds = array<i64: 1, 1, 1024>}, {transform_indices = @transform_14, window_bounds = array<i64: 1, 1, 1024>}, {transform_indices = @transform_15, window_bounds = array<i64: 1, 1, 1024>}, {transform_indices = @transform_16, window_bounds = array<i64: 1, 68, 1024>}, {transform_indices = @transform_17, window_bounds = array<i64: 1, 68, 1024>}]} {
    %get3A = arith.constant 0 : index
    %get3A_0 = arith.constant 0 : index
    %get3A_1 = arith.constant 0 : index
    %get3A_2 = vector.load %arg1[%get3A, %get3A_0, %get3A_1] : memref<1x1024x128xf32, #tpu.memory_space<vmem>>, vector<1x1024x128xf32>
    %get3A_3 = vector.shape_cast %get3A_2 : vector<1x1024x128xf32> to vector<1024x128xf32>
    %slice3A = vector.extract_strided_slice %get3A_3 {offsets = [0, 0], sizes = [1024, 91], strides = [1, 1]} : vector<1024x128xf32> to vector<1024x91xf32>
    %broadcast_in_dim3A = arith.constant 1.000000e+00 : f32
    %broadcast_in_dim3A_4 = vector.broadcast %broadcast_in_dim3A : f32 to vector<1024x1xf32>
    %concatenate3A = tpu.concatenate %slice3A, %broadcast_in_dim3A_4 in 1 : vector<1024x91xf32>, vector<1024x1xf32> -> vector<1024x92xf32>
    %get3A_5 = arith.constant 0 : index
    %get3A_6 = arith.constant 0 : index
    %get3A_7 = vector.load %arg5[%get3A_5, %get3A_6] : memref<214x92xf32, #tpu.memory_space<vmem>>, vector<214x92xf32>
    %dot_general3A = arith.constant dense<0.000000e+00> : vector<214x1024xf32>
    %dot_general3A_8 = tpu.matmul %get3A_7, %concatenate3A, %dot_general3A {dimension_numbers = #tpu.dot_dimension_numbers<[1], [1], [0], [0], [0, 0, 1, 0], [], []>, precision = #tpu.contract_precision<fp32>, transpose_lhs_hint = false} : vector<214x92xf32>, vector<1024x92xf32>, vector<214x1024xf32> -> vector<214x1024xf32>
    %slice3A_9 = vector.extract_strided_slice %dot_general3A_8 {offsets = [0, 0], sizes = [1, 1024], strides = [1, 1]} : vector<214x1024xf32> to vector<1x1024xf32>
    %slice3A_10 = vector.extract_strided_slice %dot_general3A_8 {offsets = [1, 0], sizes = [1, 1024], strides = [1, 1]} : vector<214x1024xf32> to vector<1x1024xf32>
    %slice3A_11 = vector.extract_strided_slice %dot_general3A_8 {offsets = [2, 0], sizes = [1, 1024], strides = [1, 1]} : vector<214x1024xf32> to vector<1x1024xf32>
    %slice3A_12 = vector.extract_strided_slice %dot_general3A_8 {offsets = [3, 0], sizes = [1, 1024], strides = [1, 1]} : vector<214x1024xf32> to vector<1x1024xf32>
    %slice3A_13 = vector.extract_strided_slice %dot_general3A_8 {offsets = [4, 0], sizes = [1, 1024], strides = [1, 1]} : vector<214x1024xf32> to vector<1x1024xf32>
    %slice3A_14 = vector.extract_strided_slice %dot_general3A_8 {offsets = [5, 0], sizes = [1, 1024], strides = [1, 1]} : vector<214x1024xf32> to vector<1x1024xf32>
    %slice3A_15 = vector.extract_strided_slice %dot_general3A_8 {offsets = [6, 0], sizes = [1, 1024], strides = [1, 1]} : vector<214x1024xf32> to vector<1x1024xf32>
    %slice3A_16 = vector.extract_strided_slice %dot_general3A_8 {offsets = [7, 0], sizes = [1, 1024], strides = [1, 1]} : vector<214x1024xf32> to vector<1x1024xf32>
    %slice3A_17 = vector.extract_strided_slice %dot_general3A_8 {offsets = [8, 0], sizes = [1, 1024], strides = [1, 1]} : vector<214x1024xf32> to vector<1x1024xf32>
    %slice3A_18 = vector.extract_strided_slice %dot_general3A_8 {offsets = [9, 0], sizes = [1, 1024], strides = [1, 1]} : vector<214x1024xf32> to vector<1x1024xf32>
    %slice3A_19 = vector.extract_strided_slice %dot_general3A_8 {offsets = [10, 0], sizes = [68, 1024], strides = [1, 1]} : vector<214x1024xf32> to vector<68x1024xf32>
    %slice3A_20 = vector.extract_strided_slice %dot_general3A_8 {offsets = [78, 0], sizes = [68, 1024], strides = [1, 1]} : vector<214x1024xf32> to vector<68x1024xf32>
    %slice3A_21 = vector.extract_strided_slice %dot_general3A_8 {offsets = [146, 0], sizes = [68, 1024], strides = [1, 1]} : vector<214x1024xf32> to vector<68x1024xf32>
    %mul3A = vector.broadcast %slice3A_10 : vector<1x1024xf32> to vector<68x1024xf32>
    %mul3A_22 = arith.mulf %slice3A_19, %mul3A : vector<68x1024xf32>
    %mul3A_23 = vector.broadcast %slice3A_11 : vector<1x1024xf32> to vector<68x1024xf32>
    %mul3A_24 = arith.mulf %slice3A_20, %mul3A_23 : vector<68x1024xf32>
    %add3A = arith.addf %mul3A_22, %mul3A_24 : vector<68x1024xf32>
    %mul3A_25 = vector.broadcast %slice3A_12 : vector<1x1024xf32> to vector<68x1024xf32>
    %mul3A_26 = arith.mulf %slice3A_21, %mul3A_25 : vector<68x1024xf32>
    %add3A_27 = arith.addf %add3A, %mul3A_26 : vector<68x1024xf32>
    %mul3A_28 = vector.broadcast %slice3A_9 : vector<1x1024xf32> to vector<68x1024xf32>
    %mul3A_29 = arith.mulf %mul3A_28, %add3A_27 : vector<68x1024xf32>
    %mul3A_30 = vector.broadcast %slice3A_13 : vector<1x1024xf32> to vector<68x1024xf32>
    %mul3A_31 = arith.mulf %slice3A_19, %mul3A_30 : vector<68x1024xf32>
    %mul3A_32 = vector.broadcast %slice3A_14 : vector<1x1024xf32> to vector<68x1024xf32>
    %mul3A_33 = arith.mulf %slice3A_20, %mul3A_32 : vector<68x1024xf32>
    %add3A_34 = arith.addf %mul3A_31, %mul3A_33 : vector<68x1024xf32>
    %mul3A_35 = vector.broadcast %slice3A_15 : vector<1x1024xf32> to vector<68x1024xf32>
    %mul3A_36 = arith.mulf %slice3A_21, %mul3A_35 : vector<68x1024xf32>
    %add3A_37 = arith.addf %add3A_34, %mul3A_36 : vector<68x1024xf32>
    %mul3A_38 = vector.broadcast %slice3A_9 : vector<1x1024xf32> to vector<68x1024xf32>
    %mul3A_39 = arith.mulf %mul3A_38, %add3A_37 : vector<68x1024xf32>
    %get3A_40 = arith.constant 0 : index
    %get3A_41 = arith.constant 0 : index
    %get3A_42 = arith.constant 0 : index
    %get3A_43 = vector.load %arg2[%get3A_40, %get3A_41, %get3A_42] : memref<1x1x1024xi32, #tpu.memory_space<vmem>>, vector<1x1x1024xi32>
    %get3A_44 = vector.shape_cast %get3A_43 : vector<1x1x1024xi32> to vector<1x1024xi32>
    %jit3A = arith.constant 160 : i32
    %div3A = vector.broadcast %jit3A : i32 to vector<1x1024xi32>
    %div3A_45 = arith.divsi %get3A_44, %div3A : vector<1x1024xi32>
    %sign3A = arith.constant 0 : i32
    %sign3A_46 = vector.broadcast %sign3A : i32 to vector<1x1024xi32>
    %sign3A_47 = arith.cmpi sgt, %get3A_44, %sign3A_46 : vector<1x1024xi32>
    %sign3A_48 = arith.extui %sign3A_47 : vector<1x1024xi1> to vector<1x1024xi32>
    %sign3A_49 = arith.constant 0 : i32
    %sign3A_50 = vector.broadcast %sign3A_49 : i32 to vector<1x1024xi32>
    %sign3A_51 = arith.cmpi slt, %get3A_44, %sign3A_50 : vector<1x1024xi32>
    %sign3A_52 = arith.extui %sign3A_51 : vector<1x1024xi1> to vector<1x1024xi32>
    %sign3A_53 = arith.subi %sign3A_48, %sign3A_52 : vector<1x1024xi32>
    %sign3A_54 = arith.constant 0 : i32
    %sign3A_55 = arith.cmpi sgt, %jit3A, %sign3A_54 : i32
    %sign3A_56 = arith.extui %sign3A_55 : i1 to i32
    %sign3A_57 = arith.constant 0 : i32
    %sign3A_58 = arith.cmpi slt, %jit3A, %sign3A_57 : i32
    %sign3A_59 = arith.extui %sign3A_58 : i1 to i32
    %sign3A_60 = arith.subi %sign3A_56, %sign3A_59 : i32
    %ne3A = vector.broadcast %sign3A_60 : i32 to vector<1x1024xi32>
    %ne3A_61 = arith.cmpi ne, %sign3A_53, %ne3A : vector<1x1024xi32>
    %rem3A = vector.broadcast %jit3A : i32 to vector<1x1024xi32>
    %rem3A_62 = arith.remsi %get3A_44, %rem3A : vector<1x1024xi32>
    %ne3A_63 = arith.constant 0 : i32
    %ne3A_64 = vector.broadcast %ne3A_63 : i32 to vector<1x1024xi32>
    %ne3A_65 = arith.cmpi ne, %rem3A_62, %ne3A_64 : vector<1x1024xi32>
    %and3A = arith.andi %ne3A_61, %ne3A_65 : vector<1x1024xi1>
    %sub3A = arith.constant 1 : i32
    %sub3A_66 = vector.broadcast %sub3A : i32 to vector<1x1024xi32>
    %sub3A_67 = arith.subi %div3A_45, %sub3A_66 : vector<1x1024xi32>
    %select_n3A = arith.select %and3A, %sub3A_67, %div3A_45 : vector<1x1024xi1>, vector<1x1024xi32>
    %convert_element_type3A = arith.sitofp %select_n3A : vector<1x1024xi32> to vector<1x1024xf32>
    %get3A_68 = arith.index_cast %arg0 : i32 to index
    %get3A_69 = arith.constant 0 : index
    %get3A_70 = memref.load %arg4[%get3A_68, %get3A_69] : memref<8x2xf32, #tpu.memory_space<smem>>
    %mul3A_71 = vector.broadcast %get3A_70 : f32 to vector<1x1024xf32>
    %mul3A_72 = arith.mulf %convert_element_type3A, %mul3A_71 : vector<1x1024xf32>
    %jit3A_73 = arith.constant 160 : i32
    %eq3A = arith.constant 0 : i32
    %eq3A_74 = arith.cmpi eq, %jit3A_73, %eq3A : i32
    %jit3A_75 = arith.constant 1 : i32
    %select_n3A_76 = arith.select %eq3A_74, %jit3A_75, %jit3A_73 : i32
    %rem3A_77 = vector.broadcast %select_n3A_76 : i32 to vector<1x1024xi32>
    %rem3A_78 = arith.remsi %get3A_44, %rem3A_77 : vector<1x1024xi32>
    %ne3A_79 = arith.constant 0 : i32
    %ne3A_80 = vector.broadcast %ne3A_79 : i32 to vector<1x1024xi32>
    %ne3A_81 = arith.cmpi ne, %rem3A_78, %ne3A_80 : vector<1x1024xi32>
    %lt3A = arith.constant 0 : i32
    %lt3A_82 = vector.broadcast %lt3A : i32 to vector<1x1024xi32>
    %lt3A_83 = arith.cmpi slt, %rem3A_78, %lt3A_82 : vector<1x1024xi32>
    %lt3A_84 = arith.constant 0 : i32
    %lt3A_85 = arith.cmpi slt, %select_n3A_76, %lt3A_84 : i32
    %ne3A_86 = vector.broadcast %lt3A_85 : i1 to vector<1x1024xi1>
    %ne3A_87 = vector.broadcast %ne3A_86 : vector<1x1024xi1> to vector<1x1024xi1>
    %ne3A_88 = arith.xori %lt3A_83, %ne3A_87 : vector<1x1024xi1>
    %and3A_89 = arith.andi %ne3A_88, %ne3A_81 : vector<1x1024xi1>
    %add3A_90 = vector.broadcast %select_n3A_76 : i32 to vector<1x1024xi32>
    %add3A_91 = arith.addi %rem3A_78, %add3A_90 : vector<1x1024xi32>
    %select_n3A_92 = arith.select %and3A_89, %add3A_91, %rem3A_78 : vector<1x1024xi1>, vector<1x1024xi32>
    %convert_element_type3A_93 = arith.sitofp %select_n3A_92 : vector<1x1024xi32> to vector<1x1024xf32>
    %get3A_94 = arith.index_cast %arg0 : i32 to index
    %get3A_95 = arith.constant 1 : index
    %get3A_96 = memref.load %arg4[%get3A_94, %get3A_95] : memref<8x2xf32, #tpu.memory_space<smem>>
    %mul3A_97 = vector.broadcast %get3A_96 : f32 to vector<1x1024xf32>
    %mul3A_98 = arith.mulf %convert_element_type3A_93, %mul3A_97 : vector<1x1024xf32>
    %add3A_99 = vector.broadcast %mul3A_72 : vector<1x1024xf32> to vector<68x1024xf32>
    %add3A_100 = arith.addf %mul3A_39, %add3A_99 : vector<68x1024xf32>
    %add3A_101 = vector.broadcast %mul3A_98 : vector<1x1024xf32> to vector<68x1024xf32>
    %add3A_102 = arith.addf %mul3A_29, %add3A_101 : vector<68x1024xf32>
    %reduce_min3A = arith.constant dense<0x7F800000> : vector<1024xf32>
    %reduce_min3A_103 = vector.multi_reduction <minimumf>, %add3A_100, %reduce_min3A [0] : vector<68x1024xf32> to vector<1024xf32>
    %broadcast_in_dim3A_104 = vector.shape_cast %reduce_min3A_103 : vector<1024xf32> to vector<1x1024xf32>
    %reduce_min3A_105 = arith.constant dense<0x7F800000> : vector<1024xf32>
    %reduce_min3A_106 = vector.multi_reduction <minimumf>, %add3A_102, %reduce_min3A_105 [0] : vector<68x1024xf32> to vector<1024xf32>
    %broadcast_in_dim3A_107 = vector.shape_cast %reduce_min3A_106 : vector<1024xf32> to vector<1x1024xf32>
    %reduce_max3A = arith.constant dense<0xFF800000> : vector<1024xf32>
    %reduce_max3A_108 = vector.multi_reduction <maximumf>, %add3A_100, %reduce_max3A [0] : vector<68x1024xf32> to vector<1024xf32>
    %broadcast_in_dim3A_109 = vector.shape_cast %reduce_max3A_108 : vector<1024xf32> to vector<1x1024xf32>
    %reduce_max3A_110 = arith.constant dense<0xFF800000> : vector<1024xf32>
    %reduce_max3A_111 = vector.multi_reduction <maximumf>, %add3A_102, %reduce_max3A_110 [0] : vector<68x1024xf32> to vector<1024xf32>
    %broadcast_in_dim3A_112 = vector.shape_cast %reduce_max3A_111 : vector<1024xf32> to vector<1x1024xf32>
    %sub3A_113 = arith.subf %broadcast_in_dim3A_109, %broadcast_in_dim3A_104 : vector<1x1024xf32>
    %sub3A_114 = arith.subf %broadcast_in_dim3A_112, %broadcast_in_dim3A_107 : vector<1x1024xf32>
    %mul3A_115 = arith.mulf %sub3A_113, %sub3A_114 : vector<1x1024xf32>
    %get3A_116 = arith.constant 0 : index
    %get3A_117 = arith.constant 0 : index
    %get3A_118 = arith.constant 0 : index
    %get3A_119 = vector.load %arg3[%get3A_116, %get3A_117, %get3A_118] : memref<1x1x1024xf32, #tpu.memory_space<vmem>>, vector<1x1x1024xf32>
    %get3A_120 = vector.shape_cast %get3A_119 : vector<1x1x1024xf32> to vector<1x1024xf32>
    %swap3A = arith.constant 0 : index
    %swap3A_121 = arith.constant 0 : index
    %swap3A_122 = arith.constant 0 : index
    %swap3A_123 = vector.load %arg6[%swap3A, %swap3A_121, %swap3A_122] : memref<1x1x1024xf32, #tpu.memory_space<vmem>>, vector<1x1x1024xf32>
    %swap3A_124 = vector.shape_cast %swap3A_123 : vector<1x1x1024xf32> to vector<1x1024xf32>
    %swap3A_125 = vector.shape_cast %broadcast_in_dim3A_104 : vector<1x1024xf32> to vector<1x1x1024xf32>
    tpu.vector_store %arg6[%swap3A, %swap3A_121, %swap3A_122], %swap3A_125 {strides = array<i32>} : memref<1x1x1024xf32, #tpu.memory_space<vmem>>, vector<1x1x1024xf32>,
    %swap3A_126 = arith.constant 0 : index
    %swap3A_127 = arith.constant 0 : index
    %swap3A_128 = arith.constant 0 : index
    %swap3A_129 = vector.load %arg7[%swap3A_126, %swap3A_127, %swap3A_128] : memref<1x1x1024xf32, #tpu.memory_space<vmem>>, vector<1x1x1024xf32>
    %swap3A_130 = vector.shape_cast %swap3A_129 : vector<1x1x1024xf32> to vector<1x1024xf32>
    %swap3A_131 = vector.shape_cast %broadcast_in_dim3A_107 : vector<1x1024xf32> to vector<1x1x1024xf32>
    tpu.vector_store %arg7[%swap3A_126, %swap3A_127, %swap3A_128], %swap3A_131 {strides = array<i32>} : memref<1x1x1024xf32, #tpu.memory_space<vmem>>, vector<1x1x1024xf32>,
    %swap3A_132 = arith.constant 0 : index
    %swap3A_133 = arith.constant 0 : index
    %swap3A_134 = arith.constant 0 : index
    %swap3A_135 = vector.load %arg8[%swap3A_132, %swap3A_133, %swap3A_134] : memref<1x1x1024xf32, #tpu.memory_space<vmem>>, vector<1x1x1024xf32>
    %swap3A_136 = vector.shape_cast %swap3A_135 : vector<1x1x1024xf32> to vector<1x1024xf32>
    %swap3A_137 = vector.shape_cast %broadcast_in_dim3A_109 : vector<1x1024xf32> to vector<1x1x1024xf32>
    tpu.vector_store %arg8[%swap3A_132, %swap3A_133, %swap3A_134], %swap3A_137 {strides = array<i32>} : memref<1x1x1024xf32, #tpu.memory_space<vmem>>, vector<1x1x1024xf32>,
    %swap3A_138 = arith.constant 0 : index
    %swap3A_139 = arith.constant 0 : index
    %swap3A_140 = arith.constant 0 : index
    %swap3A_141 = vector.load %arg9[%swap3A_138, %swap3A_139, %swap3A_140] : memref<1x1x1024xf32, #tpu.memory_space<vmem>>, vector<1x1x1024xf32>
    %swap3A_142 = vector.shape_cast %swap3A_141 : vector<1x1x1024xf32> to vector<1x1024xf32>
    %swap3A_143 = vector.shape_cast %broadcast_in_dim3A_112 : vector<1x1024xf32> to vector<1x1x1024xf32>
    tpu.vector_store %arg9[%swap3A_138, %swap3A_139, %swap3A_140], %swap3A_143 {strides = array<i32>} : memref<1x1x1024xf32, #tpu.memory_space<vmem>>, vector<1x1x1024xf32>,
    %swap3A_144 = arith.constant 0 : index
    %swap3A_145 = arith.constant 0 : index
    %swap3A_146 = arith.constant 0 : index
    %swap3A_147 = vector.load %arg10[%swap3A_144, %swap3A_145, %swap3A_146] : memref<1x1x1024xf32, #tpu.memory_space<vmem>>, vector<1x1x1024xf32>
    %swap3A_148 = vector.shape_cast %swap3A_147 : vector<1x1x1024xf32> to vector<1x1024xf32>
    %swap3A_149 = vector.shape_cast %mul3A_115 : vector<1x1024xf32> to vector<1x1x1024xf32>
    tpu.vector_store %arg10[%swap3A_144, %swap3A_145, %swap3A_146], %swap3A_149 {strides = array<i32>} : memref<1x1x1024xf32, #tpu.memory_space<vmem>>, vector<1x1x1024xf32>,
    %swap3A_150 = arith.constant 0 : index
    %swap3A_151 = arith.constant 0 : index
    %swap3A_152 = arith.constant 0 : index
    %swap3A_153 = vector.load %arg11[%swap3A_150, %swap3A_151, %swap3A_152] : memref<1x1x1024xf32, #tpu.memory_space<vmem>>, vector<1x1x1024xf32>
    %swap3A_154 = vector.shape_cast %swap3A_153 : vector<1x1x1024xf32> to vector<1x1024xf32>
    %swap3A_155 = vector.shape_cast %get3A_120 : vector<1x1024xf32> to vector<1x1x1024xf32>
    tpu.vector_store %arg11[%swap3A_150, %swap3A_151, %swap3A_152], %swap3A_155 {strides = array<i32>} : memref<1x1x1024xf32, #tpu.memory_space<vmem>>, vector<1x1x1024xf32>,
    %swap3A_156 = arith.constant 0 : index
    %swap3A_157 = arith.constant 0 : index
    %swap3A_158 = arith.constant 0 : index
    %swap3A_159 = vector.load %arg12[%swap3A_156, %swap3A_157, %swap3A_158] : memref<1x1x1024xf32, #tpu.memory_space<vmem>>, vector<1x1x1024xf32>
    %swap3A_160 = vector.shape_cast %swap3A_159 : vector<1x1x1024xf32> to vector<1x1024xf32>
    %swap3A_161 = vector.shape_cast %slice3A_16 : vector<1x1024xf32> to vector<1x1x1024xf32>
    tpu.vector_store %arg12[%swap3A_156, %swap3A_157, %swap3A_158], %swap3A_161 {strides = array<i32>} : memref<1x1x1024xf32, #tpu.memory_space<vmem>>, vector<1x1x1024xf32>,
    %swap3A_162 = arith.constant 0 : index
    %swap3A_163 = arith.constant 0 : index
    %swap3A_164 = arith.constant 0 : index
    %swap3A_165 = vector.load %arg13[%swap3A_162, %swap3A_163, %swap3A_164] : memref<1x1x1024xf32, #tpu.memory_space<vmem>>, vector<1x1x1024xf32>
    %swap3A_166 = vector.shape_cast %swap3A_165 : vector<1x1x1024xf32> to vector<1x1024xf32>
    %swap3A_167 = vector.shape_cast %slice3A_17 : vector<1x1024xf32> to vector<1x1x1024xf32>
    tpu.vector_store %arg13[%swap3A_162, %swap3A_163, %swap3A_164], %swap3A_167 {strides = array<i32>} : memref<1x1x1024xf32, #tpu.memory_space<vmem>>, vector<1x1x1024xf32>,
    %swap3A_168 = arith.constant 0 : index
    %swap3A_169 = arith.constant 0 : index
    %swap3A_170 = arith.constant 0 : index
    %swap3A_171 = vector.load %arg14[%swap3A_168, %swap3A_169, %swap3A_170] : memref<1x1x1024xf32, #tpu.memory_space<vmem>>, vector<1x1x1024xf32>
    %swap3A_172 = vector.shape_cast %swap3A_171 : vector<1x1x1024xf32> to vector<1x1024xf32>
    %swap3A_173 = vector.shape_cast %slice3A_18 : vector<1x1024xf32> to vector<1x1x1024xf32>
    tpu.vector_store %arg14[%swap3A_168, %swap3A_169, %swap3A_170], %swap3A_173 {strides = array<i32>} : memref<1x1x1024xf32, #tpu.memory_space<vmem>>, vector<1x1x1024xf32>,
    %swap3A_174 = arith.constant 0 : index
    %swap3A_175 = arith.constant 0 : index
    %swap3A_176 = arith.constant 0 : index
    %swap3A_177 = vector.load %arg15[%swap3A_174, %swap3A_175, %swap3A_176] : memref<1x1x1024xf32, #tpu.memory_space<vmem>>, vector<1x1x1024xf32>
    %swap3A_178 = vector.shape_cast %swap3A_177 : vector<1x1x1024xf32> to vector<1x1024xf32>
    %swap3A_179 = vector.shape_cast %slice3A_13 : vector<1x1024xf32> to vector<1x1x1024xf32>
    tpu.vector_store %arg15[%swap3A_174, %swap3A_175, %swap3A_176], %swap3A_179 {strides = array<i32>} : memref<1x1x1024xf32, #tpu.memory_space<vmem>>, vector<1x1x1024xf32>,
    %swap3A_180 = arith.constant 0 : index
    %swap3A_181 = arith.constant 0 : index
    %swap3A_182 = arith.constant 0 : index
    %swap3A_183 = vector.load %arg16[%swap3A_180, %swap3A_181, %swap3A_182] : memref<1x1x1024xf32, #tpu.memory_space<vmem>>, vector<1x1x1024xf32>
    %swap3A_184 = vector.shape_cast %swap3A_183 : vector<1x1x1024xf32> to vector<1x1024xf32>
    %swap3A_185 = vector.shape_cast %slice3A_10 : vector<1x1024xf32> to vector<1x1x1024xf32>
    tpu.vector_store %arg16[%swap3A_180, %swap3A_181, %swap3A_182], %swap3A_185 {strides = array<i32>} : memref<1x1x1024xf32, #tpu.memory_space<vmem>>, vector<1x1x1024xf32>,
    %swap3A_186 = arith.constant 0 : index
    %swap3A_187 = arith.constant 0 : index
    %swap3A_188 = arith.constant 0 : index
    %swap3A_189 = vector.load %arg17[%swap3A_186, %swap3A_187, %swap3A_188] : memref<1x68x1024xf32, #tpu.memory_space<vmem>>, vector<1x68x1024xf32>
    %swap3A_190 = vector.shape_cast %swap3A_189 : vector<1x68x1024xf32> to vector<68x1024xf32>
    %swap3A_191 = vector.shape_cast %add3A_100 : vector<68x1024xf32> to vector<1x68x1024xf32>
    tpu.vector_store %arg17[%swap3A_186, %swap3A_187, %swap3A_188], %swap3A_191 {strides = array<i32>} : memref<1x68x1024xf32, #tpu.memory_space<vmem>>, vector<1x68x1024xf32>,
    %swap3A_192 = arith.constant 0 : index
    %swap3A_193 = arith.constant 0 : index
    %swap3A_194 = arith.constant 0 : index
    %swap3A_195 = vector.load %arg18[%swap3A_192, %swap3A_193, %swap3A_194] : memref<1x68x1024xf32, #tpu.memory_space<vmem>>, vector<1x68x1024xf32>
    %swap3A_196 = vector.shape_cast %swap3A_195 : vector<1x68x1024xf32> to vector<68x1024xf32>
    %swap3A_197 = vector.shape_cast %add3A_102 : vector<68x1024xf32> to vector<1x68x1024xf32>
    tpu.vector_store %arg18[%swap3A_192, %swap3A_193, %swap3A_194], %swap3A_197 {strides = array<i32>} : memref<1x68x1024xf32, #tpu.memory_space<vmem>>, vector<1x68x1024xf32>,
    return
  }
  func.func @transform_0(%arg0: i32) -> (i32, i32, i32) {
    %c0_i32 = arith.constant 0 : i32
    %c0_i32_0 = arith.constant 0 : i32
    %c0_i32_1 = arith.constant 0 : i32
    return %arg0, %c0_i32, %c0_i32_0 : i32, i32, i32
  }
  func.func @transform_1(%arg0: i32) -> (i32, i32, i32) {
    %c0_i32 = arith.constant 0 : i32
    %c0_i32_0 = arith.constant 0 : i32
    %c0_i32_1 = arith.constant 0 : i32
    return %arg0, %c0_i32, %c0_i32_0 : i32, i32, i32
  }
  func.func @transform_2(%arg0: i32) -> (i32, i32, i32) {
    %c0_i32 = arith.constant 0 : i32
    %c0_i32_0 = arith.constant 0 : i32
    %c0_i32_1 = arith.constant 0 : i32
    return %arg0, %c0_i32, %c0_i32_0 : i32, i32, i32
  }
  func.func @transform_3(%arg0: i32) -> (i32, i32) {
    %c0_i32 = arith.constant 0 : i32
    %c0_i32_0 = arith.constant 0 : i32
    %c0_i32_1 = arith.constant 0 : i32
    return %c0_i32, %c0_i32_0 : i32, i32
  }
  func.func @transform_4(%arg0: i32) -> (i32, i32) {
    %c0_i32 = arith.constant 0 : i32
    %c0_i32_0 = arith.constant 0 : i32
    %c0_i32_1 = arith.constant 0 : i32
    return %c0_i32, %c0_i32_0 : i32, i32
  }
  func.func @transform_5(%arg0: i32) -> (i32, i32, i32) {
    %c0_i32 = arith.constant 0 : i32
    %c0_i32_0 = arith.constant 0 : i32
    %c0_i32_1 = arith.constant 0 : i32
    return %arg0, %c0_i32, %c0_i32_0 : i32, i32, i32
  }
  func.func @transform_6(%arg0: i32) -> (i32, i32, i32) {
    %c0_i32 = arith.constant 0 : i32
    %c0_i32_0 = arith.constant 0 : i32
    %c0_i32_1 = arith.constant 0 : i32
    return %arg0, %c0_i32, %c0_i32_0 : i32, i32, i32
  }
  func.func @transform_7(%arg0: i32) -> (i32, i32, i32) {
    %c0_i32 = arith.constant 0 : i32
    %c0_i32_0 = arith.constant 0 : i32
    %c0_i32_1 = arith.constant 0 : i32
    return %arg0, %c0_i32, %c0_i32_0 : i32, i32, i32
  }
  func.func @transform_8(%arg0: i32) -> (i32, i32, i32) {
    %c0_i32 = arith.constant 0 : i32
    %c0_i32_0 = arith.constant 0 : i32
    %c0_i32_1 = arith.constant 0 : i32
    return %arg0, %c0_i32, %c0_i32_0 : i32, i32, i32
  }
  func.func @transform_9(%arg0: i32) -> (i32, i32, i32) {
    %c0_i32 = arith.constant 0 : i32
    %c0_i32_0 = arith.constant 0 : i32
    %c0_i32_1 = arith.constant 0 : i32
    return %arg0, %c0_i32, %c0_i32_0 : i32, i32, i32
  }
  func.func @transform_10(%arg0: i32) -> (i32, i32, i32) {
    %c0_i32 = arith.constant 0 : i32
    %c0_i32_0 = arith.constant 0 : i32
    %c0_i32_1 = arith.constant 0 : i32
    return %arg0, %c0_i32, %c0_i32_0 : i32, i32, i32
  }
  func.func @transform_11(%arg0: i32) -> (i32, i32, i32) {
    %c0_i32 = arith.constant 0 : i32
    %c0_i32_0 = arith.constant 0 : i32
    %c0_i32_1 = arith.constant 0 : i32
    return %arg0, %c0_i32, %c0_i32_0 : i32, i32, i32
  }
  func.func @transform_12(%arg0: i32) -> (i32, i32, i32) {
    %c0_i32 = arith.constant 0 : i32
    %c0_i32_0 = arith.constant 0 : i32
    %c0_i32_1 = arith.constant 0 : i32
    return %arg0, %c0_i32, %c0_i32_0 : i32, i32, i32
  }
  func.func @transform_13(%arg0: i32) -> (i32, i32, i32) {
    %c0_i32 = arith.constant 0 : i32
    %c0_i32_0 = arith.constant 0 : i32
    %c0_i32_1 = arith.constant 0 : i32
    return %arg0, %c0_i32, %c0_i32_0 : i32, i32, i32
  }
  func.func @transform_14(%arg0: i32) -> (i32, i32, i32) {
    %c0_i32 = arith.constant 0 : i32
    %c0_i32_0 = arith.constant 0 : i32
    %c0_i32_1 = arith.constant 0 : i32
    return %arg0, %c0_i32, %c0_i32_0 : i32, i32, i32
  }
  func.func @transform_15(%arg0: i32) -> (i32, i32, i32) {
    %c0_i32 = arith.constant 0 : i32
    %c0_i32_0 = arith.constant 0 : i32
    %c0_i32_1 = arith.constant 0 : i32
    return %arg0, %c0_i32, %c0_i32_0 : i32, i32, i32
  }
  func.func @transform_16(%arg0: i32) -> (i32, i32, i32) {
    %c0_i32 = arith.constant 0 : i32
    %c0_i32_0 = arith.constant 0 : i32
    %c0_i32_1 = arith.constant 0 : i32
    return %arg0, %c0_i32, %c0_i32_0 : i32, i32, i32
  }
  func.func @transform_17(%arg0: i32) -> (i32, i32, i32) {
    %c0_i32 = arith.constant 0 : i32
    %c0_i32_0 = arith.constant 0 : i32
    %c0_i32_1 = arith.constant 0 : i32
    return %arg0, %c0_i32, %c0_i32_0 : i32, i32, i32
  }
}

module attributes {stable_mosaic.version = 14 : i64} {
  func.func @_nms_kernel(%arg0: memref<8x1024xf32, #tpu.memory_space<vmem>>, %arg1: memref<8x1024xf32, #tpu.memory_space<vmem>>, %arg2: memref<8x1024xf32, #tpu.memory_space<vmem>>, %arg3: memref<8x1024xf32, #tpu.memory_space<vmem>>, %arg4: memref<8x1024xf32, #tpu.memory_space<vmem>>, %arg5: memref<8x1024xf32, #tpu.memory_space<vmem>>, %arg6: memref<8x1024xf32, #tpu.memory_space<vmem>>, %arg7: memref<8x1024xf32, #tpu.memory_space<vmem>>, %arg8: memref<8x1024xf32, #tpu.memory_space<vmem>>, %arg9: memref<8x1024xf32, #tpu.memory_space<vmem>>, %arg10: memref<8x1024xf32, #tpu.memory_space<vmem>>, %arg11: memref<8x68x1024xf32, #tpu.memory_space<vmem>>, %arg12: memref<8x68x1024xf32, #tpu.memory_space<vmem>>, %arg13: memref<8x200x16xf32, #tpu.memory_space<vmem>>, %arg14: memref<8x200x68xf32, #tpu.memory_space<vmem>>, %arg15: memref<8x200x68xf32, #tpu.memory_space<vmem>>, %arg16: memref<8x200x16xf32, #tpu.memory_space<vmem>>, %arg17: memref<200x8x1024xf32, #tpu.memory_space<vmem>>) attributes {dimension_semantics = [], scalar_prefetch = 0 : i64, scratch_operands = 1 : i64, tpu.core_type = #tpu.core_type<tc>} {
    %iota3A = tpu.iota {dimensions = array<i32: 1>} : vector<8x1024xi32>
    %get3A = arith.constant 0 : index
    %get3A_0 = arith.constant 0 : index
    %get3A_1 = vector.load %arg5[%get3A, %get3A_0] : memref<8x1024xf32, #tpu.memory_space<vmem>>, vector<8x1024xf32>
    %get3A_2 = arith.constant 0 : index
    %get3A_3 = arith.constant 0 : index
    %get3A_4 = vector.load %arg0[%get3A_2, %get3A_3] : memref<8x1024xf32, #tpu.memory_space<vmem>>, vector<8x1024xf32>
    %get3A_5 = arith.constant 0 : index
    %get3A_6 = arith.constant 0 : index
    %get3A_7 = vector.load %arg1[%get3A_5, %get3A_6] : memref<8x1024xf32, #tpu.memory_space<vmem>>, vector<8x1024xf32>
    %get3A_8 = arith.constant 0 : index
    %get3A_9 = arith.constant 0 : index
    %get3A_10 = vector.load %arg2[%get3A_8, %get3A_9] : memref<8x1024xf32, #tpu.memory_space<vmem>>, vector<8x1024xf32>
    %get3A_11 = arith.constant 0 : index
    %get3A_12 = arith.constant 0 : index
    %get3A_13 = vector.load %arg3[%get3A_11, %get3A_12] : memref<8x1024xf32, #tpu.memory_space<vmem>>, vector<8x1024xf32>
    %get3A_14 = arith.constant 0 : index
    %get3A_15 = arith.constant 0 : index
    %get3A_16 = vector.load %arg4[%get3A_14, %get3A_15] : memref<8x1024xf32, #tpu.memory_space<vmem>>, vector<8x1024xf32>
    %lt3A = arith.constant 1000 : i32
    %lt3A_17 = vector.broadcast %lt3A : i32 to vector<8x1024xi32>
    %lt3A_18 = arith.cmpi slt, %iota3A, %lt3A_17 : vector<8x1024xi32>
    %jit3A = arith.constant -3.000000e+38 : f32
    %broadcast_in_dim3A = vector.broadcast %jit3A : f32 to vector<8x1024xf32>
    %select_n3A = arith.select %lt3A_18, %get3A_1, %broadcast_in_dim3A : vector<8x1024xi1>, vector<8x1024xf32>
    %reduce_max3A = arith.constant dense<0xFF800000> : vector<8xf32>
    %reduce_max3A_19 = vector.multi_reduction <maximumf>, %select_n3A, %reduce_max3A [1] : vector<8x1024xf32> to vector<8xf32>
    %broadcast_in_dim3A_20 = vector.shape_cast %reduce_max3A_19 : vector<8xf32> to vector<8x1xf32>
    %eq3A = vector.broadcast %broadcast_in_dim3A_20 : vector<8x1xf32> to vector<8x1024xf32>
    %eq3A_21 = arith.cmpf oeq, %select_n3A, %eq3A : vector<8x1024xf32>
    %jit3A_22 = arith.constant 1024 : i32
    %broadcast_in_dim3A_23 = vector.broadcast %jit3A_22 : i32 to vector<8x1024xi32>
    %select_n3A_24 = arith.select %eq3A_21, %iota3A, %broadcast_in_dim3A_23 : vector<8x1024xi1>, vector<8x1024xi32>
    %reduce_min3A = arith.constant dense<2147483647> : vector<8xi32>
    %reduce_min3A_25 = vector.multi_reduction <minsi>, %select_n3A_24, %reduce_min3A [1] : vector<8x1024xi32> to vector<8xi32>
    %broadcast_in_dim3A_26 = vector.shape_cast %reduce_min3A_25 : vector<8xi32> to vector<8x1xi32>
    %scan3A = arith.constant 0 : i32
    %scan3A_27 = arith.constant 200 : i32
    %scan3A_28 = arith.addi %scan3A, %scan3A_27 : i32
    %scan3A_29 = arith.constant 1 : i32
    %scan3A_30 = scf.for %scan3A_1010 = %scan3A to %scan3A_28 step %scan3A_29 iter_args(%scan3A_1011 = %select_n3A) -> (vector<8x1024xf32>)  : i32 {
      %reduce_max3A_1012 = arith.constant dense<0xFF800000> : vector<8xf32>
      %reduce_max3A_1013 = vector.multi_reduction <maximumf>, %scan3A_1011, %reduce_max3A_1012 [1] : vector<8x1024xf32> to vector<8xf32>
      %broadcast_in_dim3A_1014 = vector.shape_cast %reduce_max3A_1013 : vector<8xf32> to vector<8x1xf32>
      %gt3A = arith.constant -1.500000e+38 : f32
      %gt3A_1015 = vector.broadcast %gt3A : f32 to vector<8x1xf32>
      %gt3A_1016 = arith.cmpf ogt, %broadcast_in_dim3A_1014, %gt3A_1015 : vector<8x1xf32>
      %eq3A_1017 = vector.broadcast %broadcast_in_dim3A_1014 : vector<8x1xf32> to vector<8x1024xf32>
      %eq3A_1018 = arith.cmpf oeq, %scan3A_1011, %eq3A_1017 : vector<8x1024xf32>
      %jit3A_1019 = arith.constant 1024 : i32
      %broadcast_in_dim3A_1020 = vector.broadcast %jit3A_1019 : i32 to vector<8x1024xi32>
      %select_n3A_1021 = arith.select %eq3A_1018, %iota3A, %broadcast_in_dim3A_1020 : vector<8x1024xi1>, vector<8x1024xi32>
      %reduce_min3A_1022 = arith.constant dense<2147483647> : vector<8xi32>
      %reduce_min3A_1023 = vector.multi_reduction <minsi>, %select_n3A_1021, %reduce_min3A_1022 [1] : vector<8x1024xi32> to vector<8xi32>
      %broadcast_in_dim3A_1024 = vector.shape_cast %reduce_min3A_1023 : vector<8xi32> to vector<8x1xi32>
      %select_n3A_1025 = arith.select %gt3A_1016, %broadcast_in_dim3A_1024, %broadcast_in_dim3A_26 : vector<8x1xi1>, vector<8x1xi32>
      %eq3A_1026 = vector.broadcast %select_n3A_1025 : vector<8x1xi32> to vector<8x1024xi32>
      %eq3A_1027 = arith.cmpi eq, %iota3A, %eq3A_1026 : vector<8x1024xi32>
      %convert_element_type3A = arith.extui %eq3A_1027 : vector<8x1024xi1> to vector<8x1024xi32>
      %convert_element_type3A_1028 = arith.sitofp %convert_element_type3A : vector<8x1024xi32> to vector<8x1024xf32>
      %swap3A_1029 = arith.index_cast %scan3A_1010 : i32 to index
      %swap3A_1030 = arith.constant 0 : index
      %swap3A_1031 = arith.constant 0 : index
      %swap3A_1032 = vector.load %arg17[%swap3A_1029, %swap3A_1030, %swap3A_1031] : memref<200x8x1024xf32, #tpu.memory_space<vmem>>, vector<1x8x1024xf32>
      %swap3A_1033 = vector.shape_cast %swap3A_1032 : vector<1x8x1024xf32> to vector<8x1024xf32>
      %swap3A_1034 = vector.shape_cast %convert_element_type3A_1028 : vector<8x1024xf32> to vector<1x8x1024xf32>
      tpu.vector_store %arg17[%swap3A_1029, %swap3A_1030, %swap3A_1031], %swap3A_1034 {strides = array<i32>} : memref<200x8x1024xf32, #tpu.memory_space<vmem>>, vector<1x8x1024xf32>,
      %jit3A_1035 = arith.constant 0.000000e+00 : f32
      %broadcast_in_dim3A_1036 = vector.broadcast %jit3A_1035 : f32 to vector<8x1024xf32>
      %select_n3A_1037 = arith.select %eq3A_1027, %get3A_4, %broadcast_in_dim3A_1036 : vector<8x1024xi1>, vector<8x1024xf32>
      %reduce_sum3A = arith.constant dense<0.000000e+00> : vector<8xf32>
      %reduce_sum3A_1038 = vector.multi_reduction <add>, %select_n3A_1037, %reduce_sum3A [1] : vector<8x1024xf32> to vector<8xf32>
      %broadcast_in_dim3A_1039 = vector.shape_cast %reduce_sum3A_1038 : vector<8xf32> to vector<8x1xf32>
      %jit3A_1040 = arith.constant 0.000000e+00 : f32
      %broadcast_in_dim3A_1041 = vector.broadcast %jit3A_1040 : f32 to vector<8x1024xf32>
      %select_n3A_1042 = arith.select %eq3A_1027, %get3A_7, %broadcast_in_dim3A_1041 : vector<8x1024xi1>, vector<8x1024xf32>
      %reduce_sum3A_1043 = arith.constant dense<0.000000e+00> : vector<8xf32>
      %reduce_sum3A_1044 = vector.multi_reduction <add>, %select_n3A_1042, %reduce_sum3A_1043 [1] : vector<8x1024xf32> to vector<8xf32>
      %broadcast_in_dim3A_1045 = vector.shape_cast %reduce_sum3A_1044 : vector<8xf32> to vector<8x1xf32>
      %jit3A_1046 = arith.constant 0.000000e+00 : f32
      %broadcast_in_dim3A_1047 = vector.broadcast %jit3A_1046 : f32 to vector<8x1024xf32>
      %select_n3A_1048 = arith.select %eq3A_1027, %get3A_10, %broadcast_in_dim3A_1047 : vector<8x1024xi1>, vector<8x1024xf32>
      %reduce_sum3A_1049 = arith.constant dense<0.000000e+00> : vector<8xf32>
      %reduce_sum3A_1050 = vector.multi_reduction <add>, %select_n3A_1048, %reduce_sum3A_1049 [1] : vector<8x1024xf32> to vector<8xf32>
      %broadcast_in_dim3A_1051 = vector.shape_cast %reduce_sum3A_1050 : vector<8xf32> to vector<8x1xf32>
      %jit3A_1052 = arith.constant 0.000000e+00 : f32
      %broadcast_in_dim3A_1053 = vector.broadcast %jit3A_1052 : f32 to vector<8x1024xf32>
      %select_n3A_1054 = arith.select %eq3A_1027, %get3A_13, %broadcast_in_dim3A_1053 : vector<8x1024xi1>, vector<8x1024xf32>
      %reduce_sum3A_1055 = arith.constant dense<0.000000e+00> : vector<8xf32>
      %reduce_sum3A_1056 = vector.multi_reduction <add>, %select_n3A_1054, %reduce_sum3A_1055 [1] : vector<8x1024xf32> to vector<8xf32>
      %broadcast_in_dim3A_1057 = vector.shape_cast %reduce_sum3A_1056 : vector<8xf32> to vector<8x1xf32>
      %jit3A_1058 = arith.constant 0.000000e+00 : f32
      %broadcast_in_dim3A_1059 = vector.broadcast %jit3A_1058 : f32 to vector<8x1024xf32>
      %select_n3A_1060 = arith.select %eq3A_1027, %get3A_16, %broadcast_in_dim3A_1059 : vector<8x1024xi1>, vector<8x1024xf32>
      %reduce_sum3A_1061 = arith.constant dense<0.000000e+00> : vector<8xf32>
      %reduce_sum3A_1062 = vector.multi_reduction <add>, %select_n3A_1060, %reduce_sum3A_1061 [1] : vector<8x1024xf32> to vector<8xf32>
      %broadcast_in_dim3A_1063 = vector.shape_cast %reduce_sum3A_1062 : vector<8xf32> to vector<8x1xf32>
      %max3A_1064 = vector.broadcast %broadcast_in_dim3A_1039 : vector<8x1xf32> to vector<8x1024xf32>
      %max3A_1065 = arith.maximumf %max3A_1064, %get3A_4 : vector<8x1024xf32>
      %max3A_1066 = vector.broadcast %broadcast_in_dim3A_1045 : vector<8x1xf32> to vector<8x1024xf32>
      %max3A_1067 = arith.maximumf %max3A_1066, %get3A_7 : vector<8x1024xf32>
      %min3A_1068 = vector.broadcast %broadcast_in_dim3A_1051 : vector<8x1xf32> to vector<8x1024xf32>
      %min3A_1069 = arith.minimumf %min3A_1068, %get3A_10 : vector<8x1024xf32>
      %min3A_1070 = vector.broadcast %broadcast_in_dim3A_1057 : vector<8x1xf32> to vector<8x1024xf32>
      %min3A_1071 = arith.minimumf %min3A_1070, %get3A_13 : vector<8x1024xf32>
      %sub3A_1072 = arith.subf %min3A_1069, %max3A_1065 : vector<8x1024xf32>
      %max3A_1073 = arith.constant 0.000000e+00 : f32
      %max3A_1074 = vector.broadcast %max3A_1073 : f32 to vector<8x1024xf32>
      %max3A_1075 = arith.maximumf %sub3A_1072, %max3A_1074 : vector<8x1024xf32>
      %sub3A_1076 = arith.subf %min3A_1071, %max3A_1067 : vector<8x1024xf32>
      %max3A_1077 = arith.constant 0.000000e+00 : f32
      %max3A_1078 = vector.broadcast %max3A_1077 : f32 to vector<8x1024xf32>
      %max3A_1079 = arith.maximumf %sub3A_1076, %max3A_1078 : vector<8x1024xf32>
      %mul3A_1080 = arith.mulf %max3A_1075, %max3A_1079 : vector<8x1024xf32>
      %add3A = vector.broadcast %broadcast_in_dim3A_1063 : vector<8x1xf32> to vector<8x1024xf32>
      %add3A_1081 = arith.addf %add3A, %get3A_16 : vector<8x1024xf32>
      %sub3A_1082 = arith.subf %add3A_1081, %mul3A_1080 : vector<8x1024xf32>
      %add3A_1083 = arith.constant 9.99999993E-9 : f32
      %add3A_1084 = vector.broadcast %add3A_1083 : f32 to vector<8x1024xf32>
      %add3A_1085 = arith.addf %sub3A_1082, %add3A_1084 : vector<8x1024xf32>
      %div3A_1086 = arith.divf %mul3A_1080, %add3A_1085 : vector<8x1024xf32>
      %gt3A_1087 = arith.constant 5.000000e-01 : f32
      %gt3A_1088 = vector.broadcast %gt3A_1087 : f32 to vector<8x1024xf32>
      %gt3A_1089 = arith.cmpf ogt, %div3A_1086, %gt3A_1088 : vector<8x1024xf32>
      %or3A = arith.ori %gt3A_1089, %eq3A_1027 : vector<8x1024xi1>
      %jit3A_1090 = arith.constant -3.000000e+38 : f32
      %broadcast_in_dim3A_1091 = vector.broadcast %jit3A_1090 : f32 to vector<8x1024xf32>
      %select_n3A_1092 = arith.select %or3A, %broadcast_in_dim3A_1091, %scan3A_1011 : vector<8x1024xi1>, vector<8x1024xf32>
      scf.yield %select_n3A_1092 : vector<8x1024xf32>
    }
    %scan3A_31 = arith.constant 200 : i32
    %get3A_32 = arith.constant 0 : index
    %get3A_33 = arith.constant 0 : index
    %get3A_34 = arith.constant 0 : index
    %get3A_35 = vector.load %arg17[%get3A_32, %get3A_33, %get3A_34] : memref<200x8x1024xf32, #tpu.memory_space<vmem>>, vector<200x1x1024xf32>
    %get3A_36 = vector.shape_cast %get3A_35 : vector<200x1x1024xf32> to vector<200x1024xf32>
    %get3A_37 = arith.constant 0 : index
    %get3A_38 = arith.constant 0 : index
    %get3A_39 = arith.constant 0 : index
    %get3A_40 = vector.load %arg11[%get3A_37, %get3A_38, %get3A_39] : memref<8x68x1024xf32, #tpu.memory_space<vmem>>, vector<1x68x1024xf32>
    %get3A_41 = vector.shape_cast %get3A_40 : vector<1x68x1024xf32> to vector<68x1024xf32>
    %dot_general3A = arith.constant dense<0.000000e+00> : vector<200x68xf32>
    %dot_general3A_42 = tpu.matmul %get3A_36, %get3A_41, %dot_general3A {dimension_numbers = #tpu.dot_dimension_numbers<[1], [1], [0], [0], [0, 0, 1, 0], [], []>, precision = #tpu.contract_precision<fp32>, transpose_lhs_hint = false} : vector<200x1024xf32>, vector<68x1024xf32>, vector<200x68xf32> -> vector<200x68xf32>
    %get3A_43 = arith.constant 0 : index
    %get3A_44 = arith.constant 0 : index
    %get3A_45 = arith.constant 0 : index
    %get3A_46 = vector.load %arg12[%get3A_43, %get3A_44, %get3A_45] : memref<8x68x1024xf32, #tpu.memory_space<vmem>>, vector<1x68x1024xf32>
    %get3A_47 = vector.shape_cast %get3A_46 : vector<1x68x1024xf32> to vector<68x1024xf32>
    %dot_general3A_48 = arith.constant dense<0.000000e+00> : vector<200x68xf32>
    %dot_general3A_49 = tpu.matmul %get3A_36, %get3A_47, %dot_general3A_48 {dimension_numbers = #tpu.dot_dimension_numbers<[1], [1], [0], [0], [0, 0, 1, 0], [], []>, precision = #tpu.contract_precision<fp32>, transpose_lhs_hint = false} : vector<200x1024xf32>, vector<68x1024xf32>, vector<200x68xf32> -> vector<200x68xf32>
    %swap3A = arith.constant 0 : index
    %swap3A_50 = arith.constant 0 : index
    %swap3A_51 = arith.constant 0 : index
    %swap3A_52 = vector.load %arg14[%swap3A, %swap3A_50, %swap3A_51] : memref<8x200x68xf32, #tpu.memory_space<vmem>>, vector<1x200x68xf32>
    %swap3A_53 = vector.shape_cast %swap3A_52 : vector<1x200x68xf32> to vector<200x68xf32>
    %swap3A_54 = vector.shape_cast %dot_general3A_42 : vector<200x68xf32> to vector<1x200x68xf32>
    tpu.vector_store %arg14[%swap3A, %swap3A_50, %swap3A_51], %swap3A_54 {strides = array<i32>} : memref<8x200x68xf32, #tpu.memory_space<vmem>>, vector<1x200x68xf32>,
    %swap3A_55 = arith.constant 0 : index
    %swap3A_56 = arith.constant 0 : index
    %swap3A_57 = arith.constant 0 : index
    %swap3A_58 = vector.load %arg15[%swap3A_55, %swap3A_56, %swap3A_57] : memref<8x200x68xf32, #tpu.memory_space<vmem>>, vector<1x200x68xf32>
    %swap3A_59 = vector.shape_cast %swap3A_58 : vector<1x200x68xf32> to vector<200x68xf32>
    %swap3A_60 = vector.shape_cast %dot_general3A_49 : vector<200x68xf32> to vector<1x200x68xf32>
    tpu.vector_store %arg15[%swap3A_55, %swap3A_56, %swap3A_57], %swap3A_60 {strides = array<i32>} : memref<8x200x68xf32, #tpu.memory_space<vmem>>, vector<1x200x68xf32>,
    %get3A_61 = arith.constant 0 : index
    %get3A_62 = arith.constant 0 : index
    %get3A_63 = vector.load %arg0[%get3A_61, %get3A_62] : memref<8x1024xf32, #tpu.memory_space<vmem>>, vector<1x1024xf32>
    %get3A_64 = arith.constant 0 : index
    %get3A_65 = arith.constant 0 : index
    %get3A_66 = vector.load %arg1[%get3A_64, %get3A_65] : memref<8x1024xf32, #tpu.memory_space<vmem>>, vector<1x1024xf32>
    %get3A_67 = arith.constant 0 : index
    %get3A_68 = arith.constant 0 : index
    %get3A_69 = vector.load %arg2[%get3A_67, %get3A_68] : memref<8x1024xf32, #tpu.memory_space<vmem>>, vector<1x1024xf32>
    %get3A_70 = arith.constant 0 : index
    %get3A_71 = arith.constant 0 : index
    %get3A_72 = vector.load %arg3[%get3A_70, %get3A_71] : memref<8x1024xf32, #tpu.memory_space<vmem>>, vector<1x1024xf32>
    %get3A_73 = arith.constant 0 : index
    %get3A_74 = arith.constant 0 : index
    %get3A_75 = vector.load %arg5[%get3A_73, %get3A_74] : memref<8x1024xf32, #tpu.memory_space<vmem>>, vector<1x1024xf32>
    %get3A_76 = arith.constant 0 : index
    %get3A_77 = arith.constant 0 : index
    %get3A_78 = vector.load %arg6[%get3A_76, %get3A_77] : memref<8x1024xf32, #tpu.memory_space<vmem>>, vector<1x1024xf32>
    %get3A_79 = arith.constant 0 : index
    %get3A_80 = arith.constant 0 : index
    %get3A_81 = vector.load %arg7[%get3A_79, %get3A_80] : memref<8x1024xf32, #tpu.memory_space<vmem>>, vector<1x1024xf32>
    %get3A_82 = arith.constant 0 : index
    %get3A_83 = arith.constant 0 : index
    %get3A_84 = vector.load %arg8[%get3A_82, %get3A_83] : memref<8x1024xf32, #tpu.memory_space<vmem>>, vector<1x1024xf32>
    %get3A_85 = arith.constant 0 : index
    %get3A_86 = arith.constant 0 : index
    %get3A_87 = vector.load %arg9[%get3A_85, %get3A_86] : memref<8x1024xf32, #tpu.memory_space<vmem>>, vector<1x1024xf32>
    %get3A_88 = arith.constant 0 : index
    %get3A_89 = arith.constant 0 : index
    %get3A_90 = vector.load %arg10[%get3A_88, %get3A_89] : memref<8x1024xf32, #tpu.memory_space<vmem>>, vector<1x1024xf32>
    %broadcast_in_dim3A_91 = arith.constant 0.000000e+00 : f32
    %broadcast_in_dim3A_92 = vector.broadcast %broadcast_in_dim3A_91 : f32 to vector<6x1024xf32>
    %concatenate3A = tpu.concatenate %get3A_63, %get3A_66, %get3A_69, %get3A_72, %get3A_75, %get3A_78, %get3A_81, %get3A_84, %get3A_87, %get3A_90, %broadcast_in_dim3A_92 in 0 : vector<1x1024xf32>, vector<1x1024xf32>, vector<1x1024xf32>, vector<1x1024xf32>, vector<1x1024xf32>, vector<1x1024xf32>, vector<1x1024xf32>, vector<1x1024xf32>, vector<1x1024xf32>, vector<1x1024xf32>, vector<6x1024xf32> -> vector<16x1024xf32>
    %dot_general3A_93 = arith.constant dense<0.000000e+00> : vector<200x16xf32>
    %dot_general3A_94 = tpu.matmul %get3A_36, %concatenate3A, %dot_general3A_93 {dimension_numbers = #tpu.dot_dimension_numbers<[1], [1], [0], [0], [0, 0, 1, 0], [], []>, precision = #tpu.contract_precision<fp32>, transpose_lhs_hint = false} : vector<200x1024xf32>, vector<16x1024xf32>, vector<200x16xf32> -> vector<200x16xf32>
    %swap3A_95 = arith.constant 0 : index
    %swap3A_96 = arith.constant 0 : index
    %swap3A_97 = arith.constant 0 : index
    %swap3A_98 = vector.load %arg13[%swap3A_95, %swap3A_96, %swap3A_97] : memref<8x200x16xf32, #tpu.memory_space<vmem>>, vector<1x200x16xf32>
    %swap3A_99 = vector.shape_cast %swap3A_98 : vector<1x200x16xf32> to vector<200x16xf32>
    %swap3A_100 = vector.shape_cast %dot_general3A_94 : vector<200x16xf32> to vector<1x200x16xf32>
    tpu.vector_store %arg13[%swap3A_95, %swap3A_96, %swap3A_97], %swap3A_100 {strides = array<i32>} : memref<8x200x16xf32, #tpu.memory_space<vmem>>, vector<1x200x16xf32>,
    %slice3A = vector.extract_strided_slice %dot_general3A_94 {offsets = [0, 5], sizes = [200, 1], strides = [1, 1]} : vector<200x16xf32> to vector<200x1xf32>
    %neg3A = arith.constant 0.000000e+00 : f32
    %neg3A_101 = vector.broadcast %neg3A : f32 to vector<200x1xf32>
    %neg3A_102 = arith.subf %neg3A_101, %slice3A : vector<200x1xf32>
    %jit3A_103 = arith.constant -9.990000e-01 : f32
    %jit3A_104 = arith.constant 9.990000e-01 : f32
    %max3A = vector.broadcast %jit3A_103 : f32 to vector<200x1xf32>
    %max3A_105 = arith.maximumf %max3A, %neg3A_102 : vector<200x1xf32>
    %min3A = vector.broadcast %jit3A_104 : f32 to vector<200x1xf32>
    %min3A_106 = arith.minimumf %min3A, %max3A_105 : vector<200x1xf32>
    %mul3A = arith.mulf %min3A_106, %min3A_106 : vector<200x1xf32>
    %sub3A = arith.constant 1.000000e+00 : f32
    %sub3A_107 = vector.broadcast %sub3A : f32 to vector<200x1xf32>
    %sub3A_108 = arith.subf %sub3A_107, %mul3A : vector<200x1xf32>
    %sqrt3A = math.sqrt %sub3A_108 : vector<200x1xf32>
    %atan23A = math.atan2 %min3A_106, %sqrt3A : vector<200x1xf32>
    %mul3A_109 = arith.constant 57.2957802 : f32
    %mul3A_110 = vector.broadcast %mul3A_109 : f32 to vector<200x1xf32>
    %mul3A_111 = arith.mulf %atan23A, %mul3A_110 : vector<200x1xf32>
    %cos3A = math.cos %mul3A_111 : vector<200x1xf32>
    %abs3A = math.absf %cos3A : vector<200x1xf32>
    %lt3A_112 = arith.constant 9.99999997E-7 : f32
    %lt3A_113 = vector.broadcast %lt3A_112 : f32 to vector<200x1xf32>
    %lt3A_114 = arith.cmpf olt, %abs3A, %lt3A_113 : vector<200x1xf32>
    %jit3A_115 = arith.constant 9.99999997E-7 : f32
    %broadcast_in_dim3A_116 = vector.broadcast %jit3A_115 : f32 to vector<200x1xf32>
    %select_n3A_117 = arith.select %lt3A_114, %broadcast_in_dim3A_116, %cos3A : vector<200x1xi1>, vector<200x1xf32>
    %slice3A_118 = vector.extract_strided_slice %dot_general3A_94 {offsets = [0, 6], sizes = [200, 1], strides = [1, 1]} : vector<200x16xf32> to vector<200x1xf32>
    %div3A = arith.divf %slice3A_118, %select_n3A_117 : vector<200x1xf32>
    %slice3A_119 = vector.extract_strided_slice %dot_general3A_94 {offsets = [0, 7], sizes = [200, 1], strides = [1, 1]} : vector<200x16xf32> to vector<200x1xf32>
    %div3A_120 = arith.divf %slice3A_119, %select_n3A_117 : vector<200x1xf32>
    %atan23A_121 = math.atan2 %div3A, %div3A_120 : vector<200x1xf32>
    %mul3A_122 = arith.constant 57.2957802 : f32
    %mul3A_123 = vector.broadcast %mul3A_122 : f32 to vector<200x1xf32>
    %mul3A_124 = arith.mulf %atan23A_121, %mul3A_123 : vector<200x1xf32>
    %slice3A_125 = vector.extract_strided_slice %dot_general3A_94 {offsets = [0, 8], sizes = [200, 1], strides = [1, 1]} : vector<200x16xf32> to vector<200x1xf32>
    %div3A_126 = arith.divf %slice3A_125, %select_n3A_117 : vector<200x1xf32>
    %slice3A_127 = vector.extract_strided_slice %dot_general3A_94 {offsets = [0, 9], sizes = [200, 1], strides = [1, 1]} : vector<200x16xf32> to vector<200x1xf32>
    %div3A_128 = arith.divf %slice3A_127, %select_n3A_117 : vector<200x1xf32>
    %atan23A_129 = math.atan2 %div3A_126, %div3A_128 : vector<200x1xf32>
    %mul3A_130 = arith.constant 57.2957802 : f32
    %mul3A_131 = vector.broadcast %mul3A_130 : f32 to vector<200x1xf32>
    %mul3A_132 = arith.mulf %atan23A_129, %mul3A_131 : vector<200x1xf32>
    %broadcast_in_dim3A_133 = arith.constant 0.000000e+00 : f32
    %broadcast_in_dim3A_134 = vector.broadcast %broadcast_in_dim3A_133 : f32 to vector<200x13xf32>
    %concatenate3A_135 = tpu.concatenate %mul3A_124, %mul3A_111, %mul3A_132, %broadcast_in_dim3A_134 in 1 : vector<200x1xf32>, vector<200x1xf32>, vector<200x1xf32>, vector<200x13xf32> -> vector<200x16xf32>
    %swap3A_136 = arith.constant 0 : index
    %swap3A_137 = arith.constant 0 : index
    %swap3A_138 = arith.constant 0 : index
    %swap3A_139 = vector.load %arg16[%swap3A_136, %swap3A_137, %swap3A_138] : memref<8x200x16xf32, #tpu.memory_space<vmem>>, vector<1x200x16xf32>
    %swap3A_140 = vector.shape_cast %swap3A_139 : vector<1x200x16xf32> to vector<200x16xf32>
    %swap3A_141 = vector.shape_cast %concatenate3A_135 : vector<200x16xf32> to vector<1x200x16xf32>
    tpu.vector_store %arg16[%swap3A_136, %swap3A_137, %swap3A_138], %swap3A_141 {strides = array<i32>} : memref<8x200x16xf32, #tpu.memory_space<vmem>>, vector<1x200x16xf32>,
    %get3A_142 = arith.constant 0 : index
    %get3A_143 = arith.constant 1 : index
    %get3A_144 = arith.constant 0 : index
    %get3A_145 = vector.load %arg17[%get3A_142, %get3A_143, %get3A_144] : memref<200x8x1024xf32, #tpu.memory_space<vmem>>, vector<200x1x1024xf32>
    %get3A_146 = vector.shape_cast %get3A_145 : vector<200x1x1024xf32> to vector<200x1024xf32>
    %get3A_147 = arith.constant 1 : index
    %get3A_148 = arith.constant 0 : index
    %get3A_149 = arith.constant 0 : index
    %get3A_150 = vector.load %arg11[%get3A_147, %get3A_148, %get3A_149] : memref<8x68x1024xf32, #tpu.memory_space<vmem>>, vector<1x68x1024xf32>
    %get3A_151 = vector.shape_cast %get3A_150 : vector<1x68x1024xf32> to vector<68x1024xf32>
    %dot_general3A_152 = arith.constant dense<0.000000e+00> : vector<200x68xf32>
    %dot_general3A_153 = tpu.matmul %get3A_146, %get3A_151, %dot_general3A_152 {dimension_numbers = #tpu.dot_dimension_numbers<[1], [1], [0], [0], [0, 0, 1, 0], [], []>, precision = #tpu.contract_precision<fp32>, transpose_lhs_hint = false} : vector<200x1024xf32>, vector<68x1024xf32>, vector<200x68xf32> -> vector<200x68xf32>
    %get3A_154 = arith.constant 1 : index
    %get3A_155 = arith.constant 0 : index
    %get3A_156 = arith.constant 0 : index
    %get3A_157 = vector.load %arg12[%get3A_154, %get3A_155, %get3A_156] : memref<8x68x1024xf32, #tpu.memory_space<vmem>>, vector<1x68x1024xf32>
    %get3A_158 = vector.shape_cast %get3A_157 : vector<1x68x1024xf32> to vector<68x1024xf32>
    %dot_general3A_159 = arith.constant dense<0.000000e+00> : vector<200x68xf32>
    %dot_general3A_160 = tpu.matmul %get3A_146, %get3A_158, %dot_general3A_159 {dimension_numbers = #tpu.dot_dimension_numbers<[1], [1], [0], [0], [0, 0, 1, 0], [], []>, precision = #tpu.contract_precision<fp32>, transpose_lhs_hint = false} : vector<200x1024xf32>, vector<68x1024xf32>, vector<200x68xf32> -> vector<200x68xf32>
    %swap3A_161 = arith.constant 1 : index
    %swap3A_162 = arith.constant 0 : index
    %swap3A_163 = arith.constant 0 : index
    %swap3A_164 = vector.load %arg14[%swap3A_161, %swap3A_162, %swap3A_163] : memref<8x200x68xf32, #tpu.memory_space<vmem>>, vector<1x200x68xf32>
    %swap3A_165 = vector.shape_cast %swap3A_164 : vector<1x200x68xf32> to vector<200x68xf32>
    %swap3A_166 = vector.shape_cast %dot_general3A_153 : vector<200x68xf32> to vector<1x200x68xf32>
    tpu.vector_store %arg14[%swap3A_161, %swap3A_162, %swap3A_163], %swap3A_166 {strides = array<i32>} : memref<8x200x68xf32, #tpu.memory_space<vmem>>, vector<1x200x68xf32>,
    %swap3A_167 = arith.constant 1 : index
    %swap3A_168 = arith.constant 0 : index
    %swap3A_169 = arith.constant 0 : index
    %swap3A_170 = vector.load %arg15[%swap3A_167, %swap3A_168, %swap3A_169] : memref<8x200x68xf32, #tpu.memory_space<vmem>>, vector<1x200x68xf32>
    %swap3A_171 = vector.shape_cast %swap3A_170 : vector<1x200x68xf32> to vector<200x68xf32>
    %swap3A_172 = vector.shape_cast %dot_general3A_160 : vector<200x68xf32> to vector<1x200x68xf32>
    tpu.vector_store %arg15[%swap3A_167, %swap3A_168, %swap3A_169], %swap3A_172 {strides = array<i32>} : memref<8x200x68xf32, #tpu.memory_space<vmem>>, vector<1x200x68xf32>,
    %get3A_173 = arith.constant 1 : index
    %get3A_174 = arith.constant 0 : index
    %get3A_175 = vector.load %arg0[%get3A_173, %get3A_174] : memref<8x1024xf32, #tpu.memory_space<vmem>>, vector<1x1024xf32>
    %get3A_176 = arith.constant 1 : index
    %get3A_177 = arith.constant 0 : index
    %get3A_178 = vector.load %arg1[%get3A_176, %get3A_177] : memref<8x1024xf32, #tpu.memory_space<vmem>>, vector<1x1024xf32>
    %get3A_179 = arith.constant 1 : index
    %get3A_180 = arith.constant 0 : index
    %get3A_181 = vector.load %arg2[%get3A_179, %get3A_180] : memref<8x1024xf32, #tpu.memory_space<vmem>>, vector<1x1024xf32>
    %get3A_182 = arith.constant 1 : index
    %get3A_183 = arith.constant 0 : index
    %get3A_184 = vector.load %arg3[%get3A_182, %get3A_183] : memref<8x1024xf32, #tpu.memory_space<vmem>>, vector<1x1024xf32>
    %get3A_185 = arith.constant 1 : index
    %get3A_186 = arith.constant 0 : index
    %get3A_187 = vector.load %arg5[%get3A_185, %get3A_186] : memref<8x1024xf32, #tpu.memory_space<vmem>>, vector<1x1024xf32>
    %get3A_188 = arith.constant 1 : index
    %get3A_189 = arith.constant 0 : index
    %get3A_190 = vector.load %arg6[%get3A_188, %get3A_189] : memref<8x1024xf32, #tpu.memory_space<vmem>>, vector<1x1024xf32>
    %get3A_191 = arith.constant 1 : index
    %get3A_192 = arith.constant 0 : index
    %get3A_193 = vector.load %arg7[%get3A_191, %get3A_192] : memref<8x1024xf32, #tpu.memory_space<vmem>>, vector<1x1024xf32>
    %get3A_194 = arith.constant 1 : index
    %get3A_195 = arith.constant 0 : index
    %get3A_196 = vector.load %arg8[%get3A_194, %get3A_195] : memref<8x1024xf32, #tpu.memory_space<vmem>>, vector<1x1024xf32>
    %get3A_197 = arith.constant 1 : index
    %get3A_198 = arith.constant 0 : index
    %get3A_199 = vector.load %arg9[%get3A_197, %get3A_198] : memref<8x1024xf32, #tpu.memory_space<vmem>>, vector<1x1024xf32>
    %get3A_200 = arith.constant 1 : index
    %get3A_201 = arith.constant 0 : index
    %get3A_202 = vector.load %arg10[%get3A_200, %get3A_201] : memref<8x1024xf32, #tpu.memory_space<vmem>>, vector<1x1024xf32>
    %broadcast_in_dim3A_203 = arith.constant 0.000000e+00 : f32
    %broadcast_in_dim3A_204 = vector.broadcast %broadcast_in_dim3A_203 : f32 to vector<6x1024xf32>
    %concatenate3A_205 = tpu.concatenate %get3A_175, %get3A_178, %get3A_181, %get3A_184, %get3A_187, %get3A_190, %get3A_193, %get3A_196, %get3A_199, %get3A_202, %broadcast_in_dim3A_204 in 0 : vector<1x1024xf32>, vector<1x1024xf32>, vector<1x1024xf32>, vector<1x1024xf32>, vector<1x1024xf32>, vector<1x1024xf32>, vector<1x1024xf32>, vector<1x1024xf32>, vector<1x1024xf32>, vector<1x1024xf32>, vector<6x1024xf32> -> vector<16x1024xf32>
    %dot_general3A_206 = arith.constant dense<0.000000e+00> : vector<200x16xf32>
    %dot_general3A_207 = tpu.matmul %get3A_146, %concatenate3A_205, %dot_general3A_206 {dimension_numbers = #tpu.dot_dimension_numbers<[1], [1], [0], [0], [0, 0, 1, 0], [], []>, precision = #tpu.contract_precision<fp32>, transpose_lhs_hint = false} : vector<200x1024xf32>, vector<16x1024xf32>, vector<200x16xf32> -> vector<200x16xf32>
    %swap3A_208 = arith.constant 1 : index
    %swap3A_209 = arith.constant 0 : index
    %swap3A_210 = arith.constant 0 : index
    %swap3A_211 = vector.load %arg13[%swap3A_208, %swap3A_209, %swap3A_210] : memref<8x200x16xf32, #tpu.memory_space<vmem>>, vector<1x200x16xf32>
    %swap3A_212 = vector.shape_cast %swap3A_211 : vector<1x200x16xf32> to vector<200x16xf32>
    %swap3A_213 = vector.shape_cast %dot_general3A_207 : vector<200x16xf32> to vector<1x200x16xf32>
    tpu.vector_store %arg13[%swap3A_208, %swap3A_209, %swap3A_210], %swap3A_213 {strides = array<i32>} : memref<8x200x16xf32, #tpu.memory_space<vmem>>, vector<1x200x16xf32>,
    %slice3A_214 = vector.extract_strided_slice %dot_general3A_207 {offsets = [0, 5], sizes = [200, 1], strides = [1, 1]} : vector<200x16xf32> to vector<200x1xf32>
    %neg3A_215 = arith.constant 0.000000e+00 : f32
    %neg3A_216 = vector.broadcast %neg3A_215 : f32 to vector<200x1xf32>
    %neg3A_217 = arith.subf %neg3A_216, %slice3A_214 : vector<200x1xf32>
    %jit3A_218 = arith.constant -9.990000e-01 : f32
    %jit3A_219 = arith.constant 9.990000e-01 : f32
    %max3A_220 = vector.broadcast %jit3A_218 : f32 to vector<200x1xf32>
    %max3A_221 = arith.maximumf %max3A_220, %neg3A_217 : vector<200x1xf32>
    %min3A_222 = vector.broadcast %jit3A_219 : f32 to vector<200x1xf32>
    %min3A_223 = arith.minimumf %min3A_222, %max3A_221 : vector<200x1xf32>
    %mul3A_224 = arith.mulf %min3A_223, %min3A_223 : vector<200x1xf32>
    %sub3A_225 = arith.constant 1.000000e+00 : f32
    %sub3A_226 = vector.broadcast %sub3A_225 : f32 to vector<200x1xf32>
    %sub3A_227 = arith.subf %sub3A_226, %mul3A_224 : vector<200x1xf32>
    %sqrt3A_228 = math.sqrt %sub3A_227 : vector<200x1xf32>
    %atan23A_229 = math.atan2 %min3A_223, %sqrt3A_228 : vector<200x1xf32>
    %mul3A_230 = arith.constant 57.2957802 : f32
    %mul3A_231 = vector.broadcast %mul3A_230 : f32 to vector<200x1xf32>
    %mul3A_232 = arith.mulf %atan23A_229, %mul3A_231 : vector<200x1xf32>
    %cos3A_233 = math.cos %mul3A_232 : vector<200x1xf32>
    %abs3A_234 = math.absf %cos3A_233 : vector<200x1xf32>
    %lt3A_235 = arith.constant 9.99999997E-7 : f32
    %lt3A_236 = vector.broadcast %lt3A_235 : f32 to vector<200x1xf32>
    %lt3A_237 = arith.cmpf olt, %abs3A_234, %lt3A_236 : vector<200x1xf32>
    %jit3A_238 = arith.constant 9.99999997E-7 : f32
    %broadcast_in_dim3A_239 = vector.broadcast %jit3A_238 : f32 to vector<200x1xf32>
    %select_n3A_240 = arith.select %lt3A_237, %broadcast_in_dim3A_239, %cos3A_233 : vector<200x1xi1>, vector<200x1xf32>
    %slice3A_241 = vector.extract_strided_slice %dot_general3A_207 {offsets = [0, 6], sizes = [200, 1], strides = [1, 1]} : vector<200x16xf32> to vector<200x1xf32>
    %div3A_242 = arith.divf %slice3A_241, %select_n3A_240 : vector<200x1xf32>
    %slice3A_243 = vector.extract_strided_slice %dot_general3A_207 {offsets = [0, 7], sizes = [200, 1], strides = [1, 1]} : vector<200x16xf32> to vector<200x1xf32>
    %div3A_244 = arith.divf %slice3A_243, %select_n3A_240 : vector<200x1xf32>
    %atan23A_245 = math.atan2 %div3A_242, %div3A_244 : vector<200x1xf32>
    %mul3A_246 = arith.constant 57.2957802 : f32
    %mul3A_247 = vector.broadcast %mul3A_246 : f32 to vector<200x1xf32>
    %mul3A_248 = arith.mulf %atan23A_245, %mul3A_247 : vector<200x1xf32>
    %slice3A_249 = vector.extract_strided_slice %dot_general3A_207 {offsets = [0, 8], sizes = [200, 1], strides = [1, 1]} : vector<200x16xf32> to vector<200x1xf32>
    %div3A_250 = arith.divf %slice3A_249, %select_n3A_240 : vector<200x1xf32>
    %slice3A_251 = vector.extract_strided_slice %dot_general3A_207 {offsets = [0, 9], sizes = [200, 1], strides = [1, 1]} : vector<200x16xf32> to vector<200x1xf32>
    %div3A_252 = arith.divf %slice3A_251, %select_n3A_240 : vector<200x1xf32>
    %atan23A_253 = math.atan2 %div3A_250, %div3A_252 : vector<200x1xf32>
    %mul3A_254 = arith.constant 57.2957802 : f32
    %mul3A_255 = vector.broadcast %mul3A_254 : f32 to vector<200x1xf32>
    %mul3A_256 = arith.mulf %atan23A_253, %mul3A_255 : vector<200x1xf32>
    %broadcast_in_dim3A_257 = arith.constant 0.000000e+00 : f32
    %broadcast_in_dim3A_258 = vector.broadcast %broadcast_in_dim3A_257 : f32 to vector<200x13xf32>
    %concatenate3A_259 = tpu.concatenate %mul3A_248, %mul3A_232, %mul3A_256, %broadcast_in_dim3A_258 in 1 : vector<200x1xf32>, vector<200x1xf32>, vector<200x1xf32>, vector<200x13xf32> -> vector<200x16xf32>
    %swap3A_260 = arith.constant 1 : index
    %swap3A_261 = arith.constant 0 : index
    %swap3A_262 = arith.constant 0 : index
    %swap3A_263 = vector.load %arg16[%swap3A_260, %swap3A_261, %swap3A_262] : memref<8x200x16xf32, #tpu.memory_space<vmem>>, vector<1x200x16xf32>
    %swap3A_264 = vector.shape_cast %swap3A_263 : vector<1x200x16xf32> to vector<200x16xf32>
    %swap3A_265 = vector.shape_cast %concatenate3A_259 : vector<200x16xf32> to vector<1x200x16xf32>
    tpu.vector_store %arg16[%swap3A_260, %swap3A_261, %swap3A_262], %swap3A_265 {strides = array<i32>} : memref<8x200x16xf32, #tpu.memory_space<vmem>>, vector<1x200x16xf32>,
    %get3A_266 = arith.constant 0 : index
    %get3A_267 = arith.constant 2 : index
    %get3A_268 = arith.constant 0 : index
    %get3A_269 = vector.load %arg17[%get3A_266, %get3A_267, %get3A_268] : memref<200x8x1024xf32, #tpu.memory_space<vmem>>, vector<200x1x1024xf32>
    %get3A_270 = vector.shape_cast %get3A_269 : vector<200x1x1024xf32> to vector<200x1024xf32>
    %get3A_271 = arith.constant 2 : index
    %get3A_272 = arith.constant 0 : index
    %get3A_273 = arith.constant 0 : index
    %get3A_274 = vector.load %arg11[%get3A_271, %get3A_272, %get3A_273] : memref<8x68x1024xf32, #tpu.memory_space<vmem>>, vector<1x68x1024xf32>
    %get3A_275 = vector.shape_cast %get3A_274 : vector<1x68x1024xf32> to vector<68x1024xf32>
    %dot_general3A_276 = arith.constant dense<0.000000e+00> : vector<200x68xf32>
    %dot_general3A_277 = tpu.matmul %get3A_270, %get3A_275, %dot_general3A_276 {dimension_numbers = #tpu.dot_dimension_numbers<[1], [1], [0], [0], [0, 0, 1, 0], [], []>, precision = #tpu.contract_precision<fp32>, transpose_lhs_hint = false} : vector<200x1024xf32>, vector<68x1024xf32>, vector<200x68xf32> -> vector<200x68xf32>
    %get3A_278 = arith.constant 2 : index
    %get3A_279 = arith.constant 0 : index
    %get3A_280 = arith.constant 0 : index
    %get3A_281 = vector.load %arg12[%get3A_278, %get3A_279, %get3A_280] : memref<8x68x1024xf32, #tpu.memory_space<vmem>>, vector<1x68x1024xf32>
    %get3A_282 = vector.shape_cast %get3A_281 : vector<1x68x1024xf32> to vector<68x1024xf32>
    %dot_general3A_283 = arith.constant dense<0.000000e+00> : vector<200x68xf32>
    %dot_general3A_284 = tpu.matmul %get3A_270, %get3A_282, %dot_general3A_283 {dimension_numbers = #tpu.dot_dimension_numbers<[1], [1], [0], [0], [0, 0, 1, 0], [], []>, precision = #tpu.contract_precision<fp32>, transpose_lhs_hint = false} : vector<200x1024xf32>, vector<68x1024xf32>, vector<200x68xf32> -> vector<200x68xf32>
    %swap3A_285 = arith.constant 2 : index
    %swap3A_286 = arith.constant 0 : index
    %swap3A_287 = arith.constant 0 : index
    %swap3A_288 = vector.load %arg14[%swap3A_285, %swap3A_286, %swap3A_287] : memref<8x200x68xf32, #tpu.memory_space<vmem>>, vector<1x200x68xf32>
    %swap3A_289 = vector.shape_cast %swap3A_288 : vector<1x200x68xf32> to vector<200x68xf32>
    %swap3A_290 = vector.shape_cast %dot_general3A_277 : vector<200x68xf32> to vector<1x200x68xf32>
    tpu.vector_store %arg14[%swap3A_285, %swap3A_286, %swap3A_287], %swap3A_290 {strides = array<i32>} : memref<8x200x68xf32, #tpu.memory_space<vmem>>, vector<1x200x68xf32>,
    %swap3A_291 = arith.constant 2 : index
    %swap3A_292 = arith.constant 0 : index
    %swap3A_293 = arith.constant 0 : index
    %swap3A_294 = vector.load %arg15[%swap3A_291, %swap3A_292, %swap3A_293] : memref<8x200x68xf32, #tpu.memory_space<vmem>>, vector<1x200x68xf32>
    %swap3A_295 = vector.shape_cast %swap3A_294 : vector<1x200x68xf32> to vector<200x68xf32>
    %swap3A_296 = vector.shape_cast %dot_general3A_284 : vector<200x68xf32> to vector<1x200x68xf32>
    tpu.vector_store %arg15[%swap3A_291, %swap3A_292, %swap3A_293], %swap3A_296 {strides = array<i32>} : memref<8x200x68xf32, #tpu.memory_space<vmem>>, vector<1x200x68xf32>,
    %get3A_297 = arith.constant 2 : index
    %get3A_298 = arith.constant 0 : index
    %get3A_299 = vector.load %arg0[%get3A_297, %get3A_298] : memref<8x1024xf32, #tpu.memory_space<vmem>>, vector<1x1024xf32>
    %get3A_300 = arith.constant 2 : index
    %get3A_301 = arith.constant 0 : index
    %get3A_302 = vector.load %arg1[%get3A_300, %get3A_301] : memref<8x1024xf32, #tpu.memory_space<vmem>>, vector<1x1024xf32>
    %get3A_303 = arith.constant 2 : index
    %get3A_304 = arith.constant 0 : index
    %get3A_305 = vector.load %arg2[%get3A_303, %get3A_304] : memref<8x1024xf32, #tpu.memory_space<vmem>>, vector<1x1024xf32>
    %get3A_306 = arith.constant 2 : index
    %get3A_307 = arith.constant 0 : index
    %get3A_308 = vector.load %arg3[%get3A_306, %get3A_307] : memref<8x1024xf32, #tpu.memory_space<vmem>>, vector<1x1024xf32>
    %get3A_309 = arith.constant 2 : index
    %get3A_310 = arith.constant 0 : index
    %get3A_311 = vector.load %arg5[%get3A_309, %get3A_310] : memref<8x1024xf32, #tpu.memory_space<vmem>>, vector<1x1024xf32>
    %get3A_312 = arith.constant 2 : index
    %get3A_313 = arith.constant 0 : index
    %get3A_314 = vector.load %arg6[%get3A_312, %get3A_313] : memref<8x1024xf32, #tpu.memory_space<vmem>>, vector<1x1024xf32>
    %get3A_315 = arith.constant 2 : index
    %get3A_316 = arith.constant 0 : index
    %get3A_317 = vector.load %arg7[%get3A_315, %get3A_316] : memref<8x1024xf32, #tpu.memory_space<vmem>>, vector<1x1024xf32>
    %get3A_318 = arith.constant 2 : index
    %get3A_319 = arith.constant 0 : index
    %get3A_320 = vector.load %arg8[%get3A_318, %get3A_319] : memref<8x1024xf32, #tpu.memory_space<vmem>>, vector<1x1024xf32>
    %get3A_321 = arith.constant 2 : index
    %get3A_322 = arith.constant 0 : index
    %get3A_323 = vector.load %arg9[%get3A_321, %get3A_322] : memref<8x1024xf32, #tpu.memory_space<vmem>>, vector<1x1024xf32>
    %get3A_324 = arith.constant 2 : index
    %get3A_325 = arith.constant 0 : index
    %get3A_326 = vector.load %arg10[%get3A_324, %get3A_325] : memref<8x1024xf32, #tpu.memory_space<vmem>>, vector<1x1024xf32>
    %broadcast_in_dim3A_327 = arith.constant 0.000000e+00 : f32
    %broadcast_in_dim3A_328 = vector.broadcast %broadcast_in_dim3A_327 : f32 to vector<6x1024xf32>
    %concatenate3A_329 = tpu.concatenate %get3A_299, %get3A_302, %get3A_305, %get3A_308, %get3A_311, %get3A_314, %get3A_317, %get3A_320, %get3A_323, %get3A_326, %broadcast_in_dim3A_328 in 0 : vector<1x1024xf32>, vector<1x1024xf32>, vector<1x1024xf32>, vector<1x1024xf32>, vector<1x1024xf32>, vector<1x1024xf32>, vector<1x1024xf32>, vector<1x1024xf32>, vector<1x1024xf32>, vector<1x1024xf32>, vector<6x1024xf32> -> vector<16x1024xf32>
    %dot_general3A_330 = arith.constant dense<0.000000e+00> : vector<200x16xf32>
    %dot_general3A_331 = tpu.matmul %get3A_270, %concatenate3A_329, %dot_general3A_330 {dimension_numbers = #tpu.dot_dimension_numbers<[1], [1], [0], [0], [0, 0, 1, 0], [], []>, precision = #tpu.contract_precision<fp32>, transpose_lhs_hint = false} : vector<200x1024xf32>, vector<16x1024xf32>, vector<200x16xf32> -> vector<200x16xf32>
    %swap3A_332 = arith.constant 2 : index
    %swap3A_333 = arith.constant 0 : index
    %swap3A_334 = arith.constant 0 : index
    %swap3A_335 = vector.load %arg13[%swap3A_332, %swap3A_333, %swap3A_334] : memref<8x200x16xf32, #tpu.memory_space<vmem>>, vector<1x200x16xf32>
    %swap3A_336 = vector.shape_cast %swap3A_335 : vector<1x200x16xf32> to vector<200x16xf32>
    %swap3A_337 = vector.shape_cast %dot_general3A_331 : vector<200x16xf32> to vector<1x200x16xf32>
    tpu.vector_store %arg13[%swap3A_332, %swap3A_333, %swap3A_334], %swap3A_337 {strides = array<i32>} : memref<8x200x16xf32, #tpu.memory_space<vmem>>, vector<1x200x16xf32>,
    %slice3A_338 = vector.extract_strided_slice %dot_general3A_331 {offsets = [0, 5], sizes = [200, 1], strides = [1, 1]} : vector<200x16xf32> to vector<200x1xf32>
    %neg3A_339 = arith.constant 0.000000e+00 : f32
    %neg3A_340 = vector.broadcast %neg3A_339 : f32 to vector<200x1xf32>
    %neg3A_341 = arith.subf %neg3A_340, %slice3A_338 : vector<200x1xf32>
    %jit3A_342 = arith.constant -9.990000e-01 : f32
    %jit3A_343 = arith.constant 9.990000e-01 : f32
    %max3A_344 = vector.broadcast %jit3A_342 : f32 to vector<200x1xf32>
    %max3A_345 = arith.maximumf %max3A_344, %neg3A_341 : vector<200x1xf32>
    %min3A_346 = vector.broadcast %jit3A_343 : f32 to vector<200x1xf32>
    %min3A_347 = arith.minimumf %min3A_346, %max3A_345 : vector<200x1xf32>
    %mul3A_348 = arith.mulf %min3A_347, %min3A_347 : vector<200x1xf32>
    %sub3A_349 = arith.constant 1.000000e+00 : f32
    %sub3A_350 = vector.broadcast %sub3A_349 : f32 to vector<200x1xf32>
    %sub3A_351 = arith.subf %sub3A_350, %mul3A_348 : vector<200x1xf32>
    %sqrt3A_352 = math.sqrt %sub3A_351 : vector<200x1xf32>
    %atan23A_353 = math.atan2 %min3A_347, %sqrt3A_352 : vector<200x1xf32>
    %mul3A_354 = arith.constant 57.2957802 : f32
    %mul3A_355 = vector.broadcast %mul3A_354 : f32 to vector<200x1xf32>
    %mul3A_356 = arith.mulf %atan23A_353, %mul3A_355 : vector<200x1xf32>
    %cos3A_357 = math.cos %mul3A_356 : vector<200x1xf32>
    %abs3A_358 = math.absf %cos3A_357 : vector<200x1xf32>
    %lt3A_359 = arith.constant 9.99999997E-7 : f32
    %lt3A_360 = vector.broadcast %lt3A_359 : f32 to vector<200x1xf32>
    %lt3A_361 = arith.cmpf olt, %abs3A_358, %lt3A_360 : vector<200x1xf32>
    %jit3A_362 = arith.constant 9.99999997E-7 : f32
    %broadcast_in_dim3A_363 = vector.broadcast %jit3A_362 : f32 to vector<200x1xf32>
    %select_n3A_364 = arith.select %lt3A_361, %broadcast_in_dim3A_363, %cos3A_357 : vector<200x1xi1>, vector<200x1xf32>
    %slice3A_365 = vector.extract_strided_slice %dot_general3A_331 {offsets = [0, 6], sizes = [200, 1], strides = [1, 1]} : vector<200x16xf32> to vector<200x1xf32>
    %div3A_366 = arith.divf %slice3A_365, %select_n3A_364 : vector<200x1xf32>
    %slice3A_367 = vector.extract_strided_slice %dot_general3A_331 {offsets = [0, 7], sizes = [200, 1], strides = [1, 1]} : vector<200x16xf32> to vector<200x1xf32>
    %div3A_368 = arith.divf %slice3A_367, %select_n3A_364 : vector<200x1xf32>
    %atan23A_369 = math.atan2 %div3A_366, %div3A_368 : vector<200x1xf32>
    %mul3A_370 = arith.constant 57.2957802 : f32
    %mul3A_371 = vector.broadcast %mul3A_370 : f32 to vector<200x1xf32>
    %mul3A_372 = arith.mulf %atan23A_369, %mul3A_371 : vector<200x1xf32>
    %slice3A_373 = vector.extract_strided_slice %dot_general3A_331 {offsets = [0, 8], sizes = [200, 1], strides = [1, 1]} : vector<200x16xf32> to vector<200x1xf32>
    %div3A_374 = arith.divf %slice3A_373, %select_n3A_364 : vector<200x1xf32>
    %slice3A_375 = vector.extract_strided_slice %dot_general3A_331 {offsets = [0, 9], sizes = [200, 1], strides = [1, 1]} : vector<200x16xf32> to vector<200x1xf32>
    %div3A_376 = arith.divf %slice3A_375, %select_n3A_364 : vector<200x1xf32>
    %atan23A_377 = math.atan2 %div3A_374, %div3A_376 : vector<200x1xf32>
    %mul3A_378 = arith.constant 57.2957802 : f32
    %mul3A_379 = vector.broadcast %mul3A_378 : f32 to vector<200x1xf32>
    %mul3A_380 = arith.mulf %atan23A_377, %mul3A_379 : vector<200x1xf32>
    %broadcast_in_dim3A_381 = arith.constant 0.000000e+00 : f32
    %broadcast_in_dim3A_382 = vector.broadcast %broadcast_in_dim3A_381 : f32 to vector<200x13xf32>
    %concatenate3A_383 = tpu.concatenate %mul3A_372, %mul3A_356, %mul3A_380, %broadcast_in_dim3A_382 in 1 : vector<200x1xf32>, vector<200x1xf32>, vector<200x1xf32>, vector<200x13xf32> -> vector<200x16xf32>
    %swap3A_384 = arith.constant 2 : index
    %swap3A_385 = arith.constant 0 : index
    %swap3A_386 = arith.constant 0 : index
    %swap3A_387 = vector.load %arg16[%swap3A_384, %swap3A_385, %swap3A_386] : memref<8x200x16xf32, #tpu.memory_space<vmem>>, vector<1x200x16xf32>
    %swap3A_388 = vector.shape_cast %swap3A_387 : vector<1x200x16xf32> to vector<200x16xf32>
    %swap3A_389 = vector.shape_cast %concatenate3A_383 : vector<200x16xf32> to vector<1x200x16xf32>
    tpu.vector_store %arg16[%swap3A_384, %swap3A_385, %swap3A_386], %swap3A_389 {strides = array<i32>} : memref<8x200x16xf32, #tpu.memory_space<vmem>>, vector<1x200x16xf32>,
    %get3A_390 = arith.constant 0 : index
    %get3A_391 = arith.constant 3 : index
    %get3A_392 = arith.constant 0 : index
    %get3A_393 = vector.load %arg17[%get3A_390, %get3A_391, %get3A_392] : memref<200x8x1024xf32, #tpu.memory_space<vmem>>, vector<200x1x1024xf32>
    %get3A_394 = vector.shape_cast %get3A_393 : vector<200x1x1024xf32> to vector<200x1024xf32>
    %get3A_395 = arith.constant 3 : index
    %get3A_396 = arith.constant 0 : index
    %get3A_397 = arith.constant 0 : index
    %get3A_398 = vector.load %arg11[%get3A_395, %get3A_396, %get3A_397] : memref<8x68x1024xf32, #tpu.memory_space<vmem>>, vector<1x68x1024xf32>
    %get3A_399 = vector.shape_cast %get3A_398 : vector<1x68x1024xf32> to vector<68x1024xf32>
    %dot_general3A_400 = arith.constant dense<0.000000e+00> : vector<200x68xf32>
    %dot_general3A_401 = tpu.matmul %get3A_394, %get3A_399, %dot_general3A_400 {dimension_numbers = #tpu.dot_dimension_numbers<[1], [1], [0], [0], [0, 0, 1, 0], [], []>, precision = #tpu.contract_precision<fp32>, transpose_lhs_hint = false} : vector<200x1024xf32>, vector<68x1024xf32>, vector<200x68xf32> -> vector<200x68xf32>
    %get3A_402 = arith.constant 3 : index
    %get3A_403 = arith.constant 0 : index
    %get3A_404 = arith.constant 0 : index
    %get3A_405 = vector.load %arg12[%get3A_402, %get3A_403, %get3A_404] : memref<8x68x1024xf32, #tpu.memory_space<vmem>>, vector<1x68x1024xf32>
    %get3A_406 = vector.shape_cast %get3A_405 : vector<1x68x1024xf32> to vector<68x1024xf32>
    %dot_general3A_407 = arith.constant dense<0.000000e+00> : vector<200x68xf32>
    %dot_general3A_408 = tpu.matmul %get3A_394, %get3A_406, %dot_general3A_407 {dimension_numbers = #tpu.dot_dimension_numbers<[1], [1], [0], [0], [0, 0, 1, 0], [], []>, precision = #tpu.contract_precision<fp32>, transpose_lhs_hint = false} : vector<200x1024xf32>, vector<68x1024xf32>, vector<200x68xf32> -> vector<200x68xf32>
    %swap3A_409 = arith.constant 3 : index
    %swap3A_410 = arith.constant 0 : index
    %swap3A_411 = arith.constant 0 : index
    %swap3A_412 = vector.load %arg14[%swap3A_409, %swap3A_410, %swap3A_411] : memref<8x200x68xf32, #tpu.memory_space<vmem>>, vector<1x200x68xf32>
    %swap3A_413 = vector.shape_cast %swap3A_412 : vector<1x200x68xf32> to vector<200x68xf32>
    %swap3A_414 = vector.shape_cast %dot_general3A_401 : vector<200x68xf32> to vector<1x200x68xf32>
    tpu.vector_store %arg14[%swap3A_409, %swap3A_410, %swap3A_411], %swap3A_414 {strides = array<i32>} : memref<8x200x68xf32, #tpu.memory_space<vmem>>, vector<1x200x68xf32>,
    %swap3A_415 = arith.constant 3 : index
    %swap3A_416 = arith.constant 0 : index
    %swap3A_417 = arith.constant 0 : index
    %swap3A_418 = vector.load %arg15[%swap3A_415, %swap3A_416, %swap3A_417] : memref<8x200x68xf32, #tpu.memory_space<vmem>>, vector<1x200x68xf32>
    %swap3A_419 = vector.shape_cast %swap3A_418 : vector<1x200x68xf32> to vector<200x68xf32>
    %swap3A_420 = vector.shape_cast %dot_general3A_408 : vector<200x68xf32> to vector<1x200x68xf32>
    tpu.vector_store %arg15[%swap3A_415, %swap3A_416, %swap3A_417], %swap3A_420 {strides = array<i32>} : memref<8x200x68xf32, #tpu.memory_space<vmem>>, vector<1x200x68xf32>,
    %get3A_421 = arith.constant 3 : index
    %get3A_422 = arith.constant 0 : index
    %get3A_423 = vector.load %arg0[%get3A_421, %get3A_422] : memref<8x1024xf32, #tpu.memory_space<vmem>>, vector<1x1024xf32>
    %get3A_424 = arith.constant 3 : index
    %get3A_425 = arith.constant 0 : index
    %get3A_426 = vector.load %arg1[%get3A_424, %get3A_425] : memref<8x1024xf32, #tpu.memory_space<vmem>>, vector<1x1024xf32>
    %get3A_427 = arith.constant 3 : index
    %get3A_428 = arith.constant 0 : index
    %get3A_429 = vector.load %arg2[%get3A_427, %get3A_428] : memref<8x1024xf32, #tpu.memory_space<vmem>>, vector<1x1024xf32>
    %get3A_430 = arith.constant 3 : index
    %get3A_431 = arith.constant 0 : index
    %get3A_432 = vector.load %arg3[%get3A_430, %get3A_431] : memref<8x1024xf32, #tpu.memory_space<vmem>>, vector<1x1024xf32>
    %get3A_433 = arith.constant 3 : index
    %get3A_434 = arith.constant 0 : index
    %get3A_435 = vector.load %arg5[%get3A_433, %get3A_434] : memref<8x1024xf32, #tpu.memory_space<vmem>>, vector<1x1024xf32>
    %get3A_436 = arith.constant 3 : index
    %get3A_437 = arith.constant 0 : index
    %get3A_438 = vector.load %arg6[%get3A_436, %get3A_437] : memref<8x1024xf32, #tpu.memory_space<vmem>>, vector<1x1024xf32>
    %get3A_439 = arith.constant 3 : index
    %get3A_440 = arith.constant 0 : index
    %get3A_441 = vector.load %arg7[%get3A_439, %get3A_440] : memref<8x1024xf32, #tpu.memory_space<vmem>>, vector<1x1024xf32>
    %get3A_442 = arith.constant 3 : index
    %get3A_443 = arith.constant 0 : index
    %get3A_444 = vector.load %arg8[%get3A_442, %get3A_443] : memref<8x1024xf32, #tpu.memory_space<vmem>>, vector<1x1024xf32>
    %get3A_445 = arith.constant 3 : index
    %get3A_446 = arith.constant 0 : index
    %get3A_447 = vector.load %arg9[%get3A_445, %get3A_446] : memref<8x1024xf32, #tpu.memory_space<vmem>>, vector<1x1024xf32>
    %get3A_448 = arith.constant 3 : index
    %get3A_449 = arith.constant 0 : index
    %get3A_450 = vector.load %arg10[%get3A_448, %get3A_449] : memref<8x1024xf32, #tpu.memory_space<vmem>>, vector<1x1024xf32>
    %broadcast_in_dim3A_451 = arith.constant 0.000000e+00 : f32
    %broadcast_in_dim3A_452 = vector.broadcast %broadcast_in_dim3A_451 : f32 to vector<6x1024xf32>
    %concatenate3A_453 = tpu.concatenate %get3A_423, %get3A_426, %get3A_429, %get3A_432, %get3A_435, %get3A_438, %get3A_441, %get3A_444, %get3A_447, %get3A_450, %broadcast_in_dim3A_452 in 0 : vector<1x1024xf32>, vector<1x1024xf32>, vector<1x1024xf32>, vector<1x1024xf32>, vector<1x1024xf32>, vector<1x1024xf32>, vector<1x1024xf32>, vector<1x1024xf32>, vector<1x1024xf32>, vector<1x1024xf32>, vector<6x1024xf32> -> vector<16x1024xf32>
    %dot_general3A_454 = arith.constant dense<0.000000e+00> : vector<200x16xf32>
    %dot_general3A_455 = tpu.matmul %get3A_394, %concatenate3A_453, %dot_general3A_454 {dimension_numbers = #tpu.dot_dimension_numbers<[1], [1], [0], [0], [0, 0, 1, 0], [], []>, precision = #tpu.contract_precision<fp32>, transpose_lhs_hint = false} : vector<200x1024xf32>, vector<16x1024xf32>, vector<200x16xf32> -> vector<200x16xf32>
    %swap3A_456 = arith.constant 3 : index
    %swap3A_457 = arith.constant 0 : index
    %swap3A_458 = arith.constant 0 : index
    %swap3A_459 = vector.load %arg13[%swap3A_456, %swap3A_457, %swap3A_458] : memref<8x200x16xf32, #tpu.memory_space<vmem>>, vector<1x200x16xf32>
    %swap3A_460 = vector.shape_cast %swap3A_459 : vector<1x200x16xf32> to vector<200x16xf32>
    %swap3A_461 = vector.shape_cast %dot_general3A_455 : vector<200x16xf32> to vector<1x200x16xf32>
    tpu.vector_store %arg13[%swap3A_456, %swap3A_457, %swap3A_458], %swap3A_461 {strides = array<i32>} : memref<8x200x16xf32, #tpu.memory_space<vmem>>, vector<1x200x16xf32>,
    %slice3A_462 = vector.extract_strided_slice %dot_general3A_455 {offsets = [0, 5], sizes = [200, 1], strides = [1, 1]} : vector<200x16xf32> to vector<200x1xf32>
    %neg3A_463 = arith.constant 0.000000e+00 : f32
    %neg3A_464 = vector.broadcast %neg3A_463 : f32 to vector<200x1xf32>
    %neg3A_465 = arith.subf %neg3A_464, %slice3A_462 : vector<200x1xf32>
    %jit3A_466 = arith.constant -9.990000e-01 : f32
    %jit3A_467 = arith.constant 9.990000e-01 : f32
    %max3A_468 = vector.broadcast %jit3A_466 : f32 to vector<200x1xf32>
    %max3A_469 = arith.maximumf %max3A_468, %neg3A_465 : vector<200x1xf32>
    %min3A_470 = vector.broadcast %jit3A_467 : f32 to vector<200x1xf32>
    %min3A_471 = arith.minimumf %min3A_470, %max3A_469 : vector<200x1xf32>
    %mul3A_472 = arith.mulf %min3A_471, %min3A_471 : vector<200x1xf32>
    %sub3A_473 = arith.constant 1.000000e+00 : f32
    %sub3A_474 = vector.broadcast %sub3A_473 : f32 to vector<200x1xf32>
    %sub3A_475 = arith.subf %sub3A_474, %mul3A_472 : vector<200x1xf32>
    %sqrt3A_476 = math.sqrt %sub3A_475 : vector<200x1xf32>
    %atan23A_477 = math.atan2 %min3A_471, %sqrt3A_476 : vector<200x1xf32>
    %mul3A_478 = arith.constant 57.2957802 : f32
    %mul3A_479 = vector.broadcast %mul3A_478 : f32 to vector<200x1xf32>
    %mul3A_480 = arith.mulf %atan23A_477, %mul3A_479 : vector<200x1xf32>
    %cos3A_481 = math.cos %mul3A_480 : vector<200x1xf32>
    %abs3A_482 = math.absf %cos3A_481 : vector<200x1xf32>
    %lt3A_483 = arith.constant 9.99999997E-7 : f32
    %lt3A_484 = vector.broadcast %lt3A_483 : f32 to vector<200x1xf32>
    %lt3A_485 = arith.cmpf olt, %abs3A_482, %lt3A_484 : vector<200x1xf32>
    %jit3A_486 = arith.constant 9.99999997E-7 : f32
    %broadcast_in_dim3A_487 = vector.broadcast %jit3A_486 : f32 to vector<200x1xf32>
    %select_n3A_488 = arith.select %lt3A_485, %broadcast_in_dim3A_487, %cos3A_481 : vector<200x1xi1>, vector<200x1xf32>
    %slice3A_489 = vector.extract_strided_slice %dot_general3A_455 {offsets = [0, 6], sizes = [200, 1], strides = [1, 1]} : vector<200x16xf32> to vector<200x1xf32>
    %div3A_490 = arith.divf %slice3A_489, %select_n3A_488 : vector<200x1xf32>
    %slice3A_491 = vector.extract_strided_slice %dot_general3A_455 {offsets = [0, 7], sizes = [200, 1], strides = [1, 1]} : vector<200x16xf32> to vector<200x1xf32>
    %div3A_492 = arith.divf %slice3A_491, %select_n3A_488 : vector<200x1xf32>
    %atan23A_493 = math.atan2 %div3A_490, %div3A_492 : vector<200x1xf32>
    %mul3A_494 = arith.constant 57.2957802 : f32
    %mul3A_495 = vector.broadcast %mul3A_494 : f32 to vector<200x1xf32>
    %mul3A_496 = arith.mulf %atan23A_493, %mul3A_495 : vector<200x1xf32>
    %slice3A_497 = vector.extract_strided_slice %dot_general3A_455 {offsets = [0, 8], sizes = [200, 1], strides = [1, 1]} : vector<200x16xf32> to vector<200x1xf32>
    %div3A_498 = arith.divf %slice3A_497, %select_n3A_488 : vector<200x1xf32>
    %slice3A_499 = vector.extract_strided_slice %dot_general3A_455 {offsets = [0, 9], sizes = [200, 1], strides = [1, 1]} : vector<200x16xf32> to vector<200x1xf32>
    %div3A_500 = arith.divf %slice3A_499, %select_n3A_488 : vector<200x1xf32>
    %atan23A_501 = math.atan2 %div3A_498, %div3A_500 : vector<200x1xf32>
    %mul3A_502 = arith.constant 57.2957802 : f32
    %mul3A_503 = vector.broadcast %mul3A_502 : f32 to vector<200x1xf32>
    %mul3A_504 = arith.mulf %atan23A_501, %mul3A_503 : vector<200x1xf32>
    %broadcast_in_dim3A_505 = arith.constant 0.000000e+00 : f32
    %broadcast_in_dim3A_506 = vector.broadcast %broadcast_in_dim3A_505 : f32 to vector<200x13xf32>
    %concatenate3A_507 = tpu.concatenate %mul3A_496, %mul3A_480, %mul3A_504, %broadcast_in_dim3A_506 in 1 : vector<200x1xf32>, vector<200x1xf32>, vector<200x1xf32>, vector<200x13xf32> -> vector<200x16xf32>
    %swap3A_508 = arith.constant 3 : index
    %swap3A_509 = arith.constant 0 : index
    %swap3A_510 = arith.constant 0 : index
    %swap3A_511 = vector.load %arg16[%swap3A_508, %swap3A_509, %swap3A_510] : memref<8x200x16xf32, #tpu.memory_space<vmem>>, vector<1x200x16xf32>
    %swap3A_512 = vector.shape_cast %swap3A_511 : vector<1x200x16xf32> to vector<200x16xf32>
    %swap3A_513 = vector.shape_cast %concatenate3A_507 : vector<200x16xf32> to vector<1x200x16xf32>
    tpu.vector_store %arg16[%swap3A_508, %swap3A_509, %swap3A_510], %swap3A_513 {strides = array<i32>} : memref<8x200x16xf32, #tpu.memory_space<vmem>>, vector<1x200x16xf32>,
    %get3A_514 = arith.constant 0 : index
    %get3A_515 = arith.constant 4 : index
    %get3A_516 = arith.constant 0 : index
    %get3A_517 = vector.load %arg17[%get3A_514, %get3A_515, %get3A_516] : memref<200x8x1024xf32, #tpu.memory_space<vmem>>, vector<200x1x1024xf32>
    %get3A_518 = vector.shape_cast %get3A_517 : vector<200x1x1024xf32> to vector<200x1024xf32>
    %get3A_519 = arith.constant 4 : index
    %get3A_520 = arith.constant 0 : index
    %get3A_521 = arith.constant 0 : index
    %get3A_522 = vector.load %arg11[%get3A_519, %get3A_520, %get3A_521] : memref<8x68x1024xf32, #tpu.memory_space<vmem>>, vector<1x68x1024xf32>
    %get3A_523 = vector.shape_cast %get3A_522 : vector<1x68x1024xf32> to vector<68x1024xf32>
    %dot_general3A_524 = arith.constant dense<0.000000e+00> : vector<200x68xf32>
    %dot_general3A_525 = tpu.matmul %get3A_518, %get3A_523, %dot_general3A_524 {dimension_numbers = #tpu.dot_dimension_numbers<[1], [1], [0], [0], [0, 0, 1, 0], [], []>, precision = #tpu.contract_precision<fp32>, transpose_lhs_hint = false} : vector<200x1024xf32>, vector<68x1024xf32>, vector<200x68xf32> -> vector<200x68xf32>
    %get3A_526 = arith.constant 4 : index
    %get3A_527 = arith.constant 0 : index
    %get3A_528 = arith.constant 0 : index
    %get3A_529 = vector.load %arg12[%get3A_526, %get3A_527, %get3A_528] : memref<8x68x1024xf32, #tpu.memory_space<vmem>>, vector<1x68x1024xf32>
    %get3A_530 = vector.shape_cast %get3A_529 : vector<1x68x1024xf32> to vector<68x1024xf32>
    %dot_general3A_531 = arith.constant dense<0.000000e+00> : vector<200x68xf32>
    %dot_general3A_532 = tpu.matmul %get3A_518, %get3A_530, %dot_general3A_531 {dimension_numbers = #tpu.dot_dimension_numbers<[1], [1], [0], [0], [0, 0, 1, 0], [], []>, precision = #tpu.contract_precision<fp32>, transpose_lhs_hint = false} : vector<200x1024xf32>, vector<68x1024xf32>, vector<200x68xf32> -> vector<200x68xf32>
    %swap3A_533 = arith.constant 4 : index
    %swap3A_534 = arith.constant 0 : index
    %swap3A_535 = arith.constant 0 : index
    %swap3A_536 = vector.load %arg14[%swap3A_533, %swap3A_534, %swap3A_535] : memref<8x200x68xf32, #tpu.memory_space<vmem>>, vector<1x200x68xf32>
    %swap3A_537 = vector.shape_cast %swap3A_536 : vector<1x200x68xf32> to vector<200x68xf32>
    %swap3A_538 = vector.shape_cast %dot_general3A_525 : vector<200x68xf32> to vector<1x200x68xf32>
    tpu.vector_store %arg14[%swap3A_533, %swap3A_534, %swap3A_535], %swap3A_538 {strides = array<i32>} : memref<8x200x68xf32, #tpu.memory_space<vmem>>, vector<1x200x68xf32>,
    %swap3A_539 = arith.constant 4 : index
    %swap3A_540 = arith.constant 0 : index
    %swap3A_541 = arith.constant 0 : index
    %swap3A_542 = vector.load %arg15[%swap3A_539, %swap3A_540, %swap3A_541] : memref<8x200x68xf32, #tpu.memory_space<vmem>>, vector<1x200x68xf32>
    %swap3A_543 = vector.shape_cast %swap3A_542 : vector<1x200x68xf32> to vector<200x68xf32>
    %swap3A_544 = vector.shape_cast %dot_general3A_532 : vector<200x68xf32> to vector<1x200x68xf32>
    tpu.vector_store %arg15[%swap3A_539, %swap3A_540, %swap3A_541], %swap3A_544 {strides = array<i32>} : memref<8x200x68xf32, #tpu.memory_space<vmem>>, vector<1x200x68xf32>,
    %get3A_545 = arith.constant 4 : index
    %get3A_546 = arith.constant 0 : index
    %get3A_547 = vector.load %arg0[%get3A_545, %get3A_546] : memref<8x1024xf32, #tpu.memory_space<vmem>>, vector<1x1024xf32>
    %get3A_548 = arith.constant 4 : index
    %get3A_549 = arith.constant 0 : index
    %get3A_550 = vector.load %arg1[%get3A_548, %get3A_549] : memref<8x1024xf32, #tpu.memory_space<vmem>>, vector<1x1024xf32>
    %get3A_551 = arith.constant 4 : index
    %get3A_552 = arith.constant 0 : index
    %get3A_553 = vector.load %arg2[%get3A_551, %get3A_552] : memref<8x1024xf32, #tpu.memory_space<vmem>>, vector<1x1024xf32>
    %get3A_554 = arith.constant 4 : index
    %get3A_555 = arith.constant 0 : index
    %get3A_556 = vector.load %arg3[%get3A_554, %get3A_555] : memref<8x1024xf32, #tpu.memory_space<vmem>>, vector<1x1024xf32>
    %get3A_557 = arith.constant 4 : index
    %get3A_558 = arith.constant 0 : index
    %get3A_559 = vector.load %arg5[%get3A_557, %get3A_558] : memref<8x1024xf32, #tpu.memory_space<vmem>>, vector<1x1024xf32>
    %get3A_560 = arith.constant 4 : index
    %get3A_561 = arith.constant 0 : index
    %get3A_562 = vector.load %arg6[%get3A_560, %get3A_561] : memref<8x1024xf32, #tpu.memory_space<vmem>>, vector<1x1024xf32>
    %get3A_563 = arith.constant 4 : index
    %get3A_564 = arith.constant 0 : index
    %get3A_565 = vector.load %arg7[%get3A_563, %get3A_564] : memref<8x1024xf32, #tpu.memory_space<vmem>>, vector<1x1024xf32>
    %get3A_566 = arith.constant 4 : index
    %get3A_567 = arith.constant 0 : index
    %get3A_568 = vector.load %arg8[%get3A_566, %get3A_567] : memref<8x1024xf32, #tpu.memory_space<vmem>>, vector<1x1024xf32>
    %get3A_569 = arith.constant 4 : index
    %get3A_570 = arith.constant 0 : index
    %get3A_571 = vector.load %arg9[%get3A_569, %get3A_570] : memref<8x1024xf32, #tpu.memory_space<vmem>>, vector<1x1024xf32>
    %get3A_572 = arith.constant 4 : index
    %get3A_573 = arith.constant 0 : index
    %get3A_574 = vector.load %arg10[%get3A_572, %get3A_573] : memref<8x1024xf32, #tpu.memory_space<vmem>>, vector<1x1024xf32>
    %broadcast_in_dim3A_575 = arith.constant 0.000000e+00 : f32
    %broadcast_in_dim3A_576 = vector.broadcast %broadcast_in_dim3A_575 : f32 to vector<6x1024xf32>
    %concatenate3A_577 = tpu.concatenate %get3A_547, %get3A_550, %get3A_553, %get3A_556, %get3A_559, %get3A_562, %get3A_565, %get3A_568, %get3A_571, %get3A_574, %broadcast_in_dim3A_576 in 0 : vector<1x1024xf32>, vector<1x1024xf32>, vector<1x1024xf32>, vector<1x1024xf32>, vector<1x1024xf32>, vector<1x1024xf32>, vector<1x1024xf32>, vector<1x1024xf32>, vector<1x1024xf32>, vector<1x1024xf32>, vector<6x1024xf32> -> vector<16x1024xf32>
    %dot_general3A_578 = arith.constant dense<0.000000e+00> : vector<200x16xf32>
    %dot_general3A_579 = tpu.matmul %get3A_518, %concatenate3A_577, %dot_general3A_578 {dimension_numbers = #tpu.dot_dimension_numbers<[1], [1], [0], [0], [0, 0, 1, 0], [], []>, precision = #tpu.contract_precision<fp32>, transpose_lhs_hint = false} : vector<200x1024xf32>, vector<16x1024xf32>, vector<200x16xf32> -> vector<200x16xf32>
    %swap3A_580 = arith.constant 4 : index
    %swap3A_581 = arith.constant 0 : index
    %swap3A_582 = arith.constant 0 : index
    %swap3A_583 = vector.load %arg13[%swap3A_580, %swap3A_581, %swap3A_582] : memref<8x200x16xf32, #tpu.memory_space<vmem>>, vector<1x200x16xf32>
    %swap3A_584 = vector.shape_cast %swap3A_583 : vector<1x200x16xf32> to vector<200x16xf32>
    %swap3A_585 = vector.shape_cast %dot_general3A_579 : vector<200x16xf32> to vector<1x200x16xf32>
    tpu.vector_store %arg13[%swap3A_580, %swap3A_581, %swap3A_582], %swap3A_585 {strides = array<i32>} : memref<8x200x16xf32, #tpu.memory_space<vmem>>, vector<1x200x16xf32>,
    %slice3A_586 = vector.extract_strided_slice %dot_general3A_579 {offsets = [0, 5], sizes = [200, 1], strides = [1, 1]} : vector<200x16xf32> to vector<200x1xf32>
    %neg3A_587 = arith.constant 0.000000e+00 : f32
    %neg3A_588 = vector.broadcast %neg3A_587 : f32 to vector<200x1xf32>
    %neg3A_589 = arith.subf %neg3A_588, %slice3A_586 : vector<200x1xf32>
    %jit3A_590 = arith.constant -9.990000e-01 : f32
    %jit3A_591 = arith.constant 9.990000e-01 : f32
    %max3A_592 = vector.broadcast %jit3A_590 : f32 to vector<200x1xf32>
    %max3A_593 = arith.maximumf %max3A_592, %neg3A_589 : vector<200x1xf32>
    %min3A_594 = vector.broadcast %jit3A_591 : f32 to vector<200x1xf32>
    %min3A_595 = arith.minimumf %min3A_594, %max3A_593 : vector<200x1xf32>
    %mul3A_596 = arith.mulf %min3A_595, %min3A_595 : vector<200x1xf32>
    %sub3A_597 = arith.constant 1.000000e+00 : f32
    %sub3A_598 = vector.broadcast %sub3A_597 : f32 to vector<200x1xf32>
    %sub3A_599 = arith.subf %sub3A_598, %mul3A_596 : vector<200x1xf32>
    %sqrt3A_600 = math.sqrt %sub3A_599 : vector<200x1xf32>
    %atan23A_601 = math.atan2 %min3A_595, %sqrt3A_600 : vector<200x1xf32>
    %mul3A_602 = arith.constant 57.2957802 : f32
    %mul3A_603 = vector.broadcast %mul3A_602 : f32 to vector<200x1xf32>
    %mul3A_604 = arith.mulf %atan23A_601, %mul3A_603 : vector<200x1xf32>
    %cos3A_605 = math.cos %mul3A_604 : vector<200x1xf32>
    %abs3A_606 = math.absf %cos3A_605 : vector<200x1xf32>
    %lt3A_607 = arith.constant 9.99999997E-7 : f32
    %lt3A_608 = vector.broadcast %lt3A_607 : f32 to vector<200x1xf32>
    %lt3A_609 = arith.cmpf olt, %abs3A_606, %lt3A_608 : vector<200x1xf32>
    %jit3A_610 = arith.constant 9.99999997E-7 : f32
    %broadcast_in_dim3A_611 = vector.broadcast %jit3A_610 : f32 to vector<200x1xf32>
    %select_n3A_612 = arith.select %lt3A_609, %broadcast_in_dim3A_611, %cos3A_605 : vector<200x1xi1>, vector<200x1xf32>
    %slice3A_613 = vector.extract_strided_slice %dot_general3A_579 {offsets = [0, 6], sizes = [200, 1], strides = [1, 1]} : vector<200x16xf32> to vector<200x1xf32>
    %div3A_614 = arith.divf %slice3A_613, %select_n3A_612 : vector<200x1xf32>
    %slice3A_615 = vector.extract_strided_slice %dot_general3A_579 {offsets = [0, 7], sizes = [200, 1], strides = [1, 1]} : vector<200x16xf32> to vector<200x1xf32>
    %div3A_616 = arith.divf %slice3A_615, %select_n3A_612 : vector<200x1xf32>
    %atan23A_617 = math.atan2 %div3A_614, %div3A_616 : vector<200x1xf32>
    %mul3A_618 = arith.constant 57.2957802 : f32
    %mul3A_619 = vector.broadcast %mul3A_618 : f32 to vector<200x1xf32>
    %mul3A_620 = arith.mulf %atan23A_617, %mul3A_619 : vector<200x1xf32>
    %slice3A_621 = vector.extract_strided_slice %dot_general3A_579 {offsets = [0, 8], sizes = [200, 1], strides = [1, 1]} : vector<200x16xf32> to vector<200x1xf32>
    %div3A_622 = arith.divf %slice3A_621, %select_n3A_612 : vector<200x1xf32>
    %slice3A_623 = vector.extract_strided_slice %dot_general3A_579 {offsets = [0, 9], sizes = [200, 1], strides = [1, 1]} : vector<200x16xf32> to vector<200x1xf32>
    %div3A_624 = arith.divf %slice3A_623, %select_n3A_612 : vector<200x1xf32>
    %atan23A_625 = math.atan2 %div3A_622, %div3A_624 : vector<200x1xf32>
    %mul3A_626 = arith.constant 57.2957802 : f32
    %mul3A_627 = vector.broadcast %mul3A_626 : f32 to vector<200x1xf32>
    %mul3A_628 = arith.mulf %atan23A_625, %mul3A_627 : vector<200x1xf32>
    %broadcast_in_dim3A_629 = arith.constant 0.000000e+00 : f32
    %broadcast_in_dim3A_630 = vector.broadcast %broadcast_in_dim3A_629 : f32 to vector<200x13xf32>
    %concatenate3A_631 = tpu.concatenate %mul3A_620, %mul3A_604, %mul3A_628, %broadcast_in_dim3A_630 in 1 : vector<200x1xf32>, vector<200x1xf32>, vector<200x1xf32>, vector<200x13xf32> -> vector<200x16xf32>
    %swap3A_632 = arith.constant 4 : index
    %swap3A_633 = arith.constant 0 : index
    %swap3A_634 = arith.constant 0 : index
    %swap3A_635 = vector.load %arg16[%swap3A_632, %swap3A_633, %swap3A_634] : memref<8x200x16xf32, #tpu.memory_space<vmem>>, vector<1x200x16xf32>
    %swap3A_636 = vector.shape_cast %swap3A_635 : vector<1x200x16xf32> to vector<200x16xf32>
    %swap3A_637 = vector.shape_cast %concatenate3A_631 : vector<200x16xf32> to vector<1x200x16xf32>
    tpu.vector_store %arg16[%swap3A_632, %swap3A_633, %swap3A_634], %swap3A_637 {strides = array<i32>} : memref<8x200x16xf32, #tpu.memory_space<vmem>>, vector<1x200x16xf32>,
    %get3A_638 = arith.constant 0 : index
    %get3A_639 = arith.constant 5 : index
    %get3A_640 = arith.constant 0 : index
    %get3A_641 = vector.load %arg17[%get3A_638, %get3A_639, %get3A_640] : memref<200x8x1024xf32, #tpu.memory_space<vmem>>, vector<200x1x1024xf32>
    %get3A_642 = vector.shape_cast %get3A_641 : vector<200x1x1024xf32> to vector<200x1024xf32>
    %get3A_643 = arith.constant 5 : index
    %get3A_644 = arith.constant 0 : index
    %get3A_645 = arith.constant 0 : index
    %get3A_646 = vector.load %arg11[%get3A_643, %get3A_644, %get3A_645] : memref<8x68x1024xf32, #tpu.memory_space<vmem>>, vector<1x68x1024xf32>
    %get3A_647 = vector.shape_cast %get3A_646 : vector<1x68x1024xf32> to vector<68x1024xf32>
    %dot_general3A_648 = arith.constant dense<0.000000e+00> : vector<200x68xf32>
    %dot_general3A_649 = tpu.matmul %get3A_642, %get3A_647, %dot_general3A_648 {dimension_numbers = #tpu.dot_dimension_numbers<[1], [1], [0], [0], [0, 0, 1, 0], [], []>, precision = #tpu.contract_precision<fp32>, transpose_lhs_hint = false} : vector<200x1024xf32>, vector<68x1024xf32>, vector<200x68xf32> -> vector<200x68xf32>
    %get3A_650 = arith.constant 5 : index
    %get3A_651 = arith.constant 0 : index
    %get3A_652 = arith.constant 0 : index
    %get3A_653 = vector.load %arg12[%get3A_650, %get3A_651, %get3A_652] : memref<8x68x1024xf32, #tpu.memory_space<vmem>>, vector<1x68x1024xf32>
    %get3A_654 = vector.shape_cast %get3A_653 : vector<1x68x1024xf32> to vector<68x1024xf32>
    %dot_general3A_655 = arith.constant dense<0.000000e+00> : vector<200x68xf32>
    %dot_general3A_656 = tpu.matmul %get3A_642, %get3A_654, %dot_general3A_655 {dimension_numbers = #tpu.dot_dimension_numbers<[1], [1], [0], [0], [0, 0, 1, 0], [], []>, precision = #tpu.contract_precision<fp32>, transpose_lhs_hint = false} : vector<200x1024xf32>, vector<68x1024xf32>, vector<200x68xf32> -> vector<200x68xf32>
    %swap3A_657 = arith.constant 5 : index
    %swap3A_658 = arith.constant 0 : index
    %swap3A_659 = arith.constant 0 : index
    %swap3A_660 = vector.load %arg14[%swap3A_657, %swap3A_658, %swap3A_659] : memref<8x200x68xf32, #tpu.memory_space<vmem>>, vector<1x200x68xf32>
    %swap3A_661 = vector.shape_cast %swap3A_660 : vector<1x200x68xf32> to vector<200x68xf32>
    %swap3A_662 = vector.shape_cast %dot_general3A_649 : vector<200x68xf32> to vector<1x200x68xf32>
    tpu.vector_store %arg14[%swap3A_657, %swap3A_658, %swap3A_659], %swap3A_662 {strides = array<i32>} : memref<8x200x68xf32, #tpu.memory_space<vmem>>, vector<1x200x68xf32>,
    %swap3A_663 = arith.constant 5 : index
    %swap3A_664 = arith.constant 0 : index
    %swap3A_665 = arith.constant 0 : index
    %swap3A_666 = vector.load %arg15[%swap3A_663, %swap3A_664, %swap3A_665] : memref<8x200x68xf32, #tpu.memory_space<vmem>>, vector<1x200x68xf32>
    %swap3A_667 = vector.shape_cast %swap3A_666 : vector<1x200x68xf32> to vector<200x68xf32>
    %swap3A_668 = vector.shape_cast %dot_general3A_656 : vector<200x68xf32> to vector<1x200x68xf32>
    tpu.vector_store %arg15[%swap3A_663, %swap3A_664, %swap3A_665], %swap3A_668 {strides = array<i32>} : memref<8x200x68xf32, #tpu.memory_space<vmem>>, vector<1x200x68xf32>,
    %get3A_669 = arith.constant 5 : index
    %get3A_670 = arith.constant 0 : index
    %get3A_671 = vector.load %arg0[%get3A_669, %get3A_670] : memref<8x1024xf32, #tpu.memory_space<vmem>>, vector<1x1024xf32>
    %get3A_672 = arith.constant 5 : index
    %get3A_673 = arith.constant 0 : index
    %get3A_674 = vector.load %arg1[%get3A_672, %get3A_673] : memref<8x1024xf32, #tpu.memory_space<vmem>>, vector<1x1024xf32>
    %get3A_675 = arith.constant 5 : index
    %get3A_676 = arith.constant 0 : index
    %get3A_677 = vector.load %arg2[%get3A_675, %get3A_676] : memref<8x1024xf32, #tpu.memory_space<vmem>>, vector<1x1024xf32>
    %get3A_678 = arith.constant 5 : index
    %get3A_679 = arith.constant 0 : index
    %get3A_680 = vector.load %arg3[%get3A_678, %get3A_679] : memref<8x1024xf32, #tpu.memory_space<vmem>>, vector<1x1024xf32>
    %get3A_681 = arith.constant 5 : index
    %get3A_682 = arith.constant 0 : index
    %get3A_683 = vector.load %arg5[%get3A_681, %get3A_682] : memref<8x1024xf32, #tpu.memory_space<vmem>>, vector<1x1024xf32>
    %get3A_684 = arith.constant 5 : index
    %get3A_685 = arith.constant 0 : index
    %get3A_686 = vector.load %arg6[%get3A_684, %get3A_685] : memref<8x1024xf32, #tpu.memory_space<vmem>>, vector<1x1024xf32>
    %get3A_687 = arith.constant 5 : index
    %get3A_688 = arith.constant 0 : index
    %get3A_689 = vector.load %arg7[%get3A_687, %get3A_688] : memref<8x1024xf32, #tpu.memory_space<vmem>>, vector<1x1024xf32>
    %get3A_690 = arith.constant 5 : index
    %get3A_691 = arith.constant 0 : index
    %get3A_692 = vector.load %arg8[%get3A_690, %get3A_691] : memref<8x1024xf32, #tpu.memory_space<vmem>>, vector<1x1024xf32>
    %get3A_693 = arith.constant 5 : index
    %get3A_694 = arith.constant 0 : index
    %get3A_695 = vector.load %arg9[%get3A_693, %get3A_694] : memref<8x1024xf32, #tpu.memory_space<vmem>>, vector<1x1024xf32>
    %get3A_696 = arith.constant 5 : index
    %get3A_697 = arith.constant 0 : index
    %get3A_698 = vector.load %arg10[%get3A_696, %get3A_697] : memref<8x1024xf32, #tpu.memory_space<vmem>>, vector<1x1024xf32>
    %broadcast_in_dim3A_699 = arith.constant 0.000000e+00 : f32
    %broadcast_in_dim3A_700 = vector.broadcast %broadcast_in_dim3A_699 : f32 to vector<6x1024xf32>
    %concatenate3A_701 = tpu.concatenate %get3A_671, %get3A_674, %get3A_677, %get3A_680, %get3A_683, %get3A_686, %get3A_689, %get3A_692, %get3A_695, %get3A_698, %broadcast_in_dim3A_700 in 0 : vector<1x1024xf32>, vector<1x1024xf32>, vector<1x1024xf32>, vector<1x1024xf32>, vector<1x1024xf32>, vector<1x1024xf32>, vector<1x1024xf32>, vector<1x1024xf32>, vector<1x1024xf32>, vector<1x1024xf32>, vector<6x1024xf32> -> vector<16x1024xf32>
    %dot_general3A_702 = arith.constant dense<0.000000e+00> : vector<200x16xf32>
    %dot_general3A_703 = tpu.matmul %get3A_642, %concatenate3A_701, %dot_general3A_702 {dimension_numbers = #tpu.dot_dimension_numbers<[1], [1], [0], [0], [0, 0, 1, 0], [], []>, precision = #tpu.contract_precision<fp32>, transpose_lhs_hint = false} : vector<200x1024xf32>, vector<16x1024xf32>, vector<200x16xf32> -> vector<200x16xf32>
    %swap3A_704 = arith.constant 5 : index
    %swap3A_705 = arith.constant 0 : index
    %swap3A_706 = arith.constant 0 : index
    %swap3A_707 = vector.load %arg13[%swap3A_704, %swap3A_705, %swap3A_706] : memref<8x200x16xf32, #tpu.memory_space<vmem>>, vector<1x200x16xf32>
    %swap3A_708 = vector.shape_cast %swap3A_707 : vector<1x200x16xf32> to vector<200x16xf32>
    %swap3A_709 = vector.shape_cast %dot_general3A_703 : vector<200x16xf32> to vector<1x200x16xf32>
    tpu.vector_store %arg13[%swap3A_704, %swap3A_705, %swap3A_706], %swap3A_709 {strides = array<i32>} : memref<8x200x16xf32, #tpu.memory_space<vmem>>, vector<1x200x16xf32>,
    %slice3A_710 = vector.extract_strided_slice %dot_general3A_703 {offsets = [0, 5], sizes = [200, 1], strides = [1, 1]} : vector<200x16xf32> to vector<200x1xf32>
    %neg3A_711 = arith.constant 0.000000e+00 : f32
    %neg3A_712 = vector.broadcast %neg3A_711 : f32 to vector<200x1xf32>
    %neg3A_713 = arith.subf %neg3A_712, %slice3A_710 : vector<200x1xf32>
    %jit3A_714 = arith.constant -9.990000e-01 : f32
    %jit3A_715 = arith.constant 9.990000e-01 : f32
    %max3A_716 = vector.broadcast %jit3A_714 : f32 to vector<200x1xf32>
    %max3A_717 = arith.maximumf %max3A_716, %neg3A_713 : vector<200x1xf32>
    %min3A_718 = vector.broadcast %jit3A_715 : f32 to vector<200x1xf32>
    %min3A_719 = arith.minimumf %min3A_718, %max3A_717 : vector<200x1xf32>
    %mul3A_720 = arith.mulf %min3A_719, %min3A_719 : vector<200x1xf32>
    %sub3A_721 = arith.constant 1.000000e+00 : f32
    %sub3A_722 = vector.broadcast %sub3A_721 : f32 to vector<200x1xf32>
    %sub3A_723 = arith.subf %sub3A_722, %mul3A_720 : vector<200x1xf32>
    %sqrt3A_724 = math.sqrt %sub3A_723 : vector<200x1xf32>
    %atan23A_725 = math.atan2 %min3A_719, %sqrt3A_724 : vector<200x1xf32>
    %mul3A_726 = arith.constant 57.2957802 : f32
    %mul3A_727 = vector.broadcast %mul3A_726 : f32 to vector<200x1xf32>
    %mul3A_728 = arith.mulf %atan23A_725, %mul3A_727 : vector<200x1xf32>
    %cos3A_729 = math.cos %mul3A_728 : vector<200x1xf32>
    %abs3A_730 = math.absf %cos3A_729 : vector<200x1xf32>
    %lt3A_731 = arith.constant 9.99999997E-7 : f32
    %lt3A_732 = vector.broadcast %lt3A_731 : f32 to vector<200x1xf32>
    %lt3A_733 = arith.cmpf olt, %abs3A_730, %lt3A_732 : vector<200x1xf32>
    %jit3A_734 = arith.constant 9.99999997E-7 : f32
    %broadcast_in_dim3A_735 = vector.broadcast %jit3A_734 : f32 to vector<200x1xf32>
    %select_n3A_736 = arith.select %lt3A_733, %broadcast_in_dim3A_735, %cos3A_729 : vector<200x1xi1>, vector<200x1xf32>
    %slice3A_737 = vector.extract_strided_slice %dot_general3A_703 {offsets = [0, 6], sizes = [200, 1], strides = [1, 1]} : vector<200x16xf32> to vector<200x1xf32>
    %div3A_738 = arith.divf %slice3A_737, %select_n3A_736 : vector<200x1xf32>
    %slice3A_739 = vector.extract_strided_slice %dot_general3A_703 {offsets = [0, 7], sizes = [200, 1], strides = [1, 1]} : vector<200x16xf32> to vector<200x1xf32>
    %div3A_740 = arith.divf %slice3A_739, %select_n3A_736 : vector<200x1xf32>
    %atan23A_741 = math.atan2 %div3A_738, %div3A_740 : vector<200x1xf32>
    %mul3A_742 = arith.constant 57.2957802 : f32
    %mul3A_743 = vector.broadcast %mul3A_742 : f32 to vector<200x1xf32>
    %mul3A_744 = arith.mulf %atan23A_741, %mul3A_743 : vector<200x1xf32>
    %slice3A_745 = vector.extract_strided_slice %dot_general3A_703 {offsets = [0, 8], sizes = [200, 1], strides = [1, 1]} : vector<200x16xf32> to vector<200x1xf32>
    %div3A_746 = arith.divf %slice3A_745, %select_n3A_736 : vector<200x1xf32>
    %slice3A_747 = vector.extract_strided_slice %dot_general3A_703 {offsets = [0, 9], sizes = [200, 1], strides = [1, 1]} : vector<200x16xf32> to vector<200x1xf32>
    %div3A_748 = arith.divf %slice3A_747, %select_n3A_736 : vector<200x1xf32>
    %atan23A_749 = math.atan2 %div3A_746, %div3A_748 : vector<200x1xf32>
    %mul3A_750 = arith.constant 57.2957802 : f32
    %mul3A_751 = vector.broadcast %mul3A_750 : f32 to vector<200x1xf32>
    %mul3A_752 = arith.mulf %atan23A_749, %mul3A_751 : vector<200x1xf32>
    %broadcast_in_dim3A_753 = arith.constant 0.000000e+00 : f32
    %broadcast_in_dim3A_754 = vector.broadcast %broadcast_in_dim3A_753 : f32 to vector<200x13xf32>
    %concatenate3A_755 = tpu.concatenate %mul3A_744, %mul3A_728, %mul3A_752, %broadcast_in_dim3A_754 in 1 : vector<200x1xf32>, vector<200x1xf32>, vector<200x1xf32>, vector<200x13xf32> -> vector<200x16xf32>
    %swap3A_756 = arith.constant 5 : index
    %swap3A_757 = arith.constant 0 : index
    %swap3A_758 = arith.constant 0 : index
    %swap3A_759 = vector.load %arg16[%swap3A_756, %swap3A_757, %swap3A_758] : memref<8x200x16xf32, #tpu.memory_space<vmem>>, vector<1x200x16xf32>
    %swap3A_760 = vector.shape_cast %swap3A_759 : vector<1x200x16xf32> to vector<200x16xf32>
    %swap3A_761 = vector.shape_cast %concatenate3A_755 : vector<200x16xf32> to vector<1x200x16xf32>
    tpu.vector_store %arg16[%swap3A_756, %swap3A_757, %swap3A_758], %swap3A_761 {strides = array<i32>} : memref<8x200x16xf32, #tpu.memory_space<vmem>>, vector<1x200x16xf32>,
    %get3A_762 = arith.constant 0 : index
    %get3A_763 = arith.constant 6 : index
    %get3A_764 = arith.constant 0 : index
    %get3A_765 = vector.load %arg17[%get3A_762, %get3A_763, %get3A_764] : memref<200x8x1024xf32, #tpu.memory_space<vmem>>, vector<200x1x1024xf32>
    %get3A_766 = vector.shape_cast %get3A_765 : vector<200x1x1024xf32> to vector<200x1024xf32>
    %get3A_767 = arith.constant 6 : index
    %get3A_768 = arith.constant 0 : index
    %get3A_769 = arith.constant 0 : index
    %get3A_770 = vector.load %arg11[%get3A_767, %get3A_768, %get3A_769] : memref<8x68x1024xf32, #tpu.memory_space<vmem>>, vector<1x68x1024xf32>
    %get3A_771 = vector.shape_cast %get3A_770 : vector<1x68x1024xf32> to vector<68x1024xf32>
    %dot_general3A_772 = arith.constant dense<0.000000e+00> : vector<200x68xf32>
    %dot_general3A_773 = tpu.matmul %get3A_766, %get3A_771, %dot_general3A_772 {dimension_numbers = #tpu.dot_dimension_numbers<[1], [1], [0], [0], [0, 0, 1, 0], [], []>, precision = #tpu.contract_precision<fp32>, transpose_lhs_hint = false} : vector<200x1024xf32>, vector<68x1024xf32>, vector<200x68xf32> -> vector<200x68xf32>
    %get3A_774 = arith.constant 6 : index
    %get3A_775 = arith.constant 0 : index
    %get3A_776 = arith.constant 0 : index
    %get3A_777 = vector.load %arg12[%get3A_774, %get3A_775, %get3A_776] : memref<8x68x1024xf32, #tpu.memory_space<vmem>>, vector<1x68x1024xf32>
    %get3A_778 = vector.shape_cast %get3A_777 : vector<1x68x1024xf32> to vector<68x1024xf32>
    %dot_general3A_779 = arith.constant dense<0.000000e+00> : vector<200x68xf32>
    %dot_general3A_780 = tpu.matmul %get3A_766, %get3A_778, %dot_general3A_779 {dimension_numbers = #tpu.dot_dimension_numbers<[1], [1], [0], [0], [0, 0, 1, 0], [], []>, precision = #tpu.contract_precision<fp32>, transpose_lhs_hint = false} : vector<200x1024xf32>, vector<68x1024xf32>, vector<200x68xf32> -> vector<200x68xf32>
    %swap3A_781 = arith.constant 6 : index
    %swap3A_782 = arith.constant 0 : index
    %swap3A_783 = arith.constant 0 : index
    %swap3A_784 = vector.load %arg14[%swap3A_781, %swap3A_782, %swap3A_783] : memref<8x200x68xf32, #tpu.memory_space<vmem>>, vector<1x200x68xf32>
    %swap3A_785 = vector.shape_cast %swap3A_784 : vector<1x200x68xf32> to vector<200x68xf32>
    %swap3A_786 = vector.shape_cast %dot_general3A_773 : vector<200x68xf32> to vector<1x200x68xf32>
    tpu.vector_store %arg14[%swap3A_781, %swap3A_782, %swap3A_783], %swap3A_786 {strides = array<i32>} : memref<8x200x68xf32, #tpu.memory_space<vmem>>, vector<1x200x68xf32>,
    %swap3A_787 = arith.constant 6 : index
    %swap3A_788 = arith.constant 0 : index
    %swap3A_789 = arith.constant 0 : index
    %swap3A_790 = vector.load %arg15[%swap3A_787, %swap3A_788, %swap3A_789] : memref<8x200x68xf32, #tpu.memory_space<vmem>>, vector<1x200x68xf32>
    %swap3A_791 = vector.shape_cast %swap3A_790 : vector<1x200x68xf32> to vector<200x68xf32>
    %swap3A_792 = vector.shape_cast %dot_general3A_780 : vector<200x68xf32> to vector<1x200x68xf32>
    tpu.vector_store %arg15[%swap3A_787, %swap3A_788, %swap3A_789], %swap3A_792 {strides = array<i32>} : memref<8x200x68xf32, #tpu.memory_space<vmem>>, vector<1x200x68xf32>,
    %get3A_793 = arith.constant 6 : index
    %get3A_794 = arith.constant 0 : index
    %get3A_795 = vector.load %arg0[%get3A_793, %get3A_794] : memref<8x1024xf32, #tpu.memory_space<vmem>>, vector<1x1024xf32>
    %get3A_796 = arith.constant 6 : index
    %get3A_797 = arith.constant 0 : index
    %get3A_798 = vector.load %arg1[%get3A_796, %get3A_797] : memref<8x1024xf32, #tpu.memory_space<vmem>>, vector<1x1024xf32>
    %get3A_799 = arith.constant 6 : index
    %get3A_800 = arith.constant 0 : index
    %get3A_801 = vector.load %arg2[%get3A_799, %get3A_800] : memref<8x1024xf32, #tpu.memory_space<vmem>>, vector<1x1024xf32>
    %get3A_802 = arith.constant 6 : index
    %get3A_803 = arith.constant 0 : index
    %get3A_804 = vector.load %arg3[%get3A_802, %get3A_803] : memref<8x1024xf32, #tpu.memory_space<vmem>>, vector<1x1024xf32>
    %get3A_805 = arith.constant 6 : index
    %get3A_806 = arith.constant 0 : index
    %get3A_807 = vector.load %arg5[%get3A_805, %get3A_806] : memref<8x1024xf32, #tpu.memory_space<vmem>>, vector<1x1024xf32>
    %get3A_808 = arith.constant 6 : index
    %get3A_809 = arith.constant 0 : index
    %get3A_810 = vector.load %arg6[%get3A_808, %get3A_809] : memref<8x1024xf32, #tpu.memory_space<vmem>>, vector<1x1024xf32>
    %get3A_811 = arith.constant 6 : index
    %get3A_812 = arith.constant 0 : index
    %get3A_813 = vector.load %arg7[%get3A_811, %get3A_812] : memref<8x1024xf32, #tpu.memory_space<vmem>>, vector<1x1024xf32>
    %get3A_814 = arith.constant 6 : index
    %get3A_815 = arith.constant 0 : index
    %get3A_816 = vector.load %arg8[%get3A_814, %get3A_815] : memref<8x1024xf32, #tpu.memory_space<vmem>>, vector<1x1024xf32>
    %get3A_817 = arith.constant 6 : index
    %get3A_818 = arith.constant 0 : index
    %get3A_819 = vector.load %arg9[%get3A_817, %get3A_818] : memref<8x1024xf32, #tpu.memory_space<vmem>>, vector<1x1024xf32>
    %get3A_820 = arith.constant 6 : index
    %get3A_821 = arith.constant 0 : index
    %get3A_822 = vector.load %arg10[%get3A_820, %get3A_821] : memref<8x1024xf32, #tpu.memory_space<vmem>>, vector<1x1024xf32>
    %broadcast_in_dim3A_823 = arith.constant 0.000000e+00 : f32
    %broadcast_in_dim3A_824 = vector.broadcast %broadcast_in_dim3A_823 : f32 to vector<6x1024xf32>
    %concatenate3A_825 = tpu.concatenate %get3A_795, %get3A_798, %get3A_801, %get3A_804, %get3A_807, %get3A_810, %get3A_813, %get3A_816, %get3A_819, %get3A_822, %broadcast_in_dim3A_824 in 0 : vector<1x1024xf32>, vector<1x1024xf32>, vector<1x1024xf32>, vector<1x1024xf32>, vector<1x1024xf32>, vector<1x1024xf32>, vector<1x1024xf32>, vector<1x1024xf32>, vector<1x1024xf32>, vector<1x1024xf32>, vector<6x1024xf32> -> vector<16x1024xf32>
    %dot_general3A_826 = arith.constant dense<0.000000e+00> : vector<200x16xf32>
    %dot_general3A_827 = tpu.matmul %get3A_766, %concatenate3A_825, %dot_general3A_826 {dimension_numbers = #tpu.dot_dimension_numbers<[1], [1], [0], [0], [0, 0, 1, 0], [], []>, precision = #tpu.contract_precision<fp32>, transpose_lhs_hint = false} : vector<200x1024xf32>, vector<16x1024xf32>, vector<200x16xf32> -> vector<200x16xf32>
    %swap3A_828 = arith.constant 6 : index
    %swap3A_829 = arith.constant 0 : index
    %swap3A_830 = arith.constant 0 : index
    %swap3A_831 = vector.load %arg13[%swap3A_828, %swap3A_829, %swap3A_830] : memref<8x200x16xf32, #tpu.memory_space<vmem>>, vector<1x200x16xf32>
    %swap3A_832 = vector.shape_cast %swap3A_831 : vector<1x200x16xf32> to vector<200x16xf32>
    %swap3A_833 = vector.shape_cast %dot_general3A_827 : vector<200x16xf32> to vector<1x200x16xf32>
    tpu.vector_store %arg13[%swap3A_828, %swap3A_829, %swap3A_830], %swap3A_833 {strides = array<i32>} : memref<8x200x16xf32, #tpu.memory_space<vmem>>, vector<1x200x16xf32>,
    %slice3A_834 = vector.extract_strided_slice %dot_general3A_827 {offsets = [0, 5], sizes = [200, 1], strides = [1, 1]} : vector<200x16xf32> to vector<200x1xf32>
    %neg3A_835 = arith.constant 0.000000e+00 : f32
    %neg3A_836 = vector.broadcast %neg3A_835 : f32 to vector<200x1xf32>
    %neg3A_837 = arith.subf %neg3A_836, %slice3A_834 : vector<200x1xf32>
    %jit3A_838 = arith.constant -9.990000e-01 : f32
    %jit3A_839 = arith.constant 9.990000e-01 : f32
    %max3A_840 = vector.broadcast %jit3A_838 : f32 to vector<200x1xf32>
    %max3A_841 = arith.maximumf %max3A_840, %neg3A_837 : vector<200x1xf32>
    %min3A_842 = vector.broadcast %jit3A_839 : f32 to vector<200x1xf32>
    %min3A_843 = arith.minimumf %min3A_842, %max3A_841 : vector<200x1xf32>
    %mul3A_844 = arith.mulf %min3A_843, %min3A_843 : vector<200x1xf32>
    %sub3A_845 = arith.constant 1.000000e+00 : f32
    %sub3A_846 = vector.broadcast %sub3A_845 : f32 to vector<200x1xf32>
    %sub3A_847 = arith.subf %sub3A_846, %mul3A_844 : vector<200x1xf32>
    %sqrt3A_848 = math.sqrt %sub3A_847 : vector<200x1xf32>
    %atan23A_849 = math.atan2 %min3A_843, %sqrt3A_848 : vector<200x1xf32>
    %mul3A_850 = arith.constant 57.2957802 : f32
    %mul3A_851 = vector.broadcast %mul3A_850 : f32 to vector<200x1xf32>
    %mul3A_852 = arith.mulf %atan23A_849, %mul3A_851 : vector<200x1xf32>
    %cos3A_853 = math.cos %mul3A_852 : vector<200x1xf32>
    %abs3A_854 = math.absf %cos3A_853 : vector<200x1xf32>
    %lt3A_855 = arith.constant 9.99999997E-7 : f32
    %lt3A_856 = vector.broadcast %lt3A_855 : f32 to vector<200x1xf32>
    %lt3A_857 = arith.cmpf olt, %abs3A_854, %lt3A_856 : vector<200x1xf32>
    %jit3A_858 = arith.constant 9.99999997E-7 : f32
    %broadcast_in_dim3A_859 = vector.broadcast %jit3A_858 : f32 to vector<200x1xf32>
    %select_n3A_860 = arith.select %lt3A_857, %broadcast_in_dim3A_859, %cos3A_853 : vector<200x1xi1>, vector<200x1xf32>
    %slice3A_861 = vector.extract_strided_slice %dot_general3A_827 {offsets = [0, 6], sizes = [200, 1], strides = [1, 1]} : vector<200x16xf32> to vector<200x1xf32>
    %div3A_862 = arith.divf %slice3A_861, %select_n3A_860 : vector<200x1xf32>
    %slice3A_863 = vector.extract_strided_slice %dot_general3A_827 {offsets = [0, 7], sizes = [200, 1], strides = [1, 1]} : vector<200x16xf32> to vector<200x1xf32>
    %div3A_864 = arith.divf %slice3A_863, %select_n3A_860 : vector<200x1xf32>
    %atan23A_865 = math.atan2 %div3A_862, %div3A_864 : vector<200x1xf32>
    %mul3A_866 = arith.constant 57.2957802 : f32
    %mul3A_867 = vector.broadcast %mul3A_866 : f32 to vector<200x1xf32>
    %mul3A_868 = arith.mulf %atan23A_865, %mul3A_867 : vector<200x1xf32>
    %slice3A_869 = vector.extract_strided_slice %dot_general3A_827 {offsets = [0, 8], sizes = [200, 1], strides = [1, 1]} : vector<200x16xf32> to vector<200x1xf32>
    %div3A_870 = arith.divf %slice3A_869, %select_n3A_860 : vector<200x1xf32>
    %slice3A_871 = vector.extract_strided_slice %dot_general3A_827 {offsets = [0, 9], sizes = [200, 1], strides = [1, 1]} : vector<200x16xf32> to vector<200x1xf32>
    %div3A_872 = arith.divf %slice3A_871, %select_n3A_860 : vector<200x1xf32>
    %atan23A_873 = math.atan2 %div3A_870, %div3A_872 : vector<200x1xf32>
    %mul3A_874 = arith.constant 57.2957802 : f32
    %mul3A_875 = vector.broadcast %mul3A_874 : f32 to vector<200x1xf32>
    %mul3A_876 = arith.mulf %atan23A_873, %mul3A_875 : vector<200x1xf32>
    %broadcast_in_dim3A_877 = arith.constant 0.000000e+00 : f32
    %broadcast_in_dim3A_878 = vector.broadcast %broadcast_in_dim3A_877 : f32 to vector<200x13xf32>
    %concatenate3A_879 = tpu.concatenate %mul3A_868, %mul3A_852, %mul3A_876, %broadcast_in_dim3A_878 in 1 : vector<200x1xf32>, vector<200x1xf32>, vector<200x1xf32>, vector<200x13xf32> -> vector<200x16xf32>
    %swap3A_880 = arith.constant 6 : index
    %swap3A_881 = arith.constant 0 : index
    %swap3A_882 = arith.constant 0 : index
    %swap3A_883 = vector.load %arg16[%swap3A_880, %swap3A_881, %swap3A_882] : memref<8x200x16xf32, #tpu.memory_space<vmem>>, vector<1x200x16xf32>
    %swap3A_884 = vector.shape_cast %swap3A_883 : vector<1x200x16xf32> to vector<200x16xf32>
    %swap3A_885 = vector.shape_cast %concatenate3A_879 : vector<200x16xf32> to vector<1x200x16xf32>
    tpu.vector_store %arg16[%swap3A_880, %swap3A_881, %swap3A_882], %swap3A_885 {strides = array<i32>} : memref<8x200x16xf32, #tpu.memory_space<vmem>>, vector<1x200x16xf32>,
    %get3A_886 = arith.constant 0 : index
    %get3A_887 = arith.constant 7 : index
    %get3A_888 = arith.constant 0 : index
    %get3A_889 = vector.load %arg17[%get3A_886, %get3A_887, %get3A_888] : memref<200x8x1024xf32, #tpu.memory_space<vmem>>, vector<200x1x1024xf32>
    %get3A_890 = vector.shape_cast %get3A_889 : vector<200x1x1024xf32> to vector<200x1024xf32>
    %get3A_891 = arith.constant 7 : index
    %get3A_892 = arith.constant 0 : index
    %get3A_893 = arith.constant 0 : index
    %get3A_894 = vector.load %arg11[%get3A_891, %get3A_892, %get3A_893] : memref<8x68x1024xf32, #tpu.memory_space<vmem>>, vector<1x68x1024xf32>
    %get3A_895 = vector.shape_cast %get3A_894 : vector<1x68x1024xf32> to vector<68x1024xf32>
    %dot_general3A_896 = arith.constant dense<0.000000e+00> : vector<200x68xf32>
    %dot_general3A_897 = tpu.matmul %get3A_890, %get3A_895, %dot_general3A_896 {dimension_numbers = #tpu.dot_dimension_numbers<[1], [1], [0], [0], [0, 0, 1, 0], [], []>, precision = #tpu.contract_precision<fp32>, transpose_lhs_hint = false} : vector<200x1024xf32>, vector<68x1024xf32>, vector<200x68xf32> -> vector<200x68xf32>
    %get3A_898 = arith.constant 7 : index
    %get3A_899 = arith.constant 0 : index
    %get3A_900 = arith.constant 0 : index
    %get3A_901 = vector.load %arg12[%get3A_898, %get3A_899, %get3A_900] : memref<8x68x1024xf32, #tpu.memory_space<vmem>>, vector<1x68x1024xf32>
    %get3A_902 = vector.shape_cast %get3A_901 : vector<1x68x1024xf32> to vector<68x1024xf32>
    %dot_general3A_903 = arith.constant dense<0.000000e+00> : vector<200x68xf32>
    %dot_general3A_904 = tpu.matmul %get3A_890, %get3A_902, %dot_general3A_903 {dimension_numbers = #tpu.dot_dimension_numbers<[1], [1], [0], [0], [0, 0, 1, 0], [], []>, precision = #tpu.contract_precision<fp32>, transpose_lhs_hint = false} : vector<200x1024xf32>, vector<68x1024xf32>, vector<200x68xf32> -> vector<200x68xf32>
    %swap3A_905 = arith.constant 7 : index
    %swap3A_906 = arith.constant 0 : index
    %swap3A_907 = arith.constant 0 : index
    %swap3A_908 = vector.load %arg14[%swap3A_905, %swap3A_906, %swap3A_907] : memref<8x200x68xf32, #tpu.memory_space<vmem>>, vector<1x200x68xf32>
    %swap3A_909 = vector.shape_cast %swap3A_908 : vector<1x200x68xf32> to vector<200x68xf32>
    %swap3A_910 = vector.shape_cast %dot_general3A_897 : vector<200x68xf32> to vector<1x200x68xf32>
    tpu.vector_store %arg14[%swap3A_905, %swap3A_906, %swap3A_907], %swap3A_910 {strides = array<i32>} : memref<8x200x68xf32, #tpu.memory_space<vmem>>, vector<1x200x68xf32>,
    %swap3A_911 = arith.constant 7 : index
    %swap3A_912 = arith.constant 0 : index
    %swap3A_913 = arith.constant 0 : index
    %swap3A_914 = vector.load %arg15[%swap3A_911, %swap3A_912, %swap3A_913] : memref<8x200x68xf32, #tpu.memory_space<vmem>>, vector<1x200x68xf32>
    %swap3A_915 = vector.shape_cast %swap3A_914 : vector<1x200x68xf32> to vector<200x68xf32>
    %swap3A_916 = vector.shape_cast %dot_general3A_904 : vector<200x68xf32> to vector<1x200x68xf32>
    tpu.vector_store %arg15[%swap3A_911, %swap3A_912, %swap3A_913], %swap3A_916 {strides = array<i32>} : memref<8x200x68xf32, #tpu.memory_space<vmem>>, vector<1x200x68xf32>,
    %get3A_917 = arith.constant 7 : index
    %get3A_918 = arith.constant 0 : index
    %get3A_919 = vector.load %arg0[%get3A_917, %get3A_918] : memref<8x1024xf32, #tpu.memory_space<vmem>>, vector<1x1024xf32>
    %get3A_920 = arith.constant 7 : index
    %get3A_921 = arith.constant 0 : index
    %get3A_922 = vector.load %arg1[%get3A_920, %get3A_921] : memref<8x1024xf32, #tpu.memory_space<vmem>>, vector<1x1024xf32>
    %get3A_923 = arith.constant 7 : index
    %get3A_924 = arith.constant 0 : index
    %get3A_925 = vector.load %arg2[%get3A_923, %get3A_924] : memref<8x1024xf32, #tpu.memory_space<vmem>>, vector<1x1024xf32>
    %get3A_926 = arith.constant 7 : index
    %get3A_927 = arith.constant 0 : index
    %get3A_928 = vector.load %arg3[%get3A_926, %get3A_927] : memref<8x1024xf32, #tpu.memory_space<vmem>>, vector<1x1024xf32>
    %get3A_929 = arith.constant 7 : index
    %get3A_930 = arith.constant 0 : index
    %get3A_931 = vector.load %arg5[%get3A_929, %get3A_930] : memref<8x1024xf32, #tpu.memory_space<vmem>>, vector<1x1024xf32>
    %get3A_932 = arith.constant 7 : index
    %get3A_933 = arith.constant 0 : index
    %get3A_934 = vector.load %arg6[%get3A_932, %get3A_933] : memref<8x1024xf32, #tpu.memory_space<vmem>>, vector<1x1024xf32>
    %get3A_935 = arith.constant 7 : index
    %get3A_936 = arith.constant 0 : index
    %get3A_937 = vector.load %arg7[%get3A_935, %get3A_936] : memref<8x1024xf32, #tpu.memory_space<vmem>>, vector<1x1024xf32>
    %get3A_938 = arith.constant 7 : index
    %get3A_939 = arith.constant 0 : index
    %get3A_940 = vector.load %arg8[%get3A_938, %get3A_939] : memref<8x1024xf32, #tpu.memory_space<vmem>>, vector<1x1024xf32>
    %get3A_941 = arith.constant 7 : index
    %get3A_942 = arith.constant 0 : index
    %get3A_943 = vector.load %arg9[%get3A_941, %get3A_942] : memref<8x1024xf32, #tpu.memory_space<vmem>>, vector<1x1024xf32>
    %get3A_944 = arith.constant 7 : index
    %get3A_945 = arith.constant 0 : index
    %get3A_946 = vector.load %arg10[%get3A_944, %get3A_945] : memref<8x1024xf32, #tpu.memory_space<vmem>>, vector<1x1024xf32>
    %broadcast_in_dim3A_947 = arith.constant 0.000000e+00 : f32
    %broadcast_in_dim3A_948 = vector.broadcast %broadcast_in_dim3A_947 : f32 to vector<6x1024xf32>
    %concatenate3A_949 = tpu.concatenate %get3A_919, %get3A_922, %get3A_925, %get3A_928, %get3A_931, %get3A_934, %get3A_937, %get3A_940, %get3A_943, %get3A_946, %broadcast_in_dim3A_948 in 0 : vector<1x1024xf32>, vector<1x1024xf32>, vector<1x1024xf32>, vector<1x1024xf32>, vector<1x1024xf32>, vector<1x1024xf32>, vector<1x1024xf32>, vector<1x1024xf32>, vector<1x1024xf32>, vector<1x1024xf32>, vector<6x1024xf32> -> vector<16x1024xf32>
    %dot_general3A_950 = arith.constant dense<0.000000e+00> : vector<200x16xf32>
    %dot_general3A_951 = tpu.matmul %get3A_890, %concatenate3A_949, %dot_general3A_950 {dimension_numbers = #tpu.dot_dimension_numbers<[1], [1], [0], [0], [0, 0, 1, 0], [], []>, precision = #tpu.contract_precision<fp32>, transpose_lhs_hint = false} : vector<200x1024xf32>, vector<16x1024xf32>, vector<200x16xf32> -> vector<200x16xf32>
    %swap3A_952 = arith.constant 7 : index
    %swap3A_953 = arith.constant 0 : index
    %swap3A_954 = arith.constant 0 : index
    %swap3A_955 = vector.load %arg13[%swap3A_952, %swap3A_953, %swap3A_954] : memref<8x200x16xf32, #tpu.memory_space<vmem>>, vector<1x200x16xf32>
    %swap3A_956 = vector.shape_cast %swap3A_955 : vector<1x200x16xf32> to vector<200x16xf32>
    %swap3A_957 = vector.shape_cast %dot_general3A_951 : vector<200x16xf32> to vector<1x200x16xf32>
    tpu.vector_store %arg13[%swap3A_952, %swap3A_953, %swap3A_954], %swap3A_957 {strides = array<i32>} : memref<8x200x16xf32, #tpu.memory_space<vmem>>, vector<1x200x16xf32>,
    %slice3A_958 = vector.extract_strided_slice %dot_general3A_951 {offsets = [0, 5], sizes = [200, 1], strides = [1, 1]} : vector<200x16xf32> to vector<200x1xf32>
    %neg3A_959 = arith.constant 0.000000e+00 : f32
    %neg3A_960 = vector.broadcast %neg3A_959 : f32 to vector<200x1xf32>
    %neg3A_961 = arith.subf %neg3A_960, %slice3A_958 : vector<200x1xf32>
    %jit3A_962 = arith.constant -9.990000e-01 : f32
    %jit3A_963 = arith.constant 9.990000e-01 : f32
    %max3A_964 = vector.broadcast %jit3A_962 : f32 to vector<200x1xf32>
    %max3A_965 = arith.maximumf %max3A_964, %neg3A_961 : vector<200x1xf32>
    %min3A_966 = vector.broadcast %jit3A_963 : f32 to vector<200x1xf32>
    %min3A_967 = arith.minimumf %min3A_966, %max3A_965 : vector<200x1xf32>
    %mul3A_968 = arith.mulf %min3A_967, %min3A_967 : vector<200x1xf32>
    %sub3A_969 = arith.constant 1.000000e+00 : f32
    %sub3A_970 = vector.broadcast %sub3A_969 : f32 to vector<200x1xf32>
    %sub3A_971 = arith.subf %sub3A_970, %mul3A_968 : vector<200x1xf32>
    %sqrt3A_972 = math.sqrt %sub3A_971 : vector<200x1xf32>
    %atan23A_973 = math.atan2 %min3A_967, %sqrt3A_972 : vector<200x1xf32>
    %mul3A_974 = arith.constant 57.2957802 : f32
    %mul3A_975 = vector.broadcast %mul3A_974 : f32 to vector<200x1xf32>
    %mul3A_976 = arith.mulf %atan23A_973, %mul3A_975 : vector<200x1xf32>
    %cos3A_977 = math.cos %mul3A_976 : vector<200x1xf32>
    %abs3A_978 = math.absf %cos3A_977 : vector<200x1xf32>
    %lt3A_979 = arith.constant 9.99999997E-7 : f32
    %lt3A_980 = vector.broadcast %lt3A_979 : f32 to vector<200x1xf32>
    %lt3A_981 = arith.cmpf olt, %abs3A_978, %lt3A_980 : vector<200x1xf32>
    %jit3A_982 = arith.constant 9.99999997E-7 : f32
    %broadcast_in_dim3A_983 = vector.broadcast %jit3A_982 : f32 to vector<200x1xf32>
    %select_n3A_984 = arith.select %lt3A_981, %broadcast_in_dim3A_983, %cos3A_977 : vector<200x1xi1>, vector<200x1xf32>
    %slice3A_985 = vector.extract_strided_slice %dot_general3A_951 {offsets = [0, 6], sizes = [200, 1], strides = [1, 1]} : vector<200x16xf32> to vector<200x1xf32>
    %div3A_986 = arith.divf %slice3A_985, %select_n3A_984 : vector<200x1xf32>
    %slice3A_987 = vector.extract_strided_slice %dot_general3A_951 {offsets = [0, 7], sizes = [200, 1], strides = [1, 1]} : vector<200x16xf32> to vector<200x1xf32>
    %div3A_988 = arith.divf %slice3A_987, %select_n3A_984 : vector<200x1xf32>
    %atan23A_989 = math.atan2 %div3A_986, %div3A_988 : vector<200x1xf32>
    %mul3A_990 = arith.constant 57.2957802 : f32
    %mul3A_991 = vector.broadcast %mul3A_990 : f32 to vector<200x1xf32>
    %mul3A_992 = arith.mulf %atan23A_989, %mul3A_991 : vector<200x1xf32>
    %slice3A_993 = vector.extract_strided_slice %dot_general3A_951 {offsets = [0, 8], sizes = [200, 1], strides = [1, 1]} : vector<200x16xf32> to vector<200x1xf32>
    %div3A_994 = arith.divf %slice3A_993, %select_n3A_984 : vector<200x1xf32>
    %slice3A_995 = vector.extract_strided_slice %dot_general3A_951 {offsets = [0, 9], sizes = [200, 1], strides = [1, 1]} : vector<200x16xf32> to vector<200x1xf32>
    %div3A_996 = arith.divf %slice3A_995, %select_n3A_984 : vector<200x1xf32>
    %atan23A_997 = math.atan2 %div3A_994, %div3A_996 : vector<200x1xf32>
    %mul3A_998 = arith.constant 57.2957802 : f32
    %mul3A_999 = vector.broadcast %mul3A_998 : f32 to vector<200x1xf32>
    %mul3A_1000 = arith.mulf %atan23A_997, %mul3A_999 : vector<200x1xf32>
    %broadcast_in_dim3A_1001 = arith.constant 0.000000e+00 : f32
    %broadcast_in_dim3A_1002 = vector.broadcast %broadcast_in_dim3A_1001 : f32 to vector<200x13xf32>
    %concatenate3A_1003 = tpu.concatenate %mul3A_992, %mul3A_976, %mul3A_1000, %broadcast_in_dim3A_1002 in 1 : vector<200x1xf32>, vector<200x1xf32>, vector<200x1xf32>, vector<200x13xf32> -> vector<200x16xf32>
    %swap3A_1004 = arith.constant 7 : index
    %swap3A_1005 = arith.constant 0 : index
    %swap3A_1006 = arith.constant 0 : index
    %swap3A_1007 = vector.load %arg16[%swap3A_1004, %swap3A_1005, %swap3A_1006] : memref<8x200x16xf32, #tpu.memory_space<vmem>>, vector<1x200x16xf32>
    %swap3A_1008 = vector.shape_cast %swap3A_1007 : vector<1x200x16xf32> to vector<200x16xf32>
    %swap3A_1009 = vector.shape_cast %concatenate3A_1003 : vector<200x16xf32> to vector<1x200x16xf32>
    tpu.vector_store %arg16[%swap3A_1004, %swap3A_1005, %swap3A_1006], %swap3A_1009 {strides = array<i32>} : memref<8x200x16xf32, #tpu.memory_space<vmem>>, vector<1x200x16xf32>,
    return
  }
}

</mosaic_0001>

<sc_bundles>
// kernel: kernel.7.cloned.1.call-start
scs
__scs_entry_jumppad:
0x0: {  	(pc) =	sbr.rel $0x88, $3  }
0x1: {  	(tag) =	ssettag $0x0;
	lr =	simm.s32 $0x1  }
0x2: {  	[smem:$0x3F9A] =	sst lr;
	_ =	strace $0xD0000000  }
0x3: {  	_ = 	snop  }
0x4: {  	_ = 	snop  }
0x5: {  	_ = 	snop  }
0x6: {  	_ = 	snop  }
0x7: {  	_ = 	snop  }
__scs_overlays_trampoline_lowered:
0x8: {  	[smem:$0x3FA9] =	sst s0  }
0x9: {  	[smem:$0x3FAA] =	sst s1  }
0xa: {  	[smem:$0x3FAB] =	sst s2  }
0xb: {  	[smem:$0x3FAC] =	sst s3  }
0xc: {  	[smem:$0x3FAD] =	sst s4  }
0xd: {  	[smem:$0x3FAE] =	sst s5  }
0xe: {  	[smem:$0x3FAF] =	sst s6  }
0xf: {  	[smem:$0x3FB0] =	sst s7  }
0x10: {  	[smem:$0x3FB1] =	sst s8  }
0x11: {  	[smem:$0x3FB2] =	sst s9;
	s0 =	simm.s32 @!p0 $0x0  }
0x12: {  	s1 =	sld [smem:$0x3F98];
	s0 =	simm.s32 @p0 $0x1  }
0x13: {  	[smem:$0x3FB3] =	sst s0;
	s0 =	simm.s32 @!p1 $0x0  }
0x14: {  	s2 =	sld [smem:$0x3F97];
	s0 =	simm.s32 @p1 $0x1  }
0x15: {  	[smem:$0x3FB4] =	sst s0;
	s0 =	simm.s32 @!p2 $0x0  }
0x16: {  	s3 =	sld [smem:$0x3FDB];
	s0 =	simm.s32 @p2 $0x1  }
0x17: {  	s4 =	simm.s32 $0x1BF5;
	[smem:$0x3FB6] =	sst s0  }
0x18: {  	s0 =	sld [smem:$0x3F99];
	_ =	swait.ge [sflag:s4], $0x0  }
0x19: {  	s7 =	sld [smem:$0x3F9A]  }
0x1a: {  	s8 =	sadd.s32 $0xFFFFE003, lr  }
0x1b: {  	s9 =	sadd.s32 $0xFFFFFEF7, lr;
	s5 =	simm.s32 $0xFFFFFFFF;
	p2 =	slt.u32 s8, $0xFFFFF086  }
0x1c: {  	p1 =	slt.u32 s9, $0xF7A;
	s5 =	simm.s32 @!p2 $0x0  }
0x1d: {  	s5 =	simm.s32 @p1 $0x1;
	p0 =	seq.s32 s7, s2  }
0x1e: {  	s7 =	smul.u32 @!p0 $0xF7A, s2;
	p2 =	seq.s32 @!p0 s5, $0x0  }
0x1f: {  	s9 =	smul.u32 $0xF7A, s1;
	s8 =	simm.s32 @!p0 $0x1BF5;
	p2 =	por !p2, p0  }
0x20: {  	[sflag:s8] =	ssyncset.s32 @!p0 $0xFFFFF086;
	s6 =	sadd.s32 @!p0 s3, s7;
	s7 =	simm.s32 @!p0 $0x108  }
0x21: {  	s3 =	sadd.s32 s3, s9;
	s6 =	sadd.s32 @!p0 $0x88, s6;
	s7 =	simm.s32 @p2 $0x1082  }
0x22: {  	[simem:s7], [sflag:s8] =	dma.local @!p0 [hbm:s6], $0xF7A  }
0x23: {  	s9 =	sor.u32 $0xD0000000, s2;
	s6 =	simm.s32 $0x108;
	_ =	swait.ge @!p0 [sflag:s8], $0x0  }
0x24: {  	s3 =	sadd.s32 $0x88, s3;
	s6 =	simm.s32 @!p1 $0x1082;
	[sflag:s4] =	ssyncset.s32 $0xFFFFF086  }
0x25: {  	[simem:s6], [sflag:s4] =	dma.local [hbm:s3], $0xF7A  }
0x26: {  	[smem:$0x3F9A] =	sst s1;
	(tag) =	ssettag s2;
	_ =	strace s9  }
0x27: {  	s1 =	sld [smem:$0x3FAA]  }
0x28: {  	s2 =	sld [smem:$0x3FAB]  }
0x29: {  	s4 =	sld [smem:$0x3FAD]  }
0x2a: {  	p0 =	seq.s32 s5, $0x0;
	s5 =	sld [smem:$0x3FAE]  }
0x2b: {  	s6 =	sld [smem:$0x3FAF]  }
0x2c: {  	s7 =	sld [smem:$0x3FB0]  }
0x2d: {  	s3 =	simm.s32 $0x108;
	s8 =	sld [smem:$0x3FB1]  }
0x2e: {  	s3 =	simm.s32 @!p0 $0x1082;
	s9 =	sld [smem:$0x3FB2]  }
0x2f: {  	lr =	sadd.s32 s0, s3;
	s0 =	sld [smem:$0x3FA9]  }
0x30: {  	s3 =	sld [smem:$0x3FAC]  }
0x31: {  	[smem:$0x3FB5] =	sst s10  }
0x32: {  	s10 =	sld [smem:$0x3FB3];
	_ =	sdelay $0x3  }
0x33: {  	p0 =	seq.s32 s10, $0x1;
	s10 =	sld [smem:$0x3FB5];
	_ =	sdelay $0x3  }
0x34: {  	[smem:$0x3FB5] =	sst s10  }
0x35: {  	s10 =	sld [smem:$0x3FB4];
	_ =	sdelay $0x3  }
0x36: {  	p1 =	seq.s32 s10, $0x1;
	s10 =	sld [smem:$0x3FB5];
	_ =	sdelay $0x3  }
0x37: {  	[smem:$0x3FB5] =	sst s10  }
0x38: {  	s10 =	sld [smem:$0x3FB6]  }
0x39: {  	_ = 	snop;
	(pc) =	sbr.ind lr, $3  }
0x3a: {  	_ = 	snop  }
0x3b: {  	_ = 	snop  }
0x3c: {  	p2 =	seq.s32 s10, $0x1;
	s10 =	sld [smem:$0x3FB5]  }
0x3d: {  	_ =	shalt  }
0x3e: {  	_ =	shalt  }
0x3f: {  	_ =	shalt  }
0x40: {  	_ =	shalt  }
0x41: {  	_ =	shalt  }
0x42: {  	_ =	shalt  }
0x43: {  	_ =	shalt  }
0x44: {  	_ =	shalt  }
0x45: {  	_ =	shalt  }
0x46: {  	_ =	shalt  }
0x47: {  	_ =	shalt  }
0x48: {  	_ =	shalt  }
0x49: {  	_ =	shalt  }
0x4a: {  	_ =	shalt  }
0x4b: {  	_ =	shalt  }
0x4c: {  	_ =	shalt  }
0x4d: {  	_ =	shalt  }
0x4e: {  	_ =	shalt  }
0x4f: {  	_ =	shalt  }
0x50: {  	_ =	shalt  }
0x51: {  	_ =	shalt  }
0x52: {  	_ =	shalt  }
0x53: {  	_ =	shalt  }
0x54: {  	_ =	shalt  }
0x55: {  	_ =	shalt  }
0x56: {  	_ =	shalt  }
0x57: {  	_ =	shalt  }
0x58: {  	_ =	shalt  }
0x59: {  	_ =	shalt  }
0x5a: {  	_ =	shalt  }
0x5b: {  	_ =	shalt  }
0x5c: {  	_ =	shalt  }
0x5d: {  	_ =	shalt  }
0x5e: {  	_ =	shalt  }
0x5f: {  	_ =	shalt  }
0x60: {  	_ =	shalt  }
0x61: {  	_ =	shalt  }
0x62: {  	_ =	shalt  }
0x63: {  	_ =	shalt  }
0x64: {  	_ =	shalt  }
0x65: {  	_ =	shalt  }
0x66: {  	_ =	shalt  }
0x67: {  	_ =	shalt  }
0x68: {  	_ =	shalt  }
0x69: {  	_ =	shalt  }
0x6a: {  	_ =	shalt  }
0x6b: {  	_ =	shalt  }
0x6c: {  	_ =	shalt  }
0x6d: {  	_ =	shalt  }
0x6e: {  	_ =	shalt  }
0x6f: {  	_ =	shalt  }
0x70: {  	_ =	shalt  }
0x71: {  	_ =	shalt  }
0x72: {  	_ =	shalt  }
0x73: {  	_ =	shalt  }
0x74: {  	_ =	shalt  }
0x75: {  	_ =	shalt  }
0x76: {  	_ =	shalt  }
0x77: {  	_ =	shalt  }
0x78: {  	_ =	shalt  }
0x79: {  	_ =	shalt  }
0x7a: {  	_ =	shalt  }
0x7b: {  	_ =	shalt  }
0x7c: {  	_ =	shalt  }
0x7d: {  	_ =	shalt  }
0x7e: {  	_ =	shalt  }
0x7f: {  	_ =	shalt  }
0x80: {  	_ =	shalt  }
0x81: {  	_ =	shalt  }
0x82: {  	_ =	shalt  }
0x83: {  	_ =	shalt  }
0x84: {  	_ =	shalt  }
0x85: {  	_ =	shalt  }
0x86: {  	_ =	shalt  }
0x87: {  	_ =	shalt  }
.Lfunc_end0:
.L_simem_size_0:
called_computation_lowered:
.L_overlay_start_0:
0x88: {  	s2 =	sld [smem:$0x3FD9]  }
0x89: {  	s3 =	sld [smem:$0x3FFE];
	_ =	sdelay $0x1  }
0x8a: {  	s1 =	srdreg.scid  }
0x8b: {  	s0 =	sand.u32 $0x1, s1  }
0x8c: {  	s14 =	sshll.u32 s0, $0xA;
	s2 =	sadd.s32 s3, s2  }
0x8d: {  	s2 =	sadd.s32 s2, s14  }
0x8e: {  	[smem:$0x3FC1] =	sst s2  }
0x8f: {  	_ = 	snop  }
0x90: {  	s2 =	sld [smem:$0x3FD0];
	_ =	sdelay $0x2  }
0x91: {  	s15 =	simm.s32 $0xA;
	s4 =	simm.s32 $0x10  }
0x92: {  	[smem:s4], [sflag:s15] =	dma.local [hbm:s2], $0x1  }
0x93: {  	_ =	swait.eq [sflag:s15], $0x1  }
0x94: {  	s16 =	sld [smem:$0x10];
	[sflag:s15] =	ssyncset.done $0x0  }
0x95: {  	s17 =	sld [smem:$0x11];
	[sflag:s15] =	ssyncadd.s32 $0xFFFFFFFF  }
0x96: {  	s18 =	sld [smem:$0x12];
	(tm) =	ssettm $0x1  }
0x97: {  	s5 =	sld [smem:$0x3FFB];
	_ =	sdelay $0x3  }
0x98: {  	_ =	strace s5  }
0x99: {  	s5 =	sld [smem:$0x3FFC];
	_ =	sdelay $0x3  }
0x9a: {  	_ =	strace s5  }
0x9b: {  	s5 =	sld [smem:$0x3FFD];
	_ =	sdelay $0x3  }
0x9c: {  	_ =	strace s5  }
0x9d: {  	_ =	strace $0x8FFFFFFF  }
0x9e: {  	s19 =	sld [smem:$0x3FDB];
	_ =	sdelay $0x1  }
0x9f: {  	s6 =	simm.s32 $_scs_section_size  }
0xa0: {  	s7 =	simm.s32 $_size__tile_overlayer_lowered;
	s8 =	simm.s32 $_tile_overlayer_lowered  }
0xa1: {  	s22 =	simm.s32 $0x1BFF;
	s21 =	sshll.u32 s8, $0x1;
	s5 =	sadd.s32 s6, s19  }
0xa2: {  	s9 =	simm.s32 $0x0;
	s20 =	sshll.u32 s7, $0x1;
	s7 =	sadd.s32 s21, s5  }
0xa3: {  	[timem:s9], [sflag:s22] =	dma.local [hbm:s7], s20  }
0xa4: {  	_ =	swait.ge [sflag:s22], s20  }
0xa5: {  	s6 =	ssub.s32 $0x0, s20;
	[sflag:s22] =	ssyncset.done $0x0  }
0xa6: {  	[sflag:s22] =	ssyncadd.s32 s6;
	_ =	sdelay $0x1  }
0xa7: {  	s23 =	simm.s32 $0x1B8B  }
0xa8: {  	_ =	swait.ge [sflag:s23], $0x1  }
0xa9: {  	[sflag:s23] =	ssyncset.done $0x0  }
0xaa: {  	s25 =	simm.s32 $0x1B8E;
	s24 =	sld [smem:$0x3FFE];
	[sflag:s23] =	ssyncadd.s32 $0xFFFFFFFF  }
0xab: {  	s26 =	simm.s32 $execute0_lowered;
	[smem:$0x3FD2] =	sst s25  }
0xac: {  	s7 =	sshll.u32 s26, $0x1;
	_ =	strace $0x80000046;
	[dreg:$0x1] =	wrdreg $0xFFFFFFFF  }
0xad: {  	s28 =	simm.s32 $_size_execute0_lowered;
	s5 =	sadd.s32 s5, s7;
	[dreg:$0x0] =	wrdreg $0x0  }
0xae: {  	s7 =	sshll.u32 s28, $0x1;
	[dreg:$0x2] =	wrdreg s5  }
0xaf: {  	[dreg:$0x3] =	wrdreg s7  }
0xb0: {  	[dreg:$0x4] =	wrdreg $0xC0  }
0xb1: {  	_ =	task [dreg:s9], $0x5FFFF  }
0xb2: {  	[dreg:$0x1] =	wrdreg $0xFFFFFFFF  }
0xb3: {  	[dreg:$0x0] =	wrdreg $0x60  }
0xb4: {  	[dreg:$0x2] =	wrdreg s17  }
0xb5: {  	[dreg:$0x3] =	wrdreg s18  }
0xb6: {  	[dreg:$0x4] =	wrdreg s24  }
0xb7: {  	[dreg:$0x5] =	wrdreg s16  }
0xb8: {  	[dreg:$0x6] =	wrdreg $0x9  }
0xb9: {  	_ =	task.clear_ibuf [dreg:s9], $0x7FFFF;
	_ =	strace $0x90000046  }
0xba: {  	s29 =	simm.s32 $0x9;
	_ =	strace $0x80000048  }
0xbb: {  	_ =	swait.ge [sflag:s29], $0x1  }
0xbc: {  	[sflag:s29] =	ssyncadd.s32 $0xFFFFFFFF  }
0xbd: {  	_ =	strace $0x90000048  }
0xbe: {  	_ =	sfence  }
0xbf: {  	s30 =	sld [smem:$0x0];
	_ =	sdelay $0x2  }
0xc0: {  	s31 =	sshll.u32 s1, $0xD;
	s1 =	sshrl.u32 s1, $0x2  }
0xc1: {  	s3 =	sand.u32 $0x4000, s31;
	s1 =	sadd.s32 s1, s30  }
0xc2: {  	s0 =	sor.u32 s3, s0;
	s1 =	sshll.u32 s1, $0x11  }
0xc3: {  	s0 =	sor.u32 s1, s0  }
0xc4: {  	s0 =	sadd.s32 $0x8F2B, s0  }
0xc5: {  	[sflag:s0] =	ssyncadd.remote.s32 $0x1  }
0xc6: {  	_ =	sfence.sel $0xFFFF  }
0xc7: {  	[dreg:$0x0] =	wrdreg $0xFFFFFFFF;
	(pc) =	sbr.abs _section_cstart, $3  }
0xc8: {  	[dreg:$0x1] =	wrdreg $0xFFFFFFFF  }
0xc9: {  	_ =	task.clear_ibuf [dreg:s9], $0x2FFFF;
	_ =	strace $0x9FFFFFFF  }
0xca: {  	(tm) =	ssettm $0x7FFFFFFF  }
0xcb: {  	_ =	shalt  }
tec
execute0_lowered:
.L_overlay_start_1:
0x0: {  	(tag) =	ssettag $0x1  }
0x1: {  	s5 =	stileid.u32  }
0x2: {  	p0 =	sgt.u32 s5, $0x3  }
.Ltmp0:
0x3: {  	s0 =	rddreg [dreg:$0x0];
	(pc) =	sbr.rel @p0 .LBB2_5-.Ltmp0, $4  }
0x4: {  	s3 =	rddreg [dreg:$0x1]  }
0x5: {  	s4 =	rddreg [dreg:$0x2];
	s2 =	simm.s32 $0x0  }
0x6: {  	[smem:$0x7FF] =	sst s2  }
0x7: {  	s1 =	rddreg [dreg:$0x3];
	_ =	strace $0x80000047  }
0x8: {  	s5 =	srdreg.scid;
	s25 =	stileid.u32;
	s15 =	simm.s32 $0x1  }
0x9: {  	s16 =	simm.s32 $0x80;
	s17 =	simm.s32 $0x6420;
	s18 =	simm.s32 $0x6C40  }
0xa: {  	s20 =	simm.s32 $0xAC40;
	s22 =	simm.s32 $0xEC40;
	s24 =	simm.s32 $0x12C40  }
0xb: {  	s29 =	simm.s32 $0x67A0;
	s7 =	sand.u32 $0x1, s5;
	s5 =	sshll.u32 s25, $0x1  }
0xc: {  	s30 =	simm.s32 $0x6830;
	s31 =	simm.s32 $0x0;
	s8 =	sor.u32 s7, s5  }
0xd: {  	s12 =	ssub.s32 $0x2, s7;
	s5 =	smul.u32 $0x64000, s8;
	s6 =	sshll.u32 s8, $0x4  }
0xe: {  	s9 =	sshll.u32 s8, $0x7;
	s10 =	sshll.u32 s8, $0xE;
	s26 =	sshrl.u32 s12, $0x1  }
0xf: {  	s13 =	smul.u32 $0xC80, s8;
	s3 =	sadd.s32 s3, s6;
	s11 =	sadd.s32 s9, s4  }
0x10: {  	s10 =	sadd.s32 s10, s4;
	s8 =	sadd.s32 s1, s9;
	s28 =	ssub.s32 s12, s26  }
0x11: {  	s12 =	simm.s32 $0x2;
	s5 =	sadd.s32 s5, s4;
	s6 =	sadd.s32 $0x322C00, s10  }
0x12: {  	s4 =	sadd.s32 $0x2, s3;
	s7 =	sadd.s32 $0x324C00, s10;
	s9 =	sadd.s32 $0x342C00, s11  }
0x13: {  	v0 =	vlaneseq.u32;
	v1 =	vimm.s32 $0x0;
	v2 =	vimm.f32 $0.0e+00;
	s10 =	sadd.s32 s0, s13;
	s11 =	smax.u32 s28, $0x1;
	s5 =	sadd.s32 $0x2C00, s5  }
.LBB2_2:
0x14: {  	s0 =	simm.s32 $0x0  }
0x15: {  	[tilespmem:s0], [sflag:$0x2] =	stream.linear.gather [hbm4b:s10+s0], $0x6400, $0x38;
	[tilespmem:$0x16C40] =	vst v63  }
0x16: {  	_ =	swait.ge [sflag:s12], $0x6400  }
0x17: {  	[sflag:s12] =	ssyncset.done $0x0  }
0x18: {  	s1 =	simm.s32 $0x6400;
	[sflag:s12] =	ssyncadd.s32 $0xFFFF9C00  }
0x19: {  	[tilespmem:s1], [sflag:$0x2] =	stream.linear.gather [hbm4b:s3+s0], $0x10, $0x38;
	[tilespmem:$0x16C40] =	vst v63  }
0x1a: {  	_ =	swait.ge [sflag:s12], $0x10  }
0x1b: {  	[sflag:s12] =	ssyncset.done $0x0  }
0x1c: {  	s23 =	simm.s32 $0x6410;
	[sflag:s12] =	ssyncadd.s32 $0xFFFFFFF0  }
0x1d: {  	[tilespmem:s23], [sflag:$0x2] =	stream.linear.gather [hbm4b:s4+s0], $0x10, $0x38;
	[tilespmem:$0x16C40] =	vst v63  }
0x1e: {  	_ =	swait.ge [sflag:s12], $0x10  }
0x1f: {  	[sflag:s12] =	ssyncset.done $0x0  }
0x20: {  	[sflag:s12] =	ssyncadd.s32 $0xFFFFFFF0  }
0x21: {  	v3 =	vld [tilespmem:$0x6400]  }
0x22: {  	v4 =	vld [tilespmem:$0x6410]  }
0x23: {  	v5 =	vld [tilespmem:s0+$0x0];
	_ =	sdelay $0x4  }
0x24: {  	v6 =	vsub.s32 $0x3E8, v4;
	vm0 =	veq.s32 v3, v5  }
0x25: {  	(xrf0) =	vadd.scan.msk.s32 $0xffff, v6;
	v6 =	vsel vm0, $0x1, v1  }
0x26: {  	(xrf0) =	vadd.scan.msk.s32 $0xffff, v6;
	_ =	sdelay $0x3  }
0x27: {  	vm1 =	vlt.s32 v3, v5  }
0x28: {  	v7 =	vmpcnt.ones.xlane vm1;
	v6, _, _ =	vpop (xrf0)  }
0x29: {  	v8, _, _ =	vpop (xrf0)  }
0x2a: {  	(xrf0) =	vadd.scan.msk.s32 $0xffff, v7;
	v7 =	vadd.s32 s0, v8  }
0x2b: {  	vm1 =	vle.s32 v7, v4  }
0x2c: {  	vm0 =	vmand vm0, vm1  }
0x2d: {  	(v2sf) =	vpush v6, $0xF;
	v6 =	vmpcnt.ones.xlane vm0;
	_ =	sdelay $0x1  }
0x2e: {  	(xrf0) =	vadd.scan.msk.s32 $0xffff, v6;
	_ =	sdelay $0x1  }
0x2f: {  	v6, _, _ =	vpop (xrf0)  }
0x30: {  	(v2sf) =	vpush v6, $0xF;
	_ =	sdelay $0x2  }
0x31: {  	v6, _, _ =	vpop (xrf0)  }
0x32: {  	(v2sf) =	vpush v6, $0xF;
	_ =	sdelay $0x5  }
0x33: {  	s25 =	spop (v2sf)  }
0x34: {  	s13 =	sand.u32 $0xF, s25  }
0x35: {  	s14 =	sshra.s32 s25, $0x1F;
	p0 =	slt.s32 s25, $0x1;
	p1 =	sne.s32 s13, $0x0  }
0x36: {  	s26 =	sshrl.u32 s14, $0x1C;
	p0 =	por !p0, !p1  }
0x37: {  	s14 =	simm.s32 $0x1;
	s1 =	sadd.s32 s26, s25;
	p0 =	por !p0, !p0  }
0x38: {  	s1 =	sshra.s32 s1, $0x4;
	s14 =	simm.s32 @!p0 $0x0;
	s19 =	spop (v2sf)  }
0x39: {  	s1 =	ssub.s32 s1, s14;
	s28 =	sand.u32 $0xF, s19;
	s21 =	sshra.s32 s19, $0x1F  }
0x3a: {  	p3 =	slt.s32 s19, $0x1;
	p4 =	sne.s32 s28, $0x0;
	s21 =	sshrl.u32 s21, $0x1C  }
0x3b: {  	s14 =	simm.s32 $0x1;
	p0 =	por !p3, !p4;
	s13 =	sadd.s32 s21, s19  }
0x3c: {  	s19 =	simm.s32 $0x1;
	p0 =	por !p0, !p0;
	s23 =	spop (v2sf)  }
0x3d: {  	s13 =	sshra.s32 s13, $0x4;
	s19 =	simm.s32 @!p0 $0x0;
	s25 =	sand.u32 $0xF, s23  }
0x3e: {  	s26 =	sshra.s32 s23, $0x1F;
	p5 =	slt.s32 s23, $0x1;
	p6 =	sne.s32 s25, $0x0  }
0x3f: {  	v6 =	vmov s1;
	s13 =	ssub.s32 s13, s19;
	s28 =	sshrl.u32 s26, $0x1C;
	p0 =	por !p5, !p6  }
0x40: {  	p1 =	slt.s32 s13, $0x1;
	s1 =	sadd.s32 s28, s23;
	p0 =	por !p0, !p0  }
0x41: {  	v7 =	vor.u32 s0, v0;
	vm1 =	vlt.s32 @!p1 v3, v5;
	s1 =	sshra.s32 s1, $0x4;
	s14 =	simm.s32 @!p0 $0x0  }
0x42: {  	[tilespmem:s0+$0x6420] =	vst.msk @!p1 vm1, v7;
	s14 =	ssub.s32 s1, s14  }
0x43: {  	s19 =	simm.s32 $0x0;
	[tilespmem:s0+$0x6830] =	vst.msk @!p1 vm1, v5;
	p1 =	slt.s32 s14, $0x1  }
0x44: {  	s13 =	sadd.s32 $0x0, s13;
	s1 =	simm.s32 $0x10;
	s14 =	sadd.s32 $0x0, s14;
	[tilespmem:v6+s0+$0x6420 ss:$0x1] =	vst.idx.msk @!p1 vm0, v7  }
.LBB2_3:
0x45: {  	[tilespmem:v6+s0+$0x6830 ss:$0x1] =	vst.idx.msk @!p1 vm0, v5;
	s19 =	sadd.s32 $0x10, s19;
	s21 =	smov.u32 s1;
	s1 =	sadd.s32 $0x10, s1  }
0x46: {  	s23 =	smov.u32 s13;
	s0 =	smov.u32 s14;
	v5 =	vld [tilespmem:s19+$0x0];
	p0 =	sne.s32 s1, $0x6400  }
0x47: {  	_ =	sdelay $0x3  }
0x48: {  	vm0 =	vlt.s32 v3, v5;
	vm1 =	veq.s32 v3, v5  }
0x49: {  	v7 =	vmpcnt.ones.xlane vm0;
	v8 =	vsel vm1, $0x1, v1  }
0x4a: {  	(xrf0) =	vadd.scan.msk.s32 $0xffff, v8  }
0x4b: {  	(xrf0) =	vadd.scan.msk.s32 $0xffff, v7;
	_ =	sdelay $0x4  }
0x4c: {  	v7, _, _ =	vpop (xrf0)  }
0x4d: {  	v7 =	vadd.s32 s14, v7;
	v8, _, _ =	vpop (xrf0)  }
0x4e: {  	vm0 =	vle.s32 v7, v4;
	(v2sf) =	vpush v8, $0xF  }
0x4f: {  	vm0 =	vmand vm1, vm0  }
0x50: {  	v7 =	vmpcnt.ones.xlane vm0;
	_ =	sdelay $0x1  }
0x51: {  	(xrf0) =	vadd.scan.msk.s32 $0xffff, v7;
	_ =	sdelay $0x5  }
0x52: {  	v7, _, _ =	vpop (xrf0)  }
0x53: {  	(v2sf) =	vpush v7, $0xF;
	_ =	sdelay $0x3  }
0x54: {  	s25 =	spop (v2sf)  }
0x55: {  	s26 =	sshra.s32 s25, $0x1F;
	s28 =	sand.u32 $0xF, s25  }
0x56: {  	p1 =	slt.s32 s25, $0x1;
	s26 =	sshrl.u32 s26, $0x1C;
	p2 =	sne.s32 s28, $0x0  }
0x57: {  	s25 =	sadd.s32 s26, s25;
	p1 =	por !p1, !p2  }
0x58: {  	s26 =	simm.s32 $0x1;
	p1 =	por !p1, !p1  }
0x59: {  	s25 =	sshra.s32 s25, $0x4;
	s26 =	simm.s32 @!p1 $0x0  }
0x5a: {  	s25 =	ssub.s32 s25, s26  }
0x5b: {  	p1 =	slt.s32 s25, $0x1;
	s13 =	sadd.s32 s13, s25  }
0x5c: {  	v7 =	vor.u32 s21, v0;
	vm1 =	vlt.s32 @!p1 v3, v5  }
0x5d: {  	[tilespmem:s23+$0x6420] =	vst.msk @!p1 vm1, v7  }
0x5e: {  	[tilespmem:s23+$0x6830] =	vst.msk @!p1 vm1, v5  }
0x5f: {  	s21 =	spop (v2sf)  }
0x60: {  	s23 =	sshra.s32 s21, $0x1F;
	s25 =	sand.u32 $0xF, s21  }
0x61: {  	p1 =	slt.s32 s21, $0x1;
	s23 =	sshrl.u32 s23, $0x1C;
	p2 =	sne.s32 s25, $0x0  }
0x62: {  	s21 =	sadd.s32 s23, s21;
	p1 =	por !p1, !p2  }
.Ltmp1:
0x63: {  	s23 =	simm.s32 $0x1;
	p1 =	por !p1, !p1;
	(pc) =	sbr.rel @p0 .LBB2_3-.Ltmp1, $4  }
0x64: {  	s21 =	sshra.s32 s21, $0x4;
	s23 =	simm.s32 @!p1 $0x0  }
0x65: {  	s21 =	ssub.s32 s21, s23  }
0x66: {  	p1 =	slt.s32 s21, $0x1;
	s14 =	sadd.s32 s14, s21  }
0x67: {  	[tilespmem:v6+s0+$0x6420 ss:$0x1] =	vst.idx.msk @!p1 vm0, v7  }
0x68: {  	_ =	sdelay $0x4  }
0x69: {  	[tilespmem:v6+s0+$0x6830 ss:$0x1] =	vst.idx.msk @!p1 vm0, v5  }
0x6a: {  	[tilespmem:$0x6808] =	vst v1  }
0x6b: {  	[tilespmem:$0x6C18] =	vst v2  }
0x6c: {  	[tilespmem:$0x6810] =	vst v1  }
0x6d: {  	[tilespmem:$0x6C20] =	vst v2  }
0x6e: {  	[tilespmem:s18], [sflag:$0x1] =	stream.indirect.gather [hbm4b:s5+s16], $0x80, s17, s16, $0xb8;
	[tilespmem:$0x16C40] =	vst v63  }
0x6f: {  	s19 =	simm.s32 $0x64A0  }
0x70: {  	[tilespmem:s20], [sflag:$0x1] =	stream.indirect.gather [hbm4b:s5+s16], $0x80, s19, s16, $0xb8;
	[tilespmem:$0x16C40] =	vst v63  }
0x71: {  	s21 =	simm.s32 $0x6520  }
0x72: {  	[tilespmem:s22], [sflag:$0x1] =	stream.indirect.gather [hbm4b:s5+s16], $0x80, s21, s16, $0xb8;
	[tilespmem:$0x16C40] =	vst v63  }
0x73: {  	s23 =	simm.s32 $0x65A0  }
0x74: {  	[tilespmem:s24], [sflag:$0x1] =	stream.indirect.gather [hbm4b:s5+s16], $0x80, s23, s16, $0xb8;
	[tilespmem:$0x16C40] =	vst v63  }
0x75: {  	_ =	swait.ge [sflag:s15], $0x4000  }
0x76: {  	[sflag:s15] =	ssyncset.done $0x0  }
0x77: {  	[sflag:s15] =	ssyncadd.s32 $0xFFFFC000  }
0x78: {  	_ =	swait.ge [sflag:s15], $0x4000  }
0x79: {  	[sflag:s15] =	ssyncset.done $0x0  }
0x7a: {  	[sflag:s15] =	ssyncadd.s32 $0xFFFFC000  }
0x7b: {  	_ =	swait.ge [sflag:s15], $0x4000  }
0x7c: {  	[sflag:s15] =	ssyncset.done $0x0  }
0x7d: {  	[sflag:s15] =	ssyncadd.s32 $0xFFFFC000  }
0x7e: {  	_ =	swait.ge [sflag:s15], $0x4000  }
0x7f: {  	[sflag:s15] =	ssyncset.done $0x0  }
0x80: {  	[sflag:s15] =	ssyncadd.s32 $0xFFFFC000  }
0x81: {  	[hbm4b:s6+s2] =	stream.linear.scatter [tilespmem:s18], [sflag:$0x2], $0x10000, $0x38;
	[tilespmem:$0x16C40] =	vst v63  }
0x82: {  	_ =	swait.ge [sflag:s12], $0x10000  }
0x83: {  	[sflag:s12] =	ssyncset.done $0x0  }
0x84: {  	s25 =	simm.s32 $0x6620;
	[sflag:s12] =	ssyncadd.s32 $0xFFFF0000  }
0x85: {  	[tilespmem:s18], [sflag:$0x1] =	stream.indirect.gather [hbm4b:s5+s16], $0x80, s25, s16, $0xb8;
	[tilespmem:$0x16C40] =	vst v63  }
0x86: {  	s26 =	simm.s32 $0x66A0  }
0x87: {  	[tilespmem:s20], [sflag:$0x1] =	stream.indirect.gather [hbm4b:s5+s16], $0x80, s26, s16, $0xb8;
	[tilespmem:$0x16C40] =	vst v63  }
0x88: {  	s28 =	simm.s32 $0x6720  }
0x89: {  	[tilespmem:s22], [sflag:$0x1] =	stream.indirect.gather [hbm4b:s5+s16], $0x80, s28, s16, $0xb8;
	[tilespmem:$0x16C40] =	vst v63  }
0x8a: {  	_ = 	snop  }
0x8b: {  	[tilespmem:s24], [sflag:$0x1] =	stream.indirect.gather [hbm4b:s5+s16], $0x80, s29, s16, $0xb8;
	[tilespmem:$0x16C40] =	vst v63  }
0x8c: {  	_ =	swait.ge [sflag:s15], $0x4000  }
0x8d: {  	[sflag:s15] =	ssyncset.done $0x0  }
0x8e: {  	[sflag:s15] =	ssyncadd.s32 $0xFFFFC000  }
0x8f: {  	_ =	swait.ge [sflag:s15], $0x4000  }
0x90: {  	[sflag:s15] =	ssyncset.done $0x0  }
0x91: {  	[sflag:s15] =	ssyncadd.s32 $0xFFFFC000  }
0x92: {  	_ =	swait.ge [sflag:s15], $0x4000  }
0x93: {  	[sflag:s15] =	ssyncset.done $0x0  }
0x94: {  	[sflag:s15] =	ssyncadd.s32 $0xFFFFC000  }
0x95: {  	_ =	swait.ge [sflag:s15], $0x4000  }
0x96: {  	[sflag:s15] =	ssyncset.done $0x0  }
0x97: {  	[sflag:s15] =	ssyncadd.s32 $0xFFFFC000  }
0x98: {  	[hbm4b:s7+s2] =	stream.linear.scatter [tilespmem:s18], [sflag:$0x2], $0x10000, $0x38;
	[tilespmem:$0x16C40] =	vst v63  }
0x99: {  	_ =	swait.ge [sflag:s12], $0x10000  }
0x9a: {  	[sflag:s12] =	ssyncset.done $0x0  }
0x9b: {  	[sflag:s12] =	ssyncadd.s32 $0xFFFF0000  }
0x9c: {  	[hbm4b:s8+s2] =	stream.linear.scatter [tilespmem:s17], [sflag:$0x2], $0x400, $0x38;
	[tilespmem:$0x16C40] =	vst v63  }
0x9d: {  	s31 =	sadd.s32 $0x1, s31;
	_ =	swait.ge [sflag:s12], $0x400  }
0x9e: {  	p0 =	sne.s32 s31, s11;
	[sflag:s12] =	ssyncset.done $0x0  }
.Ltmp2:
0x9f: {  	[sflag:s12] =	ssyncadd.s32 $0xFFFFFC00;
	(pc) =	sbr.rel @p0 .LBB2_2-.Ltmp2, $4  }
0xa0: {  	[hbm4b:s9+s2] =	stream.linear.scatter [tilespmem:s30], [sflag:$0x2], $0x400, $0x38;
	[tilespmem:$0x16C40] =	vst v63  }
0xa1: {  	_ =	swait.ge [sflag:s12], $0x400  }
0xa2: {  	[sflag:s12] =	ssyncset.done $0x0  }
0xa3: {  	[sflag:s12] =	ssyncadd.s32 $0xFFFFFC00  }
.LBB2_5:
0xa4: {  	_ =	sfence.sel $0x180000  }
0xa5: {  	[bflag:$0x0] =	sbarrier.arrive $0xFFFF  }
0xa6: {  	_ =	strace $0x90000047  }
0xa7: {  	s0 =	stileid.u32;
	[bflag:$0x2] =	sbarrier.arrive $0xFFFF  }
0xa8: {  	p0 =	sne.s32 s0, $0x0;
	s0 =	rddreg [dreg:$0x4]  }
0xa9: {  	s0 =	sadd.s32 @!p0 $0x100000, s0  }
0xaa: {  	[sflag:s0] =	ssyncadd.tile.s32 @!p0 $0x1;
	_ =	shalt  }
.Lfunc_end2:
_tile_overlayer_lowered:
.L_overlay_start_2:
0xab: {  	(tag) =	ssettag $0x2  }
0xac: {  	s0 =	rddreg [dreg:$0x0];
	s2 =	stileid.u32  }
0xad: {  	s1 =	rddreg [dreg:$0x1];
	p0 =	sne.s32 s2, $0x0  }
0xae: {  	s3 =	rddreg [dreg:$0x2];
	[bflag:$0x3] =	sbarrier.arrive $0xFFFF;
	s2 =	simm.s32 @!p0 $0x1C02  }
0xaf: {  	[timem:s3], [sflag:s2] =	dma.local @!p0 [hbm:s0], s1  }
0xb0: {  	s0 =	simm.s32 @!p0 $0x2  }
0xb1: {  	_ =	swait.ge @!p0 [sflag:s0], s1  }
0xb2: {  	s1 =	ssub.s32 @!p0 $0x0, s1;
	[sflag:s0] =	ssyncset.done @!p0 $0x0  }
0xb3: {  	[sflag:s0] =	ssyncadd.s32 @!p0 s1  }
0xb4: {  	[bflag:$0x3] =	sbarrier.arrive $0xFFFF  }
0xb5: {  	_ =	shalt  }

</sc_bundles>
